<compile_context>
chip_gen: v7x
topology: tpu7x:2x2x1
jax: 0.10.2.dev20260603
libtpu: 0.0.44.dev20260713+nightly
codegen_flags: <defaults>
</compile_context>

<pallas_src>
import functools

import jax
import jax.numpy as jnp
from jax import lax
from jax.experimental import pallas as pl
from jax.experimental.pallas import tpu as pltpu
from jax.experimental.pallas import tpu_sc as plsc

N = 10000
D = 128
E = 160000

NC = 2
NS = 16

E_PAD = 163840
ROWS_PER_TILE = E_PAD // (NS * 128)
CHUNK = ROWS_PER_TILE // 2
N_PAD = 10112
ACC_ROWS_PER_TILE = N_PAD // NS


@functools.cache
def _make_agg():
  mesh = plsc.VectorSubcoreMesh(core_axis_name="c", subcore_axis_name="s")

  NBUF = 2
  scratch = (
      [pltpu.VMEM((CHUNK, 128), jnp.int32)] * 2
      + [pltpu.VMEM((128, D), jnp.float32)] * NBUF
      + [pltpu.VMEM_SHARED((N_PAD, D), jnp.float32)]
      + [pltpu.SemaphoreType.DMA] * NBUF
  )

  @functools.partial(
      pl.kernel, mesh=mesh,
      out_type=jax.ShapeDtypeStruct((NC, N_PAD, D), jnp.float32),
      scratch_types=scratch,
  )
  def agg(x_hbm, src_hbm, dst_hbm, zeros_hbm, out_hbm,
          src_v, dst_v, *bufs_and_sems):
    rows = bufs_and_sems[:NBUF]
    acc_sh = bufs_and_sems[NBUF]
    sems = bufs_and_sems[NBUF + 1:]
    c = lax.axis_index("c")
    s = lax.axis_index("s")
    arow = s * ACC_ROWS_PER_TILE

    pltpu.sync_copy(zeros_hbm.at[pl.ds(arow, ACC_ROWS_PER_TILE)],
                    acc_sh.at[pl.ds(arow, ACC_ROWS_PER_TILE)])

    plsc.subcore_barrier()

    for chunk in range(ROWS_PER_TILE // CHUNK):
      base = s * ROWS_PER_TILE + chunk * CHUNK
      pltpu.sync_copy(src_hbm.at[c, pl.ds(base, CHUNK)], src_v)
      pltpu.sync_copy(dst_hbm.at[c, pl.ds(base, CHUNK)], dst_v)

      for b in range(NBUF):
        pltpu.async_copy(x_hbm.at[src_v.at[b]], rows[b], sems[b])

      def substep(j, buf, sem):
        pltpu.make_async_copy(x_hbm.at[src_v.at[j]], buf, sem).wait()
        pltpu.sync_copy(buf, acc_sh.at[dst_v.at[j]], add=True)

        @pl.when(j + NBUF < CHUNK)
        def _():
          pltpu.async_copy(x_hbm.at[src_v.at[j + NBUF]], buf, sem)

      def body(i, carry):
        for b in range(NBUF):
          substep(NBUF * i + b, rows[b], sems[b])
        return carry

      lax.fori_loop(0, CHUNK // NBUF, body, 0)

    plsc.subcore_barrier()

    pltpu.sync_copy(acc_sh.at[pl.ds(arow, ACC_ROWS_PER_TILE)],
                    out_hbm.at[c, pl.ds(arow, ACC_ROWS_PER_TILE)])

  return agg


@functools.cache
def _make_deg():
  mesh = plsc.VectorSubcoreMesh(core_axis_name="c", subcore_axis_name="s")

  scratch = [
      pltpu.VMEM((ROWS_PER_TILE, 128), jnp.int32),
      pltpu.VMEM((128, D), jnp.float32),
      pltpu.VMEM_SHARED((N_PAD, D), jnp.float32),
  ]

  @functools.partial(
      pl.kernel, mesh=mesh,
      out_type=jax.ShapeDtypeStruct((NC, N_PAD, D), jnp.float32),
      scratch_types=scratch)
  def deg(dst_hbm, zeros_hbm, ones_hbm, out_hbm, dst_v, ones_v, acc_sh):
    c = lax.axis_index("c")
    s = lax.axis_index("s")
    arow = s * ACC_ROWS_PER_TILE

    pltpu.sync_copy(zeros_hbm.at[pl.ds(arow, ACC_ROWS_PER_TILE)],
                    acc_sh.at[pl.ds(arow, ACC_ROWS_PER_TILE)])
    pltpu.sync_copy(ones_hbm, ones_v)

    base = s * ROWS_PER_TILE
    pltpu.sync_copy(dst_hbm.at[c, pl.ds(base, ROWS_PER_TILE)], dst_v)

    plsc.subcore_barrier()

    def body(j, carry):
      pltpu.sync_copy(ones_v, acc_sh.at[dst_v.at[j]], add=True)
      return carry

    lax.fori_loop(0, ROWS_PER_TILE, body, 0)

    plsc.subcore_barrier()

    pltpu.sync_copy(acc_sh.at[pl.ds(arow, ACC_ROWS_PER_TILE)],
                    out_hbm.at[c, pl.ds(arow, ACC_ROWS_PER_TILE)])

  return deg


BR = 2528


def _dense_body(x_ref, m_ref, d_ref,
                ws_hf_ref, wn_hf_ref, b_hf_ref,
                ws_tt_ref, wn_tt_ref, b_tt_ref, out_ref):
  x = x_ref[...]

  def rel(r, ws_ref, wn_ref, b_ref):
    mean = m_ref[r] / jnp.maximum(d_ref[r], 1.0)
    pre = (jnp.dot(x, ws_ref[...], preferred_element_type=jnp.float32)
           + jnp.dot(mean, wn_ref[...], preferred_element_type=jnp.float32)
           + b_ref[...])
    return jnp.maximum(pre, 0.0)

  out_ref[...] = (rel(0, ws_hf_ref, wn_hf_ref, b_hf_ref)
                  + rel(1, ws_tt_ref, wn_tt_ref, b_tt_ref))


def _dense(x, m, d, ws_hf, wn_hf, b_hf, ws_tt, wn_tt, b_tt):
  grid = (N_PAD // BR,)
  row_blk = pl.BlockSpec((BR, D), lambda i: (i, 0))
  part_blk = pl.BlockSpec((NC, BR, D), lambda i: (0, i, 0))
  w_blk = pl.BlockSpec((D, D), lambda i: (0, 0))
  b_blk = pl.BlockSpec((1, D), lambda i: (0, 0))
  return pl.pallas_call(
      _dense_body,
      grid=grid,
      in_specs=[row_blk, part_blk, part_blk,
                w_blk, w_blk, b_blk, w_blk, w_blk, b_blk],
      out_specs=row_blk,
      out_shape=jax.ShapeDtypeStruct((N_PAD, D), jnp.float32),
  )(x, m, d, ws_hf, wn_hf, b_hf.reshape(1, D),
    ws_tt, wn_tt, b_tt.reshape(1, D))


def _prep_edges(ei):
  pad = E_PAD - E
  src = jnp.concatenate([ei[0], jnp.zeros((pad,), jnp.int32)])
  dst = jnp.concatenate([ei[1], jnp.full((pad,), N, jnp.int32)])
  return src.reshape(E_PAD // 128, 128), dst.reshape(E_PAD // 128, 128)


def kernel(h, edge_index_hf, edge_index_tt,
           Ws_0_hf, Wn_0_hf, b_0_hf, Ws_0_tt, Wn_0_tt, b_0_tt,
           Ws_1_hf, Wn_1_hf, b_1_hf, Ws_1_tt, Wn_1_tt, b_1_tt,
           Ws_2_hf, Wn_2_hf, b_2_hf, Ws_2_tt, Wn_2_tt, b_2_tt):
  src_hf, dst_hf = _prep_edges(edge_index_hf)
  src_tt, dst_tt = _prep_edges(edge_index_tt)
  src = jnp.stack([src_hf, src_tt])
  dst = jnp.stack([dst_hf, dst_tt])

  zeros = jnp.zeros((N_PAD, D), jnp.float32)
  ones_tile = jnp.ones((128, D), jnp.float32)

  agg = _make_agg()
  deg_k = _make_deg()

  x = jnp.concatenate([h, jnp.zeros((N_PAD - N, D), jnp.float32)])

  d = deg_k(dst, zeros, ones_tile)

  for (ws_hf, wn_hf, b_hf, ws_tt, wn_tt, b_tt) in [
      (Ws_0_hf, Wn_0_hf, b_0_hf, Ws_0_tt, Wn_0_tt, b_0_tt),
      (Ws_1_hf, Wn_1_hf, b_1_hf, Ws_1_tt, Wn_1_tt, b_1_tt),
      (Ws_2_hf, Wn_2_hf, b_2_hf, Ws_2_tt, Wn_2_tt, b_2_tt),
  ]:
    m = agg(x, src, dst, zeros)
    x = _dense(x, m, d, ws_hf, wn_hf, b_hf, ws_tt, wn_tt, b_tt)

  return x[:N]

# --- scband reference (transcript-rebuilt; emitter-appended) ---
"""Pipeline reference for scband-hgcn-76063870812433 (READ-ONLY COPY).

The authoritative reference and input builder live on the scoring server;
editing this copy changes nothing except your own understanding.
"""

import jax, jax.numpy as jnp
import numpy as np

N = 10000
E = 160000
D = 128

def setup_inputs(seed: int = 0):
    key = jax.random.key(seed)
    inp = {}
    inp["h"] = jax.random.normal(jax.random.fold_in(key, 0), (N, D), dtype=jnp.float32)
    inp["edge_index_hf"] = jax.random.randint(jax.random.fold_in(key, 1), (2, E), 0, N, dtype=jnp.int32)
    inp["edge_index_tt"] = jax.random.randint(jax.random.fold_in(key, 2), (2, E), 0, N, dtype=jnp.int32)
    i = 3
    for l in range(3):
        for r in ("hf", "tt"):
            inp["Ws_%d_%s" % (l, r)] = jax.random.normal(jax.random.fold_in(key, i), (D, D), dtype=jnp.float32) * 0.05
            i += 1
            inp["Wn_%d_%s" % (l, r)] = jax.random.normal(jax.random.fold_in(key, i), (D, D), dtype=jnp.float32) * 0.05
            i += 1
            inp["b_%d_%s" % (l, r)] = jnp.zeros((D,), dtype=jnp.float32)
    return inp

def _sage(x, e, Ws, Wn, b):
    # DGL SAGEConv, aggregator_type='mean', feat_drop=0, activation=relu
    src = e[0]
    dst = e[1]
    msum = jax.ops.segment_sum(x[src], dst, num_segments=N)
    deg = jax.ops.segment_sum(jnp.ones((e.shape[1],), jnp.float32), dst, num_segments=N)
    mean = msum / jnp.clip(deg, 1.0, None)[:, None]
    return jax.nn.relu(x @ Ws + mean @ Wn + b)

def _forward(h, params, ei_hf, ei_tt):
    # HeteroGraphConv with aggregate='sum' over the two relations, 3 layers
    x = h
    ei = {"hf": ei_hf, "tt": ei_tt}
    for l in range(3):
        out = jnp.zeros_like(x)
        for r in ("hf", "tt"):
            out = out + _sage(x, ei[r], params["Ws_%d_%s" % (l, r)], params["Wn_%d_%s" % (l, r)], params["b_%d_%s" % (l, r)])
        x = out
    return x

def reference(h, edge_index_hf, edge_index_tt,
              Ws_0_hf, Wn_0_hf, b_0_hf, Ws_0_tt, Wn_0_tt, b_0_tt,
              Ws_1_hf, Wn_1_hf, b_1_hf, Ws_1_tt, Wn_1_tt, b_1_tt,
              Ws_2_hf, Wn_2_hf, b_2_hf, Ws_2_tt, Wn_2_tt, b_2_tt):
    params = {
        "Ws_0_hf": Ws_0_hf, "Wn_0_hf": Wn_0_hf, "b_0_hf": b_0_hf,
        "Ws_0_tt": Ws_0_tt, "Wn_0_tt": Wn_0_tt, "b_0_tt": b_0_tt,
        "Ws_1_hf": Ws_1_hf, "Wn_1_hf": Wn_1_hf, "b_1_hf": b_1_hf,
        "Ws_1_tt": Ws_1_tt, "Wn_1_tt": Wn_1_tt, "b_1_tt": b_1_tt,
        "Ws_2_hf": Ws_2_hf, "Wn_2_hf": Wn_2_hf, "b_2_hf": b_2_hf,
        "Ws_2_tt": Ws_2_tt, "Wn_2_tt": Wn_2_tt, "b_2_tt": b_2_tt,
    }
    return _forward(h, params, edge_index_hf, edge_index_tt)

if __name__ == "__main__":
    import jax
    _d = setup_inputs()
    print(jax.jit(kernel)(*tuple(_d.values())))

</pallas_src>

<mosaic_0001>
#map = affine_map<(d0, d1) -> (0, 0)>
#map1 = affine_map<(d0, d1) -> (0, 0, 0)>
module attributes {stable_mosaic.version = 14 : i64} {
  func.func @agg(%arg0: i32, %arg1: i32, %arg2: memref<10112x128xf32, #tpu.memory_space<hbm>>, %arg3: memref<2x1280x128xi32, #tpu.memory_space<hbm>>, %arg4: memref<2x1280x128xi32, #tpu.memory_space<hbm>>, %arg5: memref<10112x128xf32, #tpu.memory_space<hbm>>, %arg6: memref<2x10112x128xf32, #tpu.memory_space<hbm>>, %arg7: memref<40x128xi32, #tpu.memory_space<vmem>>, %arg8: memref<40x128xi32, #tpu.memory_space<vmem>>, %arg9: memref<128x128xf32, #tpu.memory_space<vmem>>, %arg10: memref<128x128xf32, #tpu.memory_space<vmem>>, %arg11: memref<10112x128xf32, #tpu.memory_space<vmem_shared>>, %arg12: memref<!tpu.dma_semaphore, #tpu.memory_space<semaphore_mem>>, %arg13: memref<!tpu.dma_semaphore, #tpu.memory_space<semaphore_mem>>) attributes {dimension_semantics = [#tpu.dimension_semantics<core_parallel>, #tpu.dimension_semantics<subcore_parallel>], iteration_bounds = array<i64: 2, 16>, scalar_prefetch = 0 : i64, scratch_operands = 7 : i64, tpu.core_type = #tpu.core_type<sc_vector_subcore>, window_params = [{transform_indices = #map}, {transform_indices = #map1}, {transform_indices = #map1}, {transform_indices = #map}, {transform_indices = #map1}]} {
    %mul3A = arith.constant 632 : i32
    %mul3A_0 = arith.muli %arg1, %mul3A : i32
    "tpu.region"() ({
      %run_scoped3A = tpu.sem_alloc : memref<!tpu.dma_semaphore, #tpu.memory_space<semaphore_mem>>
      %dma_start3A_47 = arith.constant 0 : i32
      %dma_start3A_48 = tpu.memref_slice %arg11[%mul3A_0, %dma_start3A_47] : memref<10112x128xf32, #tpu.memory_space<vmem_shared>> -> memref<632x128xf32, #tpu.memory_space<vmem_shared>>
      %dma_start3A_49 = arith.constant 0 : i32
      %dma_start3A_50 = tpu.memref_slice %arg5[%mul3A_0, %dma_start3A_49] : memref<10112x128xf32, #tpu.memory_space<hbm>> -> memref<632x128xf32, #tpu.memory_space<hbm>>
      tpu.enqueue_dma source(%dma_start3A_50 : memref<632x128xf32, #tpu.memory_space<hbm>>) target(%dma_start3A_48 : memref<632x128xf32, #tpu.memory_space<vmem_shared>>) target_semaphore(%run_scoped3A : memref<!tpu.dma_semaphore, #tpu.memory_space<semaphore_mem>>)
      %dma_wait3A = arith.constant 0 : i32
      %dma_wait3A_51 = tpu.memref_slice %arg11[%mul3A_0, %dma_wait3A] : memref<10112x128xf32, #tpu.memory_space<vmem_shared>> -> memref<632x128xf32, #tpu.memory_space<vmem_shared>>
      %dma_wait3A_52 = arith.constant 0 : i32
      %dma_wait3A_53 = tpu.memref_slice %arg5[%mul3A_0, %dma_wait3A_52] : memref<10112x128xf32, #tpu.memory_space<hbm>> -> memref<632x128xf32, #tpu.memory_space<hbm>>
      tpu.wait_dma2 semaphore(%run_scoped3A : memref<!tpu.dma_semaphore, #tpu.memory_space<semaphore_mem>>) src(%dma_wait3A_53 : memref<632x128xf32, #tpu.memory_space<hbm>>) dst(%dma_wait3A_51 : memref<632x128xf32, #tpu.memory_space<vmem_shared>>)
      tpu.yield
    }) : () -> ()
    %barrier3A = arith.constant 0 : index
    tpu.barrier barrier_id(%barrier3A)
    %mul3A_1 = arith.constant 80 : i32
    %mul3A_2 = arith.muli %arg1, %mul3A_1 : i32
    %add3A = arith.constant 0 : i32
    %add3A_3 = arith.addi %mul3A_2, %add3A : i32
    "tpu.region"() ({
      %run_scoped3A = tpu.sem_alloc : memref<!tpu.dma_semaphore, #tpu.memory_space<semaphore_mem>>
      %dma_start3A_47 = arith.constant 0 : i32
      %dma_start3A_48 = tpu.memref_slice %arg3[%arg0, %add3A_3, %dma_start3A_47] : memref<2x1280x128xi32, #tpu.memory_space<hbm>> -> memref<1x40x128xi32, #tpu.memory_space<hbm>>
      %dma_start3A_49 = tpu.memref_squeeze %dma_start3A_48 : memref<1x40x128xi32, #tpu.memory_space<hbm>> -> memref<40x128xi32, #tpu.memory_space<hbm>>
      %dma_start3A_50 = arith.constant 0 : i32
      %dma_start3A_51 = tpu.memref_slice %arg3[%arg0, %add3A_3, %dma_start3A_50] : memref<2x1280x128xi32, #tpu.memory_space<hbm>> -> memref<1x40x128xi32, #tpu.memory_space<hbm>>
      %dma_start3A_52 = tpu.memref_squeeze %dma_start3A_51 : memref<1x40x128xi32, #tpu.memory_space<hbm>> -> memref<40x128xi32, #tpu.memory_space<hbm>>
      tpu.enqueue_dma source(%dma_start3A_52 : memref<40x128xi32, #tpu.memory_space<hbm>>) target(%arg7 : memref<40x128xi32, #tpu.memory_space<vmem>>) target_semaphore(%run_scoped3A : memref<!tpu.dma_semaphore, #tpu.memory_space<semaphore_mem>>)
      %dma_wait3A = arith.constant 0 : i32
      %dma_wait3A_53 = tpu.memref_slice %arg3[%arg0, %add3A_3, %dma_wait3A] : memref<2x1280x128xi32, #tpu.memory_space<hbm>> -> memref<1x40x128xi32, #tpu.memory_space<hbm>>
      %dma_wait3A_54 = tpu.memref_squeeze %dma_wait3A_53 : memref<1x40x128xi32, #tpu.memory_space<hbm>> -> memref<40x128xi32, #tpu.memory_space<hbm>>
      %dma_wait3A_55 = arith.constant 0 : i32
      %dma_wait3A_56 = tpu.memref_slice %arg3[%arg0, %add3A_3, %dma_wait3A_55] : memref<2x1280x128xi32, #tpu.memory_space<hbm>> -> memref<1x40x128xi32, #tpu.memory_space<hbm>>
      %dma_wait3A_57 = tpu.memref_squeeze %dma_wait3A_56 : memref<1x40x128xi32, #tpu.memory_space<hbm>> -> memref<40x128xi32, #tpu.memory_space<hbm>>
      tpu.wait_dma2 semaphore(%run_scoped3A : memref<!tpu.dma_semaphore, #tpu.memory_space<semaphore_mem>>) src(%dma_wait3A_57 : memref<40x128xi32, #tpu.memory_space<hbm>>) dst(%arg7 : memref<40x128xi32, #tpu.memory_space<vmem>>)
      tpu.yield
    }) : () -> ()
    "tpu.region"() ({
      %run_scoped3A = tpu.sem_alloc : memref<!tpu.dma_semaphore, #tpu.memory_space<semaphore_mem>>
      %dma_start3A_47 = arith.constant 0 : i32
      %dma_start3A_48 = tpu.memref_slice %arg4[%arg0, %add3A_3, %dma_start3A_47] : memref<2x1280x128xi32, #tpu.memory_space<hbm>> -> memref<1x40x128xi32, #tpu.memory_space<hbm>>
      %dma_start3A_49 = tpu.memref_squeeze %dma_start3A_48 : memref<1x40x128xi32, #tpu.memory_space<hbm>> -> memref<40x128xi32, #tpu.memory_space<hbm>>
      %dma_start3A_50 = arith.constant 0 : i32
      %dma_start3A_51 = tpu.memref_slice %arg4[%arg0, %add3A_3, %dma_start3A_50] : memref<2x1280x128xi32, #tpu.memory_space<hbm>> -> memref<1x40x128xi32, #tpu.memory_space<hbm>>
      %dma_start3A_52 = tpu.memref_squeeze %dma_start3A_51 : memref<1x40x128xi32, #tpu.memory_space<hbm>> -> memref<40x128xi32, #tpu.memory_space<hbm>>
      tpu.enqueue_dma source(%dma_start3A_52 : memref<40x128xi32, #tpu.memory_space<hbm>>) target(%arg8 : memref<40x128xi32, #tpu.memory_space<vmem>>) target_semaphore(%run_scoped3A : memref<!tpu.dma_semaphore, #tpu.memory_space<semaphore_mem>>)
      %dma_wait3A = arith.constant 0 : i32
      %dma_wait3A_53 = tpu.memref_slice %arg4[%arg0, %add3A_3, %dma_wait3A] : memref<2x1280x128xi32, #tpu.memory_space<hbm>> -> memref<1x40x128xi32, #tpu.memory_space<hbm>>
      %dma_wait3A_54 = tpu.memref_squeeze %dma_wait3A_53 : memref<1x40x128xi32, #tpu.memory_space<hbm>> -> memref<40x128xi32, #tpu.memory_space<hbm>>
      %dma_wait3A_55 = arith.constant 0 : i32
      %dma_wait3A_56 = tpu.memref_slice %arg4[%arg0, %add3A_3, %dma_wait3A_55] : memref<2x1280x128xi32, #tpu.memory_space<hbm>> -> memref<1x40x128xi32, #tpu.memory_space<hbm>>
      %dma_wait3A_57 = tpu.memref_squeeze %dma_wait3A_56 : memref<1x40x128xi32, #tpu.memory_space<hbm>> -> memref<40x128xi32, #tpu.memory_space<hbm>>
      tpu.wait_dma2 semaphore(%run_scoped3A : memref<!tpu.dma_semaphore, #tpu.memory_space<semaphore_mem>>) src(%dma_wait3A_57 : memref<40x128xi32, #tpu.memory_space<hbm>>) dst(%arg8 : memref<40x128xi32, #tpu.memory_space<vmem>>)
      tpu.yield
    }) : () -> ()
    %dma_start3A = arith.constant 0 : i32
    %dma_start3A_4 = arith.constant 0 : i32
    %dma_start3A_5 = tpu.memref_slice %arg7[%dma_start3A, %dma_start3A_4] : memref<40x128xi32, #tpu.memory_space<vmem>> -> memref<1x128xi32, #tpu.memory_space<vmem>>
    %dma_start3A_6 = tpu.memref_squeeze %dma_start3A_5 : memref<1x128xi32, #tpu.memory_space<vmem>> -> memref<128xi32, #tpu.memory_space<vmem>>
    %dma_start3A_7 = arith.constant 0 : i32
    %dma_start3A_8 = arith.constant 0 : i32
    %dma_start3A_9 = tpu.memref_slice %arg2[%dma_start3A_7, %dma_start3A_8] : memref<10112x128xf32, #tpu.memory_space<hbm>> -> memref<10112x128xf32, #tpu.memory_space<hbm>>
    tpu.enqueue_indirect_dma source(%dma_start3A_9 : memref<10112x128xf32, #tpu.memory_space<hbm>>) target(%arg9 : memref<128x128xf32, #tpu.memory_space<vmem>>) offsets(%dma_start3A_6 : memref<128xi32, #tpu.memory_space<vmem>>) semaphore(%arg12 : memref<!tpu.dma_semaphore, #tpu.memory_space<semaphore_mem>>)
    %dma_start3A_10 = arith.constant 1 : i32
    %dma_start3A_11 = arith.constant 0 : i32
    %dma_start3A_12 = tpu.memref_slice %arg7[%dma_start3A_10, %dma_start3A_11] : memref<40x128xi32, #tpu.memory_space<vmem>> -> memref<1x128xi32, #tpu.memory_space<vmem>>
    %dma_start3A_13 = tpu.memref_squeeze %dma_start3A_12 : memref<1x128xi32, #tpu.memory_space<vmem>> -> memref<128xi32, #tpu.memory_space<vmem>>
    %dma_start3A_14 = arith.constant 0 : i32
    %dma_start3A_15 = arith.constant 0 : i32
    %dma_start3A_16 = tpu.memref_slice %arg2[%dma_start3A_14, %dma_start3A_15] : memref<10112x128xf32, #tpu.memory_space<hbm>> -> memref<10112x128xf32, #tpu.memory_space<hbm>>
    tpu.enqueue_indirect_dma source(%dma_start3A_16 : memref<10112x128xf32, #tpu.memory_space<hbm>>) target(%arg10 : memref<128x128xf32, #tpu.memory_space<vmem>>) offsets(%dma_start3A_13 : memref<128xi32, #tpu.memory_space<vmem>>) semaphore(%arg13 : memref<!tpu.dma_semaphore, #tpu.memory_space<semaphore_mem>>)
    %scan3A = arith.constant 0 : i32
    %scan3A_17 = arith.constant 0 : i32
    %scan3A_18 = arith.constant 20 : i32
    %scan3A_19 = arith.addi %scan3A_17, %scan3A_18 : i32
    %scan3A_20 = arith.constant 1 : i32
    scf.for %scan3A_47 = %scan3A_17 to %scan3A_19 step %scan3A_20  : i32 {
      %mul3A_48 = arith.constant 2 : i32
      %mul3A_49 = arith.muli %mul3A_48, %scan3A_47 : i32
      %add3A_50 = arith.constant 0 : i32
      %add3A_51 = arith.addi %mul3A_49, %add3A_50 : i32
      %dma_wait3A = arith.constant 0 : i32
      %dma_wait3A_52 = tpu.memref_slice %arg7[%add3A_51, %dma_wait3A] : memref<40x128xi32, #tpu.memory_space<vmem>> -> memref<1x128xi32, #tpu.memory_space<vmem>>
      %dma_wait3A_53 = tpu.memref_squeeze %dma_wait3A_52 : memref<1x128xi32, #tpu.memory_space<vmem>> -> memref<128xi32, #tpu.memory_space<vmem>>
      %dma_wait3A_54 = arith.constant 0 : i32
      %dma_wait3A_55 = arith.constant 0 : i32
      %dma_wait3A_56 = tpu.memref_slice %arg2[%dma_wait3A_54, %dma_wait3A_55] : memref<10112x128xf32, #tpu.memory_space<hbm>> -> memref<10112x128xf32, #tpu.memory_space<hbm>>
      tpu.wait_indirect_dma semaphore(%arg12 : memref<!tpu.dma_semaphore, #tpu.memory_space<semaphore_mem>>) src(%dma_wait3A_56 : memref<10112x128xf32, #tpu.memory_space<hbm>>) dst(%arg9 : memref<128x128xf32, #tpu.memory_space<vmem>>)
      "tpu.region"() ({
        %run_scoped3A = tpu.sem_alloc : memref<!tpu.dma_semaphore, #tpu.memory_space<semaphore_mem>>
        %dma_start3A_78 = arith.constant 0 : i32
        %dma_start3A_79 = tpu.memref_slice %arg8[%add3A_51, %dma_start3A_78] : memref<40x128xi32, #tpu.memory_space<vmem>> -> memref<1x128xi32, #tpu.memory_space<vmem>>
        %dma_start3A_80 = tpu.memref_squeeze %dma_start3A_79 : memref<1x128xi32, #tpu.memory_space<vmem>> -> memref<128xi32, #tpu.memory_space<vmem>>
        %dma_start3A_81 = arith.constant 0 : i32
        %dma_start3A_82 = arith.constant 0 : i32
        %dma_start3A_83 = tpu.memref_slice %arg11[%dma_start3A_81, %dma_start3A_82] : memref<10112x128xf32, #tpu.memory_space<vmem_shared>> -> memref<10112x128xf32, #tpu.memory_space<vmem_shared>>
        tpu.enqueue_indirect_dma source(%arg9 : memref<128x128xf32, #tpu.memory_space<vmem>>) target(%dma_start3A_83 : memref<10112x128xf32, #tpu.memory_space<vmem_shared>>) offsets(%dma_start3A_80 : memref<128xi32, #tpu.memory_space<vmem>>) semaphore(%run_scoped3A : memref<!tpu.dma_semaphore, #tpu.memory_space<semaphore_mem>>) {add = true}
        %dma_wait3A_84 = arith.constant 0 : i32
        %dma_wait3A_85 = tpu.memref_slice %arg8[%add3A_51, %dma_wait3A_84] : memref<40x128xi32, #tpu.memory_space<vmem>> -> memref<1x128xi32, #tpu.memory_space<vmem>>
        %dma_wait3A_86 = tpu.memref_squeeze %dma_wait3A_85 : memref<1x128xi32, #tpu.memory_space<vmem>> -> memref<128xi32, #tpu.memory_space<vmem>>
        %dma_wait3A_87 = arith.constant 0 : i32
        %dma_wait3A_88 = arith.constant 0 : i32
        %dma_wait3A_89 = tpu.memref_slice %arg11[%dma_wait3A_87, %dma_wait3A_88] : memref<10112x128xf32, #tpu.memory_space<vmem_shared>> -> memref<10112x128xf32, #tpu.memory_space<vmem_shared>>
        tpu.wait_indirect_dma semaphore(%run_scoped3A : memref<!tpu.dma_semaphore, #tpu.memory_space<semaphore_mem>>) src(%arg9 : memref<128x128xf32, #tpu.memory_space<vmem>>) dst(%dma_wait3A_89 : memref<10112x128xf32, #tpu.memory_space<vmem_shared>>)
        tpu.yield
      }) : () -> ()
      %add3A_57 = arith.constant 2 : i32
      %add3A_58 = arith.addi %add3A_51, %add3A_57 : i32
      %lt3A = arith.constant 40 : i32
      %lt3A_59 = arith.cmpi slt, %add3A_58, %lt3A : i32
      %convert_element_type3A = arith.extui %lt3A_59 : i1 to i32
      %cond3A = arith.constant 0 : i32
      %cond3A_60 = arith.cmpi ne, %convert_element_type3A, %cond3A : i32
      scf.if %cond3A_60 {
        %add3A_78 = arith.constant 2 : i32
        %add3A_79 = arith.addi %add3A_51, %add3A_78 : i32
        %dma_start3A_80 = arith.constant 0 : i32
        %dma_start3A_81 = tpu.memref_slice %arg7[%add3A_79, %dma_start3A_80] : memref<40x128xi32, #tpu.memory_space<vmem>> -> memref<1x128xi32, #tpu.memory_space<vmem>>
        %dma_start3A_82 = tpu.memref_squeeze %dma_start3A_81 : memref<1x128xi32, #tpu.memory_space<vmem>> -> memref<128xi32, #tpu.memory_space<vmem>>
        %dma_start3A_83 = arith.constant 0 : i32
        %dma_start3A_84 = arith.constant 0 : i32
        %dma_start3A_85 = tpu.memref_slice %arg2[%dma_start3A_83, %dma_start3A_84] : memref<10112x128xf32, #tpu.memory_space<hbm>> -> memref<10112x128xf32, #tpu.memory_space<hbm>>
        tpu.enqueue_indirect_dma source(%dma_start3A_85 : memref<10112x128xf32, #tpu.memory_space<hbm>>) target(%arg9 : memref<128x128xf32, #tpu.memory_space<vmem>>) offsets(%dma_start3A_82 : memref<128xi32, #tpu.memory_space<vmem>>) semaphore(%arg12 : memref<!tpu.dma_semaphore, #tpu.memory_space<semaphore_mem>>)
      } else {
      }
      %mul3A_61 = arith.constant 2 : i32
      %mul3A_62 = arith.muli %mul3A_61, %scan3A_47 : i32
      %add3A_63 = arith.constant 1 : i32
      %add3A_64 = arith.addi %mul3A_62, %add3A_63 : i32
      %dma_wait3A_65 = arith.constant 0 : i32
      %dma_wait3A_66 = tpu.memref_slice %arg7[%add3A_64, %dma_wait3A_65] : memref<40x128xi32, #tpu.memory_space<vmem>> -> memref<1x128xi32, #tpu.memory_space<vmem>>
      %dma_wait3A_67 = tpu.memref_squeeze %dma_wait3A_66 : memref<1x128xi32, #tpu.memory_space<vmem>> -> memref<128xi32, #tpu.memory_space<vmem>>
      %dma_wait3A_68 = arith.constant 0 : i32
      %dma_wait3A_69 = arith.constant 0 : i32
      %dma_wait3A_70 = tpu.memref_slice %arg2[%dma_wait3A_68, %dma_wait3A_69] : memref<10112x128xf32, #tpu.memory_space<hbm>> -> memref<10112x128xf32, #tpu.memory_space<hbm>>
      tpu.wait_indirect_dma semaphore(%arg13 : memref<!tpu.dma_semaphore, #tpu.memory_space<semaphore_mem>>) src(%dma_wait3A_70 : memref<10112x128xf32, #tpu.memory_space<hbm>>) dst(%arg10 : memref<128x128xf32, #tpu.memory_space<vmem>>)
      "tpu.region"() ({
        %run_scoped3A = tpu.sem_alloc : memref<!tpu.dma_semaphore, #tpu.memory_space<semaphore_mem>>
        %dma_start3A_78 = arith.constant 0 : i32
        %dma_start3A_79 = tpu.memref_slice %arg8[%add3A_64, %dma_start3A_78] : memref<40x128xi32, #tpu.memory_space<vmem>> -> memref<1x128xi32, #tpu.memory_space<vmem>>
        %dma_start3A_80 = tpu.memref_squeeze %dma_start3A_79 : memref<1x128xi32, #tpu.memory_space<vmem>> -> memref<128xi32, #tpu.memory_space<vmem>>
        %dma_start3A_81 = arith.constant 0 : i32
        %dma_start3A_82 = arith.constant 0 : i32
        %dma_start3A_83 = tpu.memref_slice %arg11[%dma_start3A_81, %dma_start3A_82] : memref<10112x128xf32, #tpu.memory_space<vmem_shared>> -> memref<10112x128xf32, #tpu.memory_space<vmem_shared>>
        tpu.enqueue_indirect_dma source(%arg10 : memref<128x128xf32, #tpu.memory_space<vmem>>) target(%dma_start3A_83 : memref<10112x128xf32, #tpu.memory_space<vmem_shared>>) offsets(%dma_start3A_80 : memref<128xi32, #tpu.memory_space<vmem>>) semaphore(%run_scoped3A : memref<!tpu.dma_semaphore, #tpu.memory_space<semaphore_mem>>) {add = true}
        %dma_wait3A_84 = arith.constant 0 : i32
        %dma_wait3A_85 = tpu.memref_slice %arg8[%add3A_64, %dma_wait3A_84] : memref<40x128xi32, #tpu.memory_space<vmem>> -> memref<1x128xi32, #tpu.memory_space<vmem>>
        %dma_wait3A_86 = tpu.memref_squeeze %dma_wait3A_85 : memref<1x128xi32, #tpu.memory_space<vmem>> -> memref<128xi32, #tpu.memory_space<vmem>>
        %dma_wait3A_87 = arith.constant 0 : i32
        %dma_wait3A_88 = arith.constant 0 : i32
        %dma_wait3A_89 = tpu.memref_slice %arg11[%dma_wait3A_87, %dma_wait3A_88] : memref<10112x128xf32, #tpu.memory_space<vmem_shared>> -> memref<10112x128xf32, #tpu.memory_space<vmem_shared>>
        tpu.wait_indirect_dma semaphore(%run_scoped3A : memref<!tpu.dma_semaphore, #tpu.memory_space<semaphore_mem>>) src(%arg10 : memref<128x128xf32, #tpu.memory_space<vmem>>) dst(%dma_wait3A_89 : memref<10112x128xf32, #tpu.memory_space<vmem_shared>>)
        tpu.yield
      }) : () -> ()
      %add3A_71 = arith.constant 2 : i32
      %add3A_72 = arith.addi %add3A_64, %add3A_71 : i32
      %lt3A_73 = arith.constant 40 : i32
      %lt3A_74 = arith.cmpi slt, %add3A_72, %lt3A_73 : i32
      %convert_element_type3A_75 = arith.extui %lt3A_74 : i1 to i32
      %cond3A_76 = arith.constant 0 : i32
      %cond3A_77 = arith.cmpi ne, %convert_element_type3A_75, %cond3A_76 : i32
      scf.if %cond3A_77 {
        %add3A_78 = arith.constant 2 : i32
        %add3A_79 = arith.addi %add3A_64, %add3A_78 : i32
        %dma_start3A_80 = arith.constant 0 : i32
        %dma_start3A_81 = tpu.memref_slice %arg7[%add3A_79, %dma_start3A_80] : memref<40x128xi32, #tpu.memory_space<vmem>> -> memref<1x128xi32, #tpu.memory_space<vmem>>
        %dma_start3A_82 = tpu.memref_squeeze %dma_start3A_81 : memref<1x128xi32, #tpu.memory_space<vmem>> -> memref<128xi32, #tpu.memory_space<vmem>>
        %dma_start3A_83 = arith.constant 0 : i32
        %dma_start3A_84 = arith.constant 0 : i32
        %dma_start3A_85 = tpu.memref_slice %arg2[%dma_start3A_83, %dma_start3A_84] : memref<10112x128xf32, #tpu.memory_space<hbm>> -> memref<10112x128xf32, #tpu.memory_space<hbm>>
        tpu.enqueue_indirect_dma source(%dma_start3A_85 : memref<10112x128xf32, #tpu.memory_space<hbm>>) target(%arg10 : memref<128x128xf32, #tpu.memory_space<vmem>>) offsets(%dma_start3A_82 : memref<128xi32, #tpu.memory_space<vmem>>) semaphore(%arg13 : memref<!tpu.dma_semaphore, #tpu.memory_space<semaphore_mem>>)
      } else {
      }
    }
    %scan3A_21 = arith.constant 20 : i32
    %mul3A_22 = arith.constant 80 : i32
    %mul3A_23 = arith.muli %arg1, %mul3A_22 : i32
    %add3A_24 = arith.constant 40 : i32
    %add3A_25 = arith.addi %mul3A_23, %add3A_24 : i32
    "tpu.region"() ({
      %run_scoped3A = tpu.sem_alloc : memref<!tpu.dma_semaphore, #tpu.memory_space<semaphore_mem>>
      %dma_start3A_47 = arith.constant 0 : i32
      %dma_start3A_48 = tpu.memref_slice %arg3[%arg0, %add3A_25, %dma_start3A_47] : memref<2x1280x128xi32, #tpu.memory_space<hbm>> -> memref<1x40x128xi32, #tpu.memory_space<hbm>>
      %dma_start3A_49 = tpu.memref_squeeze %dma_start3A_48 : memref<1x40x128xi32, #tpu.memory_space<hbm>> -> memref<40x128xi32, #tpu.memory_space<hbm>>
      %dma_start3A_50 = arith.constant 0 : i32
      %dma_start3A_51 = tpu.memref_slice %arg3[%arg0, %add3A_25, %dma_start3A_50] : memref<2x1280x128xi32, #tpu.memory_space<hbm>> -> memref<1x40x128xi32, #tpu.memory_space<hbm>>
      %dma_start3A_52 = tpu.memref_squeeze %dma_start3A_51 : memref<1x40x128xi32, #tpu.memory_space<hbm>> -> memref<40x128xi32, #tpu.memory_space<hbm>>
      tpu.enqueue_dma source(%dma_start3A_52 : memref<40x128xi32, #tpu.memory_space<hbm>>) target(%arg7 : memref<40x128xi32, #tpu.memory_space<vmem>>) target_semaphore(%run_scoped3A : memref<!tpu.dma_semaphore, #tpu.memory_space<semaphore_mem>>)
      %dma_wait3A = arith.constant 0 : i32
      %dma_wait3A_53 = tpu.memref_slice %arg3[%arg0, %add3A_25, %dma_wait3A] : memref<2x1280x128xi32, #tpu.memory_space<hbm>> -> memref<1x40x128xi32, #tpu.memory_space<hbm>>
      %dma_wait3A_54 = tpu.memref_squeeze %dma_wait3A_53 : memref<1x40x128xi32, #tpu.memory_space<hbm>> -> memref<40x128xi32, #tpu.memory_space<hbm>>
      %dma_wait3A_55 = arith.constant 0 : i32
      %dma_wait3A_56 = tpu.memref_slice %arg3[%arg0, %add3A_25, %dma_wait3A_55] : memref<2x1280x128xi32, #tpu.memory_space<hbm>> -> memref<1x40x128xi32, #tpu.memory_space<hbm>>
      %dma_wait3A_57 = tpu.memref_squeeze %dma_wait3A_56 : memref<1x40x128xi32, #tpu.memory_space<hbm>> -> memref<40x128xi32, #tpu.memory_space<hbm>>
      tpu.wait_dma2 semaphore(%run_scoped3A : memref<!tpu.dma_semaphore, #tpu.memory_space<semaphore_mem>>) src(%dma_wait3A_57 : memref<40x128xi32, #tpu.memory_space<hbm>>) dst(%arg7 : memref<40x128xi32, #tpu.memory_space<vmem>>)
      tpu.yield
    }) : () -> ()
    "tpu.region"() ({
      %run_scoped3A = tpu.sem_alloc : memref<!tpu.dma_semaphore, #tpu.memory_space<semaphore_mem>>
      %dma_start3A_47 = arith.constant 0 : i32
      %dma_start3A_48 = tpu.memref_slice %arg4[%arg0, %add3A_25, %dma_start3A_47] : memref<2x1280x128xi32, #tpu.memory_space<hbm>> -> memref<1x40x128xi32, #tpu.memory_space<hbm>>
      %dma_start3A_49 = tpu.memref_squeeze %dma_start3A_48 : memref<1x40x128xi32, #tpu.memory_space<hbm>> -> memref<40x128xi32, #tpu.memory_space<hbm>>
      %dma_start3A_50 = arith.constant 0 : i32
      %dma_start3A_51 = tpu.memref_slice %arg4[%arg0, %add3A_25, %dma_start3A_50] : memref<2x1280x128xi32, #tpu.memory_space<hbm>> -> memref<1x40x128xi32, #tpu.memory_space<hbm>>
      %dma_start3A_52 = tpu.memref_squeeze %dma_start3A_51 : memref<1x40x128xi32, #tpu.memory_space<hbm>> -> memref<40x128xi32, #tpu.memory_space<hbm>>
      tpu.enqueue_dma source(%dma_start3A_52 : memref<40x128xi32, #tpu.memory_space<hbm>>) target(%arg8 : memref<40x128xi32, #tpu.memory_space<vmem>>) target_semaphore(%run_scoped3A : memref<!tpu.dma_semaphore, #tpu.memory_space<semaphore_mem>>)
      %dma_wait3A = arith.constant 0 : i32
      %dma_wait3A_53 = tpu.memref_slice %arg4[%arg0, %add3A_25, %dma_wait3A] : memref<2x1280x128xi32, #tpu.memory_space<hbm>> -> memref<1x40x128xi32, #tpu.memory_space<hbm>>
      %dma_wait3A_54 = tpu.memref_squeeze %dma_wait3A_53 : memref<1x40x128xi32, #tpu.memory_space<hbm>> -> memref<40x128xi32, #tpu.memory_space<hbm>>
      %dma_wait3A_55 = arith.constant 0 : i32
      %dma_wait3A_56 = tpu.memref_slice %arg4[%arg0, %add3A_25, %dma_wait3A_55] : memref<2x1280x128xi32, #tpu.memory_space<hbm>> -> memref<1x40x128xi32, #tpu.memory_space<hbm>>
      %dma_wait3A_57 = tpu.memref_squeeze %dma_wait3A_56 : memref<1x40x128xi32, #tpu.memory_space<hbm>> -> memref<40x128xi32, #tpu.memory_space<hbm>>
      tpu.wait_dma2 semaphore(%run_scoped3A : memref<!tpu.dma_semaphore, #tpu.memory_space<semaphore_mem>>) src(%dma_wait3A_57 : memref<40x128xi32, #tpu.memory_space<hbm>>) dst(%arg8 : memref<40x128xi32, #tpu.memory_space<vmem>>)
      tpu.yield
    }) : () -> ()
    %dma_start3A_26 = arith.constant 0 : i32
    %dma_start3A_27 = arith.constant 0 : i32
    %dma_start3A_28 = tpu.memref_slice %arg7[%dma_start3A_26, %dma_start3A_27] : memref<40x128xi32, #tpu.memory_space<vmem>> -> memref<1x128xi32, #tpu.memory_space<vmem>>
    %dma_start3A_29 = tpu.memref_squeeze %dma_start3A_28 : memref<1x128xi32, #tpu.memory_space<vmem>> -> memref<128xi32, #tpu.memory_space<vmem>>
    %dma_start3A_30 = arith.constant 0 : i32
    %dma_start3A_31 = arith.constant 0 : i32
    %dma_start3A_32 = tpu.memref_slice %arg2[%dma_start3A_30, %dma_start3A_31] : memref<10112x128xf32, #tpu.memory_space<hbm>> -> memref<10112x128xf32, #tpu.memory_space<hbm>>
    tpu.enqueue_indirect_dma source(%dma_start3A_32 : memref<10112x128xf32, #tpu.memory_space<hbm>>) target(%arg9 : memref<128x128xf32, #tpu.memory_space<vmem>>) offsets(%dma_start3A_29 : memref<128xi32, #tpu.memory_space<vmem>>) semaphore(%arg12 : memref<!tpu.dma_semaphore, #tpu.memory_space<semaphore_mem>>)
    %dma_start3A_33 = arith.constant 1 : i32
    %dma_start3A_34 = arith.constant 0 : i32
    %dma_start3A_35 = tpu.memref_slice %arg7[%dma_start3A_33, %dma_start3A_34] : memref<40x128xi32, #tpu.memory_space<vmem>> -> memref<1x128xi32, #tpu.memory_space<vmem>>
    %dma_start3A_36 = tpu.memref_squeeze %dma_start3A_35 : memref<1x128xi32, #tpu.memory_space<vmem>> -> memref<128xi32, #tpu.memory_space<vmem>>
    %dma_start3A_37 = arith.constant 0 : i32
    %dma_start3A_38 = arith.constant 0 : i32
    %dma_start3A_39 = tpu.memref_slice %arg2[%dma_start3A_37, %dma_start3A_38] : memref<10112x128xf32, #tpu.memory_space<hbm>> -> memref<10112x128xf32, #tpu.memory_space<hbm>>
    tpu.enqueue_indirect_dma source(%dma_start3A_39 : memref<10112x128xf32, #tpu.memory_space<hbm>>) target(%arg10 : memref<128x128xf32, #tpu.memory_space<vmem>>) offsets(%dma_start3A_36 : memref<128xi32, #tpu.memory_space<vmem>>) semaphore(%arg13 : memref<!tpu.dma_semaphore, #tpu.memory_space<semaphore_mem>>)
    %scan3A_40 = arith.constant 0 : i32
    %scan3A_41 = arith.constant 0 : i32
    %scan3A_42 = arith.constant 20 : i32
    %scan3A_43 = arith.addi %scan3A_41, %scan3A_42 : i32
    %scan3A_44 = arith.constant 1 : i32
    scf.for %scan3A_47 = %scan3A_41 to %scan3A_43 step %scan3A_44  : i32 {
      %mul3A_48 = arith.constant 2 : i32
      %mul3A_49 = arith.muli %mul3A_48, %scan3A_47 : i32
      %add3A_50 = arith.constant 0 : i32
      %add3A_51 = arith.addi %mul3A_49, %add3A_50 : i32
      %dma_wait3A = arith.constant 0 : i32
      %dma_wait3A_52 = tpu.memref_slice %arg7[%add3A_51, %dma_wait3A] : memref<40x128xi32, #tpu.memory_space<vmem>> -> memref<1x128xi32, #tpu.memory_space<vmem>>
      %dma_wait3A_53 = tpu.memref_squeeze %dma_wait3A_52 : memref<1x128xi32, #tpu.memory_space<vmem>> -> memref<128xi32, #tpu.memory_space<vmem>>
      %dma_wait3A_54 = arith.constant 0 : i32
      %dma_wait3A_55 = arith.constant 0 : i32
      %dma_wait3A_56 = tpu.memref_slice %arg2[%dma_wait3A_54, %dma_wait3A_55] : memref<10112x128xf32, #tpu.memory_space<hbm>> -> memref<10112x128xf32, #tpu.memory_space<hbm>>
      tpu.wait_indirect_dma semaphore(%arg12 : memref<!tpu.dma_semaphore, #tpu.memory_space<semaphore_mem>>) src(%dma_wait3A_56 : memref<10112x128xf32, #tpu.memory_space<hbm>>) dst(%arg9 : memref<128x128xf32, #tpu.memory_space<vmem>>)
      "tpu.region"() ({
        %run_scoped3A = tpu.sem_alloc : memref<!tpu.dma_semaphore, #tpu.memory_space<semaphore_mem>>
        %dma_start3A_78 = arith.constant 0 : i32
        %dma_start3A_79 = tpu.memref_slice %arg8[%add3A_51, %dma_start3A_78] : memref<40x128xi32, #tpu.memory_space<vmem>> -> memref<1x128xi32, #tpu.memory_space<vmem>>
        %dma_start3A_80 = tpu.memref_squeeze %dma_start3A_79 : memref<1x128xi32, #tpu.memory_space<vmem>> -> memref<128xi32, #tpu.memory_space<vmem>>
        %dma_start3A_81 = arith.constant 0 : i32
        %dma_start3A_82 = arith.constant 0 : i32
        %dma_start3A_83 = tpu.memref_slice %arg11[%dma_start3A_81, %dma_start3A_82] : memref<10112x128xf32, #tpu.memory_space<vmem_shared>> -> memref<10112x128xf32, #tpu.memory_space<vmem_shared>>
        tpu.enqueue_indirect_dma source(%arg9 : memref<128x128xf32, #tpu.memory_space<vmem>>) target(%dma_start3A_83 : memref<10112x128xf32, #tpu.memory_space<vmem_shared>>) offsets(%dma_start3A_80 : memref<128xi32, #tpu.memory_space<vmem>>) semaphore(%run_scoped3A : memref<!tpu.dma_semaphore, #tpu.memory_space<semaphore_mem>>) {add = true}
        %dma_wait3A_84 = arith.constant 0 : i32
        %dma_wait3A_85 = tpu.memref_slice %arg8[%add3A_51, %dma_wait3A_84] : memref<40x128xi32, #tpu.memory_space<vmem>> -> memref<1x128xi32, #tpu.memory_space<vmem>>
        %dma_wait3A_86 = tpu.memref_squeeze %dma_wait3A_85 : memref<1x128xi32, #tpu.memory_space<vmem>> -> memref<128xi32, #tpu.memory_space<vmem>>
        %dma_wait3A_87 = arith.constant 0 : i32
        %dma_wait3A_88 = arith.constant 0 : i32
        %dma_wait3A_89 = tpu.memref_slice %arg11[%dma_wait3A_87, %dma_wait3A_88] : memref<10112x128xf32, #tpu.memory_space<vmem_shared>> -> memref<10112x128xf32, #tpu.memory_space<vmem_shared>>
        tpu.wait_indirect_dma semaphore(%run_scoped3A : memref<!tpu.dma_semaphore, #tpu.memory_space<semaphore_mem>>) src(%arg9 : memref<128x128xf32, #tpu.memory_space<vmem>>) dst(%dma_wait3A_89 : memref<10112x128xf32, #tpu.memory_space<vmem_shared>>)
        tpu.yield
      }) : () -> ()
      %add3A_57 = arith.constant 2 : i32
      %add3A_58 = arith.addi %add3A_51, %add3A_57 : i32
      %lt3A = arith.constant 40 : i32
      %lt3A_59 = arith.cmpi slt, %add3A_58, %lt3A : i32
      %convert_element_type3A = arith.extui %lt3A_59 : i1 to i32
      %cond3A = arith.constant 0 : i32
      %cond3A_60 = arith.cmpi ne, %convert_element_type3A, %cond3A : i32
      scf.if %cond3A_60 {
        %add3A_78 = arith.constant 2 : i32
        %add3A_79 = arith.addi %add3A_51, %add3A_78 : i32
        %dma_start3A_80 = arith.constant 0 : i32
        %dma_start3A_81 = tpu.memref_slice %arg7[%add3A_79, %dma_start3A_80] : memref<40x128xi32, #tpu.memory_space<vmem>> -> memref<1x128xi32, #tpu.memory_space<vmem>>
        %dma_start3A_82 = tpu.memref_squeeze %dma_start3A_81 : memref<1x128xi32, #tpu.memory_space<vmem>> -> memref<128xi32, #tpu.memory_space<vmem>>
        %dma_start3A_83 = arith.constant 0 : i32
        %dma_start3A_84 = arith.constant 0 : i32
        %dma_start3A_85 = tpu.memref_slice %arg2[%dma_start3A_83, %dma_start3A_84] : memref<10112x128xf32, #tpu.memory_space<hbm>> -> memref<10112x128xf32, #tpu.memory_space<hbm>>
        tpu.enqueue_indirect_dma source(%dma_start3A_85 : memref<10112x128xf32, #tpu.memory_space<hbm>>) target(%arg9 : memref<128x128xf32, #tpu.memory_space<vmem>>) offsets(%dma_start3A_82 : memref<128xi32, #tpu.memory_space<vmem>>) semaphore(%arg12 : memref<!tpu.dma_semaphore, #tpu.memory_space<semaphore_mem>>)
      } else {
      }
      %mul3A_61 = arith.constant 2 : i32
      %mul3A_62 = arith.muli %mul3A_61, %scan3A_47 : i32
      %add3A_63 = arith.constant 1 : i32
      %add3A_64 = arith.addi %mul3A_62, %add3A_63 : i32
      %dma_wait3A_65 = arith.constant 0 : i32
      %dma_wait3A_66 = tpu.memref_slice %arg7[%add3A_64, %dma_wait3A_65] : memref<40x128xi32, #tpu.memory_space<vmem>> -> memref<1x128xi32, #tpu.memory_space<vmem>>
      %dma_wait3A_67 = tpu.memref_squeeze %dma_wait3A_66 : memref<1x128xi32, #tpu.memory_space<vmem>> -> memref<128xi32, #tpu.memory_space<vmem>>
      %dma_wait3A_68 = arith.constant 0 : i32
      %dma_wait3A_69 = arith.constant 0 : i32
      %dma_wait3A_70 = tpu.memref_slice %arg2[%dma_wait3A_68, %dma_wait3A_69] : memref<10112x128xf32, #tpu.memory_space<hbm>> -> memref<10112x128xf32, #tpu.memory_space<hbm>>
      tpu.wait_indirect_dma semaphore(%arg13 : memref<!tpu.dma_semaphore, #tpu.memory_space<semaphore_mem>>) src(%dma_wait3A_70 : memref<10112x128xf32, #tpu.memory_space<hbm>>) dst(%arg10 : memref<128x128xf32, #tpu.memory_space<vmem>>)
      "tpu.region"() ({
        %run_scoped3A = tpu.sem_alloc : memref<!tpu.dma_semaphore, #tpu.memory_space<semaphore_mem>>
        %dma_start3A_78 = arith.constant 0 : i32
        %dma_start3A_79 = tpu.memref_slice %arg8[%add3A_64, %dma_start3A_78] : memref<40x128xi32, #tpu.memory_space<vmem>> -> memref<1x128xi32, #tpu.memory_space<vmem>>
        %dma_start3A_80 = tpu.memref_squeeze %dma_start3A_79 : memref<1x128xi32, #tpu.memory_space<vmem>> -> memref<128xi32, #tpu.memory_space<vmem>>
        %dma_start3A_81 = arith.constant 0 : i32
        %dma_start3A_82 = arith.constant 0 : i32
        %dma_start3A_83 = tpu.memref_slice %arg11[%dma_start3A_81, %dma_start3A_82] : memref<10112x128xf32, #tpu.memory_space<vmem_shared>> -> memref<10112x128xf32, #tpu.memory_space<vmem_shared>>
        tpu.enqueue_indirect_dma source(%arg10 : memref<128x128xf32, #tpu.memory_space<vmem>>) target(%dma_start3A_83 : memref<10112x128xf32, #tpu.memory_space<vmem_shared>>) offsets(%dma_start3A_80 : memref<128xi32, #tpu.memory_space<vmem>>) semaphore(%run_scoped3A : memref<!tpu.dma_semaphore, #tpu.memory_space<semaphore_mem>>) {add = true}
        %dma_wait3A_84 = arith.constant 0 : i32
        %dma_wait3A_85 = tpu.memref_slice %arg8[%add3A_64, %dma_wait3A_84] : memref<40x128xi32, #tpu.memory_space<vmem>> -> memref<1x128xi32, #tpu.memory_space<vmem>>
        %dma_wait3A_86 = tpu.memref_squeeze %dma_wait3A_85 : memref<1x128xi32, #tpu.memory_space<vmem>> -> memref<128xi32, #tpu.memory_space<vmem>>
        %dma_wait3A_87 = arith.constant 0 : i32
        %dma_wait3A_88 = arith.constant 0 : i32
        %dma_wait3A_89 = tpu.memref_slice %arg11[%dma_wait3A_87, %dma_wait3A_88] : memref<10112x128xf32, #tpu.memory_space<vmem_shared>> -> memref<10112x128xf32, #tpu.memory_space<vmem_shared>>
        tpu.wait_indirect_dma semaphore(%run_scoped3A : memref<!tpu.dma_semaphore, #tpu.memory_space<semaphore_mem>>) src(%arg10 : memref<128x128xf32, #tpu.memory_space<vmem>>) dst(%dma_wait3A_89 : memref<10112x128xf32, #tpu.memory_space<vmem_shared>>)
        tpu.yield
      }) : () -> ()
      %add3A_71 = arith.constant 2 : i32
      %add3A_72 = arith.addi %add3A_64, %add3A_71 : i32
      %lt3A_73 = arith.constant 40 : i32
      %lt3A_74 = arith.cmpi slt, %add3A_72, %lt3A_73 : i32
      %convert_element_type3A_75 = arith.extui %lt3A_74 : i1 to i32
      %cond3A_76 = arith.constant 0 : i32
      %cond3A_77 = arith.cmpi ne, %convert_element_type3A_75, %cond3A_76 : i32
      scf.if %cond3A_77 {
        %add3A_78 = arith.constant 2 : i32
        %add3A_79 = arith.addi %add3A_64, %add3A_78 : i32
        %dma_start3A_80 = arith.constant 0 : i32
        %dma_start3A_81 = tpu.memref_slice %arg7[%add3A_79, %dma_start3A_80] : memref<40x128xi32, #tpu.memory_space<vmem>> -> memref<1x128xi32, #tpu.memory_space<vmem>>
        %dma_start3A_82 = tpu.memref_squeeze %dma_start3A_81 : memref<1x128xi32, #tpu.memory_space<vmem>> -> memref<128xi32, #tpu.memory_space<vmem>>
        %dma_start3A_83 = arith.constant 0 : i32
        %dma_start3A_84 = arith.constant 0 : i32
        %dma_start3A_85 = tpu.memref_slice %arg2[%dma_start3A_83, %dma_start3A_84] : memref<10112x128xf32, #tpu.memory_space<hbm>> -> memref<10112x128xf32, #tpu.memory_space<hbm>>
        tpu.enqueue_indirect_dma source(%dma_start3A_85 : memref<10112x128xf32, #tpu.memory_space<hbm>>) target(%arg10 : memref<128x128xf32, #tpu.memory_space<vmem>>) offsets(%dma_start3A_82 : memref<128xi32, #tpu.memory_space<vmem>>) semaphore(%arg13 : memref<!tpu.dma_semaphore, #tpu.memory_space<semaphore_mem>>)
      } else {
      }
    }
    %scan3A_45 = arith.constant 20 : i32
    %barrier3A_46 = arith.constant 0 : index
    tpu.barrier barrier_id(%barrier3A_46)
    "tpu.region"() ({
      %run_scoped3A = tpu.sem_alloc : memref<!tpu.dma_semaphore, #tpu.memory_space<semaphore_mem>>
      %dma_start3A_47 = arith.constant 0 : i32
      %dma_start3A_48 = tpu.memref_slice %arg6[%arg0, %mul3A_0, %dma_start3A_47] : memref<2x10112x128xf32, #tpu.memory_space<hbm>> -> memref<1x632x128xf32, #tpu.memory_space<hbm>>
      %dma_start3A_49 = tpu.memref_squeeze %dma_start3A_48 : memref<1x632x128xf32, #tpu.memory_space<hbm>> -> memref<632x128xf32, #tpu.memory_space<hbm>>
      %dma_start3A_50 = arith.constant 0 : i32
      %dma_start3A_51 = tpu.memref_slice %arg11[%mul3A_0, %dma_start3A_50] : memref<10112x128xf32, #tpu.memory_space<vmem_shared>> -> memref<632x128xf32, #tpu.memory_space<vmem_shared>>
      tpu.enqueue_dma source(%dma_start3A_51 : memref<632x128xf32, #tpu.memory_space<vmem_shared>>) target(%dma_start3A_49 : memref<632x128xf32, #tpu.memory_space<hbm>>) target_semaphore(%run_scoped3A : memref<!tpu.dma_semaphore, #tpu.memory_space<semaphore_mem>>)
      %dma_wait3A = arith.constant 0 : i32
      %dma_wait3A_52 = tpu.memref_slice %arg6[%arg0, %mul3A_0, %dma_wait3A] : memref<2x10112x128xf32, #tpu.memory_space<hbm>> -> memref<1x632x128xf32, #tpu.memory_space<hbm>>
      %dma_wait3A_53 = tpu.memref_squeeze %dma_wait3A_52 : memref<1x632x128xf32, #tpu.memory_space<hbm>> -> memref<632x128xf32, #tpu.memory_space<hbm>>
      %dma_wait3A_54 = arith.constant 0 : i32
      %dma_wait3A_55 = tpu.memref_slice %arg11[%mul3A_0, %dma_wait3A_54] : memref<10112x128xf32, #tpu.memory_space<vmem_shared>> -> memref<632x128xf32, #tpu.memory_space<vmem_shared>>
      tpu.wait_dma2 semaphore(%run_scoped3A : memref<!tpu.dma_semaphore, #tpu.memory_space<semaphore_mem>>) src(%dma_wait3A_55 : memref<632x128xf32, #tpu.memory_space<vmem_shared>>) dst(%dma_wait3A_53 : memref<632x128xf32, #tpu.memory_space<hbm>>)
      tpu.yield
    }) : () -> ()
    return
  }
}

#map = affine_map<(d0, d1) -> (0, 0, 0)>
#map1 = affine_map<(d0, d1) -> (0, 0)>
module attributes {stable_mosaic.version = 14 : i64} {
  func.func @deg(%arg0: i32, %arg1: i32, %arg2: memref<2x1280x128xi32, #tpu.memory_space<hbm>>, %arg3: memref<10112x128xf32, #tpu.memory_space<hbm>>, %arg4: memref<128x128xf32, #tpu.memory_space<hbm>>, %arg5: memref<2x10112x128xf32, #tpu.memory_space<hbm>>, %arg6: memref<80x128xi32, #tpu.memory_space<vmem>>, %arg7: memref<128x128xf32, #tpu.memory_space<vmem>>, %arg8: memref<10112x128xf32, #tpu.memory_space<vmem_shared>>) attributes {dimension_semantics = [#tpu.dimension_semantics<core_parallel>, #tpu.dimension_semantics<subcore_parallel>], iteration_bounds = array<i64: 2, 16>, scalar_prefetch = 0 : i64, scratch_operands = 3 : i64, tpu.core_type = #tpu.core_type<sc_vector_subcore>, window_params = [{transform_indices = #map}, {transform_indices = #map1}, {transform_indices = #map1}, {transform_indices = #map}]} {
    %mul3A = arith.constant 632 : i32
    %mul3A_0 = arith.muli %arg1, %mul3A : i32
    "tpu.region"() ({
      %run_scoped3A = tpu.sem_alloc : memref<!tpu.dma_semaphore, #tpu.memory_space<semaphore_mem>>
      %dma_start3A = arith.constant 0 : i32
      %dma_start3A_9 = tpu.memref_slice %arg8[%mul3A_0, %dma_start3A] : memref<10112x128xf32, #tpu.memory_space<vmem_shared>> -> memref<632x128xf32, #tpu.memory_space<vmem_shared>>
      %dma_start3A_10 = arith.constant 0 : i32
      %dma_start3A_11 = tpu.memref_slice %arg3[%mul3A_0, %dma_start3A_10] : memref<10112x128xf32, #tpu.memory_space<hbm>> -> memref<632x128xf32, #tpu.memory_space<hbm>>
      tpu.enqueue_dma source(%dma_start3A_11 : memref<632x128xf32, #tpu.memory_space<hbm>>) target(%dma_start3A_9 : memref<632x128xf32, #tpu.memory_space<vmem_shared>>) target_semaphore(%run_scoped3A : memref<!tpu.dma_semaphore, #tpu.memory_space<semaphore_mem>>)
      %dma_wait3A = arith.constant 0 : i32
      %dma_wait3A_12 = tpu.memref_slice %arg8[%mul3A_0, %dma_wait3A] : memref<10112x128xf32, #tpu.memory_space<vmem_shared>> -> memref<632x128xf32, #tpu.memory_space<vmem_shared>>
      %dma_wait3A_13 = arith.constant 0 : i32
      %dma_wait3A_14 = tpu.memref_slice %arg3[%mul3A_0, %dma_wait3A_13] : memref<10112x128xf32, #tpu.memory_space<hbm>> -> memref<632x128xf32, #tpu.memory_space<hbm>>
      tpu.wait_dma2 semaphore(%run_scoped3A : memref<!tpu.dma_semaphore, #tpu.memory_space<semaphore_mem>>) src(%dma_wait3A_14 : memref<632x128xf32, #tpu.memory_space<hbm>>) dst(%dma_wait3A_12 : memref<632x128xf32, #tpu.memory_space<vmem_shared>>)
      tpu.yield
    }) : () -> ()
    "tpu.region"() ({
      %run_scoped3A = tpu.sem_alloc : memref<!tpu.dma_semaphore, #tpu.memory_space<semaphore_mem>>
      tpu.enqueue_dma source(%arg4 : memref<128x128xf32, #tpu.memory_space<hbm>>) target(%arg7 : memref<128x128xf32, #tpu.memory_space<vmem>>) target_semaphore(%run_scoped3A : memref<!tpu.dma_semaphore, #tpu.memory_space<semaphore_mem>>)
      tpu.wait_dma2 semaphore(%run_scoped3A : memref<!tpu.dma_semaphore, #tpu.memory_space<semaphore_mem>>) src(%arg4 : memref<128x128xf32, #tpu.memory_space<hbm>>) dst(%arg7 : memref<128x128xf32, #tpu.memory_space<vmem>>)
      tpu.yield
    }) : () -> ()
    %mul3A_1 = arith.constant 80 : i32
    %mul3A_2 = arith.muli %arg1, %mul3A_1 : i32
    "tpu.region"() ({
      %run_scoped3A = tpu.sem_alloc : memref<!tpu.dma_semaphore, #tpu.memory_space<semaphore_mem>>
      %dma_start3A = arith.constant 0 : i32
      %dma_start3A_9 = tpu.memref_slice %arg2[%arg0, %mul3A_2, %dma_start3A] : memref<2x1280x128xi32, #tpu.memory_space<hbm>> -> memref<1x80x128xi32, #tpu.memory_space<hbm>>
      %dma_start3A_10 = tpu.memref_squeeze %dma_start3A_9 : memref<1x80x128xi32, #tpu.memory_space<hbm>> -> memref<80x128xi32, #tpu.memory_space<hbm>>
      %dma_start3A_11 = arith.constant 0 : i32
      %dma_start3A_12 = tpu.memref_slice %arg2[%arg0, %mul3A_2, %dma_start3A_11] : memref<2x1280x128xi32, #tpu.memory_space<hbm>> -> memref<1x80x128xi32, #tpu.memory_space<hbm>>
      %dma_start3A_13 = tpu.memref_squeeze %dma_start3A_12 : memref<1x80x128xi32, #tpu.memory_space<hbm>> -> memref<80x128xi32, #tpu.memory_space<hbm>>
      tpu.enqueue_dma source(%dma_start3A_13 : memref<80x128xi32, #tpu.memory_space<hbm>>) target(%arg6 : memref<80x128xi32, #tpu.memory_space<vmem>>) target_semaphore(%run_scoped3A : memref<!tpu.dma_semaphore, #tpu.memory_space<semaphore_mem>>)
      %dma_wait3A = arith.constant 0 : i32
      %dma_wait3A_14 = tpu.memref_slice %arg2[%arg0, %mul3A_2, %dma_wait3A] : memref<2x1280x128xi32, #tpu.memory_space<hbm>> -> memref<1x80x128xi32, #tpu.memory_space<hbm>>
      %dma_wait3A_15 = tpu.memref_squeeze %dma_wait3A_14 : memref<1x80x128xi32, #tpu.memory_space<hbm>> -> memref<80x128xi32, #tpu.memory_space<hbm>>
      %dma_wait3A_16 = arith.constant 0 : i32
      %dma_wait3A_17 = tpu.memref_slice %arg2[%arg0, %mul3A_2, %dma_wait3A_16] : memref<2x1280x128xi32, #tpu.memory_space<hbm>> -> memref<1x80x128xi32, #tpu.memory_space<hbm>>
      %dma_wait3A_18 = tpu.memref_squeeze %dma_wait3A_17 : memref<1x80x128xi32, #tpu.memory_space<hbm>> -> memref<80x128xi32, #tpu.memory_space<hbm>>
      tpu.wait_dma2 semaphore(%run_scoped3A : memref<!tpu.dma_semaphore, #tpu.memory_space<semaphore_mem>>) src(%dma_wait3A_18 : memref<80x128xi32, #tpu.memory_space<hbm>>) dst(%arg6 : memref<80x128xi32, #tpu.memory_space<vmem>>)
      tpu.yield
    }) : () -> ()
    %barrier3A = arith.constant 0 : index
    tpu.barrier barrier_id(%barrier3A)
    %scan3A = arith.constant 0 : i32
    %scan3A_3 = arith.constant 0 : i32
    %scan3A_4 = arith.constant 80 : i32
    %scan3A_5 = arith.addi %scan3A_3, %scan3A_4 : i32
    %scan3A_6 = arith.constant 1 : i32
    scf.for %scan3A_9 = %scan3A_3 to %scan3A_5 step %scan3A_6  : i32 {
      "tpu.region"() ({
        %run_scoped3A = tpu.sem_alloc : memref<!tpu.dma_semaphore, #tpu.memory_space<semaphore_mem>>
        %dma_start3A = arith.constant 0 : i32
        %dma_start3A_10 = tpu.memref_slice %arg6[%scan3A_9, %dma_start3A] : memref<80x128xi32, #tpu.memory_space<vmem>> -> memref<1x128xi32, #tpu.memory_space<vmem>>
        %dma_start3A_11 = tpu.memref_squeeze %dma_start3A_10 : memref<1x128xi32, #tpu.memory_space<vmem>> -> memref<128xi32, #tpu.memory_space<vmem>>
        %dma_start3A_12 = arith.constant 0 : i32
        %dma_start3A_13 = arith.constant 0 : i32
        %dma_start3A_14 = tpu.memref_slice %arg8[%dma_start3A_12, %dma_start3A_13] : memref<10112x128xf32, #tpu.memory_space<vmem_shared>> -> memref<10112x128xf32, #tpu.memory_space<vmem_shared>>
        tpu.enqueue_indirect_dma source(%arg7 : memref<128x128xf32, #tpu.memory_space<vmem>>) target(%dma_start3A_14 : memref<10112x128xf32, #tpu.memory_space<vmem_shared>>) offsets(%dma_start3A_11 : memref<128xi32, #tpu.memory_space<vmem>>) semaphore(%run_scoped3A : memref<!tpu.dma_semaphore, #tpu.memory_space<semaphore_mem>>) {add = true}
        %dma_wait3A = arith.constant 0 : i32
        %dma_wait3A_15 = tpu.memref_slice %arg6[%scan3A_9, %dma_wait3A] : memref<80x128xi32, #tpu.memory_space<vmem>> -> memref<1x128xi32, #tpu.memory_space<vmem>>
        %dma_wait3A_16 = tpu.memref_squeeze %dma_wait3A_15 : memref<1x128xi32, #tpu.memory_space<vmem>> -> memref<128xi32, #tpu.memory_space<vmem>>
        %dma_wait3A_17 = arith.constant 0 : i32
        %dma_wait3A_18 = arith.constant 0 : i32
        %dma_wait3A_19 = tpu.memref_slice %arg8[%dma_wait3A_17, %dma_wait3A_18] : memref<10112x128xf32, #tpu.memory_space<vmem_shared>> -> memref<10112x128xf32, #tpu.memory_space<vmem_shared>>
        tpu.wait_indirect_dma semaphore(%run_scoped3A : memref<!tpu.dma_semaphore, #tpu.memory_space<semaphore_mem>>) src(%arg7 : memref<128x128xf32, #tpu.memory_space<vmem>>) dst(%dma_wait3A_19 : memref<10112x128xf32, #tpu.memory_space<vmem_shared>>)
        tpu.yield
      }) : () -> ()
    }
    %scan3A_7 = arith.constant 80 : i32
    %barrier3A_8 = arith.constant 0 : index
    tpu.barrier barrier_id(%barrier3A_8)
    "tpu.region"() ({
      %run_scoped3A = tpu.sem_alloc : memref<!tpu.dma_semaphore, #tpu.memory_space<semaphore_mem>>
      %dma_start3A = arith.constant 0 : i32
      %dma_start3A_9 = tpu.memref_slice %arg5[%arg0, %mul3A_0, %dma_start3A] : memref<2x10112x128xf32, #tpu.memory_space<hbm>> -> memref<1x632x128xf32, #tpu.memory_space<hbm>>
      %dma_start3A_10 = tpu.memref_squeeze %dma_start3A_9 : memref<1x632x128xf32, #tpu.memory_space<hbm>> -> memref<632x128xf32, #tpu.memory_space<hbm>>
      %dma_start3A_11 = arith.constant 0 : i32
      %dma_start3A_12 = tpu.memref_slice %arg8[%mul3A_0, %dma_start3A_11] : memref<10112x128xf32, #tpu.memory_space<vmem_shared>> -> memref<632x128xf32, #tpu.memory_space<vmem_shared>>
      tpu.enqueue_dma source(%dma_start3A_12 : memref<632x128xf32, #tpu.memory_space<vmem_shared>>) target(%dma_start3A_10 : memref<632x128xf32, #tpu.memory_space<hbm>>) target_semaphore(%run_scoped3A : memref<!tpu.dma_semaphore, #tpu.memory_space<semaphore_mem>>)
      %dma_wait3A = arith.constant 0 : i32
      %dma_wait3A_13 = tpu.memref_slice %arg5[%arg0, %mul3A_0, %dma_wait3A] : memref<2x10112x128xf32, #tpu.memory_space<hbm>> -> memref<1x632x128xf32, #tpu.memory_space<hbm>>
      %dma_wait3A_14 = tpu.memref_squeeze %dma_wait3A_13 : memref<1x632x128xf32, #tpu.memory_space<hbm>> -> memref<632x128xf32, #tpu.memory_space<hbm>>
      %dma_wait3A_15 = arith.constant 0 : i32
      %dma_wait3A_16 = tpu.memref_slice %arg8[%mul3A_0, %dma_wait3A_15] : memref<10112x128xf32, #tpu.memory_space<vmem_shared>> -> memref<632x128xf32, #tpu.memory_space<vmem_shared>>
      tpu.wait_dma2 semaphore(%run_scoped3A : memref<!tpu.dma_semaphore, #tpu.memory_space<semaphore_mem>>) src(%dma_wait3A_16 : memref<632x128xf32, #tpu.memory_space<vmem_shared>>) dst(%dma_wait3A_14 : memref<632x128xf32, #tpu.memory_space<hbm>>)
      tpu.yield
    }) : () -> ()
    return
  }
}

#map = affine_map<(d0, d1) -> (0, 0)>
#map1 = affine_map<(d0, d1) -> (0, 0, 0)>
module attributes {stable_mosaic.version = 14 : i64} {
  func.func @agg(%arg0: i32, %arg1: i32, %arg2: memref<10112x128xf32, #tpu.memory_space<hbm>>, %arg3: memref<2x1280x128xi32, #tpu.memory_space<hbm>>, %arg4: memref<2x1280x128xi32, #tpu.memory_space<hbm>>, %arg5: memref<10112x128xf32, #tpu.memory_space<hbm>>, %arg6: memref<2x10112x128xf32, #tpu.memory_space<hbm>>, %arg7: memref<40x128xi32, #tpu.memory_space<vmem>>, %arg8: memref<40x128xi32, #tpu.memory_space<vmem>>, %arg9: memref<128x128xf32, #tpu.memory_space<vmem>>, %arg10: memref<128x128xf32, #tpu.memory_space<vmem>>, %arg11: memref<10112x128xf32, #tpu.memory_space<vmem_shared>>, %arg12: memref<!tpu.dma_semaphore, #tpu.memory_space<semaphore_mem>>, %arg13: memref<!tpu.dma_semaphore, #tpu.memory_space<semaphore_mem>>) attributes {dimension_semantics = [#tpu.dimension_semantics<core_parallel>, #tpu.dimension_semantics<subcore_parallel>], iteration_bounds = array<i64: 2, 16>, scalar_prefetch = 0 : i64, scratch_operands = 7 : i64, tpu.core_type = #tpu.core_type<sc_vector_subcore>, window_params = [{transform_indices = #map}, {transform_indices = #map1}, {transform_indices = #map1}, {transform_indices = #map}, {transform_indices = #map1}]} {
    %mul3A = arith.constant 632 : i32
    %mul3A_0 = arith.muli %arg1, %mul3A : i32
    "tpu.region"() ({
      %run_scoped3A = tpu.sem_alloc : memref<!tpu.dma_semaphore, #tpu.memory_space<semaphore_mem>>
      %dma_start3A_47 = arith.constant 0 : i32
      %dma_start3A_48 = tpu.memref_slice %arg11[%mul3A_0, %dma_start3A_47] : memref<10112x128xf32, #tpu.memory_space<vmem_shared>> -> memref<632x128xf32, #tpu.memory_space<vmem_shared>>
      %dma_start3A_49 = arith.constant 0 : i32
      %dma_start3A_50 = tpu.memref_slice %arg5[%mul3A_0, %dma_start3A_49] : memref<10112x128xf32, #tpu.memory_space<hbm>> -> memref<632x128xf32, #tpu.memory_space<hbm>>
      tpu.enqueue_dma source(%dma_start3A_50 : memref<632x128xf32, #tpu.memory_space<hbm>>) target(%dma_start3A_48 : memref<632x128xf32, #tpu.memory_space<vmem_shared>>) target_semaphore(%run_scoped3A : memref<!tpu.dma_semaphore, #tpu.memory_space<semaphore_mem>>)
      %dma_wait3A = arith.constant 0 : i32
      %dma_wait3A_51 = tpu.memref_slice %arg11[%mul3A_0, %dma_wait3A] : memref<10112x128xf32, #tpu.memory_space<vmem_shared>> -> memref<632x128xf32, #tpu.memory_space<vmem_shared>>
      %dma_wait3A_52 = arith.constant 0 : i32
      %dma_wait3A_53 = tpu.memref_slice %arg5[%mul3A_0, %dma_wait3A_52] : memref<10112x128xf32, #tpu.memory_space<hbm>> -> memref<632x128xf32, #tpu.memory_space<hbm>>
      tpu.wait_dma2 semaphore(%run_scoped3A : memref<!tpu.dma_semaphore, #tpu.memory_space<semaphore_mem>>) src(%dma_wait3A_53 : memref<632x128xf32, #tpu.memory_space<hbm>>) dst(%dma_wait3A_51 : memref<632x128xf32, #tpu.memory_space<vmem_shared>>)
      tpu.yield
    }) : () -> ()
    %barrier3A = arith.constant 0 : index
    tpu.barrier barrier_id(%barrier3A)
    %mul3A_1 = arith.constant 80 : i32
    %mul3A_2 = arith.muli %arg1, %mul3A_1 : i32
    %add3A = arith.constant 0 : i32
    %add3A_3 = arith.addi %mul3A_2, %add3A : i32
    "tpu.region"() ({
      %run_scoped3A = tpu.sem_alloc : memref<!tpu.dma_semaphore, #tpu.memory_space<semaphore_mem>>
      %dma_start3A_47 = arith.constant 0 : i32
      %dma_start3A_48 = tpu.memref_slice %arg3[%arg0, %add3A_3, %dma_start3A_47] : memref<2x1280x128xi32, #tpu.memory_space<hbm>> -> memref<1x40x128xi32, #tpu.memory_space<hbm>>
      %dma_start3A_49 = tpu.memref_squeeze %dma_start3A_48 : memref<1x40x128xi32, #tpu.memory_space<hbm>> -> memref<40x128xi32, #tpu.memory_space<hbm>>
      %dma_start3A_50 = arith.constant 0 : i32
      %dma_start3A_51 = tpu.memref_slice %arg3[%arg0, %add3A_3, %dma_start3A_50] : memref<2x1280x128xi32, #tpu.memory_space<hbm>> -> memref<1x40x128xi32, #tpu.memory_space<hbm>>
      %dma_start3A_52 = tpu.memref_squeeze %dma_start3A_51 : memref<1x40x128xi32, #tpu.memory_space<hbm>> -> memref<40x128xi32, #tpu.memory_space<hbm>>
      tpu.enqueue_dma source(%dma_start3A_52 : memref<40x128xi32, #tpu.memory_space<hbm>>) target(%arg7 : memref<40x128xi32, #tpu.memory_space<vmem>>) target_semaphore(%run_scoped3A : memref<!tpu.dma_semaphore, #tpu.memory_space<semaphore_mem>>)
      %dma_wait3A = arith.constant 0 : i32
      %dma_wait3A_53 = tpu.memref_slice %arg3[%arg0, %add3A_3, %dma_wait3A] : memref<2x1280x128xi32, #tpu.memory_space<hbm>> -> memref<1x40x128xi32, #tpu.memory_space<hbm>>
      %dma_wait3A_54 = tpu.memref_squeeze %dma_wait3A_53 : memref<1x40x128xi32, #tpu.memory_space<hbm>> -> memref<40x128xi32, #tpu.memory_space<hbm>>
      %dma_wait3A_55 = arith.constant 0 : i32
      %dma_wait3A_56 = tpu.memref_slice %arg3[%arg0, %add3A_3, %dma_wait3A_55] : memref<2x1280x128xi32, #tpu.memory_space<hbm>> -> memref<1x40x128xi32, #tpu.memory_space<hbm>>
      %dma_wait3A_57 = tpu.memref_squeeze %dma_wait3A_56 : memref<1x40x128xi32, #tpu.memory_space<hbm>> -> memref<40x128xi32, #tpu.memory_space<hbm>>
      tpu.wait_dma2 semaphore(%run_scoped3A : memref<!tpu.dma_semaphore, #tpu.memory_space<semaphore_mem>>) src(%dma_wait3A_57 : memref<40x128xi32, #tpu.memory_space<hbm>>) dst(%arg7 : memref<40x128xi32, #tpu.memory_space<vmem>>)
      tpu.yield
    }) : () -> ()
    "tpu.region"() ({
      %run_scoped3A = tpu.sem_alloc : memref<!tpu.dma_semaphore, #tpu.memory_space<semaphore_mem>>
      %dma_start3A_47 = arith.constant 0 : i32
      %dma_start3A_48 = tpu.memref_slice %arg4[%arg0, %add3A_3, %dma_start3A_47] : memref<2x1280x128xi32, #tpu.memory_space<hbm>> -> memref<1x40x128xi32, #tpu.memory_space<hbm>>
      %dma_start3A_49 = tpu.memref_squeeze %dma_start3A_48 : memref<1x40x128xi32, #tpu.memory_space<hbm>> -> memref<40x128xi32, #tpu.memory_space<hbm>>
      %dma_start3A_50 = arith.constant 0 : i32
      %dma_start3A_51 = tpu.memref_slice %arg4[%arg0, %add3A_3, %dma_start3A_50] : memref<2x1280x128xi32, #tpu.memory_space<hbm>> -> memref<1x40x128xi32, #tpu.memory_space<hbm>>
      %dma_start3A_52 = tpu.memref_squeeze %dma_start3A_51 : memref<1x40x128xi32, #tpu.memory_space<hbm>> -> memref<40x128xi32, #tpu.memory_space<hbm>>
      tpu.enqueue_dma source(%dma_start3A_52 : memref<40x128xi32, #tpu.memory_space<hbm>>) target(%arg8 : memref<40x128xi32, #tpu.memory_space<vmem>>) target_semaphore(%run_scoped3A : memref<!tpu.dma_semaphore, #tpu.memory_space<semaphore_mem>>)
      %dma_wait3A = arith.constant 0 : i32
      %dma_wait3A_53 = tpu.memref_slice %arg4[%arg0, %add3A_3, %dma_wait3A] : memref<2x1280x128xi32, #tpu.memory_space<hbm>> -> memref<1x40x128xi32, #tpu.memory_space<hbm>>
      %dma_wait3A_54 = tpu.memref_squeeze %dma_wait3A_53 : memref<1x40x128xi32, #tpu.memory_space<hbm>> -> memref<40x128xi32, #tpu.memory_space<hbm>>
      %dma_wait3A_55 = arith.constant 0 : i32
      %dma_wait3A_56 = tpu.memref_slice %arg4[%arg0, %add3A_3, %dma_wait3A_55] : memref<2x1280x128xi32, #tpu.memory_space<hbm>> -> memref<1x40x128xi32, #tpu.memory_space<hbm>>
      %dma_wait3A_57 = tpu.memref_squeeze %dma_wait3A_56 : memref<1x40x128xi32, #tpu.memory_space<hbm>> -> memref<40x128xi32, #tpu.memory_space<hbm>>
      tpu.wait_dma2 semaphore(%run_scoped3A : memref<!tpu.dma_semaphore, #tpu.memory_space<semaphore_mem>>) src(%dma_wait3A_57 : memref<40x128xi32, #tpu.memory_space<hbm>>) dst(%arg8 : memref<40x128xi32, #tpu.memory_space<vmem>>)
      tpu.yield
    }) : () -> ()
    %dma_start3A = arith.constant 0 : i32
    %dma_start3A_4 = arith.constant 0 : i32
    %dma_start3A_5 = tpu.memref_slice %arg7[%dma_start3A, %dma_start3A_4] : memref<40x128xi32, #tpu.memory_space<vmem>> -> memref<1x128xi32, #tpu.memory_space<vmem>>
    %dma_start3A_6 = tpu.memref_squeeze %dma_start3A_5 : memref<1x128xi32, #tpu.memory_space<vmem>> -> memref<128xi32, #tpu.memory_space<vmem>>
    %dma_start3A_7 = arith.constant 0 : i32
    %dma_start3A_8 = arith.constant 0 : i32
    %dma_start3A_9 = tpu.memref_slice %arg2[%dma_start3A_7, %dma_start3A_8] : memref<10112x128xf32, #tpu.memory_space<hbm>> -> memref<10112x128xf32, #tpu.memory_space<hbm>>
    tpu.enqueue_indirect_dma source(%dma_start3A_9 : memref<10112x128xf32, #tpu.memory_space<hbm>>) target(%arg9 : memref<128x128xf32, #tpu.memory_space<vmem>>) offsets(%dma_start3A_6 : memref<128xi32, #tpu.memory_space<vmem>>) semaphore(%arg12 : memref<!tpu.dma_semaphore, #tpu.memory_space<semaphore_mem>>)
    %dma_start3A_10 = arith.constant 1 : i32
    %dma_start3A_11 = arith.constant 0 : i32
    %dma_start3A_12 = tpu.memref_slice %arg7[%dma_start3A_10, %dma_start3A_11] : memref<40x128xi32, #tpu.memory_space<vmem>> -> memref<1x128xi32, #tpu.memory_space<vmem>>
    %dma_start3A_13 = tpu.memref_squeeze %dma_start3A_12 : memref<1x128xi32, #tpu.memory_space<vmem>> -> memref<128xi32, #tpu.memory_space<vmem>>
    %dma_start3A_14 = arith.constant 0 : i32
    %dma_start3A_15 = arith.constant 0 : i32
    %dma_start3A_16 = tpu.memref_slice %arg2[%dma_start3A_14, %dma_start3A_15] : memref<10112x128xf32, #tpu.memory_space<hbm>> -> memref<10112x128xf32, #tpu.memory_space<hbm>>
    tpu.enqueue_indirect_dma source(%dma_start3A_16 : memref<10112x128xf32, #tpu.memory_space<hbm>>) target(%arg10 : memref<128x128xf32, #tpu.memory_space<vmem>>) offsets(%dma_start3A_13 : memref<128xi32, #tpu.memory_space<vmem>>) semaphore(%arg13 : memref<!tpu.dma_semaphore, #tpu.memory_space<semaphore_mem>>)
    %scan3A = arith.constant 0 : i32
    %scan3A_17 = arith.constant 0 : i32
    %scan3A_18 = arith.constant 20 : i32
    %scan3A_19 = arith.addi %scan3A_17, %scan3A_18 : i32
    %scan3A_20 = arith.constant 1 : i32
    scf.for %scan3A_47 = %scan3A_17 to %scan3A_19 step %scan3A_20  : i32 {
      %mul3A_48 = arith.constant 2 : i32
      %mul3A_49 = arith.muli %mul3A_48, %scan3A_47 : i32
      %add3A_50 = arith.constant 0 : i32
      %add3A_51 = arith.addi %mul3A_49, %add3A_50 : i32
      %dma_wait3A = arith.constant 0 : i32
      %dma_wait3A_52 = tpu.memref_slice %arg7[%add3A_51, %dma_wait3A] : memref<40x128xi32, #tpu.memory_space<vmem>> -> memref<1x128xi32, #tpu.memory_space<vmem>>
      %dma_wait3A_53 = tpu.memref_squeeze %dma_wait3A_52 : memref<1x128xi32, #tpu.memory_space<vmem>> -> memref<128xi32, #tpu.memory_space<vmem>>
      %dma_wait3A_54 = arith.constant 0 : i32
      %dma_wait3A_55 = arith.constant 0 : i32
      %dma_wait3A_56 = tpu.memref_slice %arg2[%dma_wait3A_54, %dma_wait3A_55] : memref<10112x128xf32, #tpu.memory_space<hbm>> -> memref<10112x128xf32, #tpu.memory_space<hbm>>
      tpu.wait_indirect_dma semaphore(%arg12 : memref<!tpu.dma_semaphore, #tpu.memory_space<semaphore_mem>>) src(%dma_wait3A_56 : memref<10112x128xf32, #tpu.memory_space<hbm>>) dst(%arg9 : memref<128x128xf32, #tpu.memory_space<vmem>>)
      "tpu.region"() ({
        %run_scoped3A = tpu.sem_alloc : memref<!tpu.dma_semaphore, #tpu.memory_space<semaphore_mem>>
        %dma_start3A_78 = arith.constant 0 : i32
        %dma_start3A_79 = tpu.memref_slice %arg8[%add3A_51, %dma_start3A_78] : memref<40x128xi32, #tpu.memory_space<vmem>> -> memref<1x128xi32, #tpu.memory_space<vmem>>
        %dma_start3A_80 = tpu.memref_squeeze %dma_start3A_79 : memref<1x128xi32, #tpu.memory_space<vmem>> -> memref<128xi32, #tpu.memory_space<vmem>>
        %dma_start3A_81 = arith.constant 0 : i32
        %dma_start3A_82 = arith.constant 0 : i32
        %dma_start3A_83 = tpu.memref_slice %arg11[%dma_start3A_81, %dma_start3A_82] : memref<10112x128xf32, #tpu.memory_space<vmem_shared>> -> memref<10112x128xf32, #tpu.memory_space<vmem_shared>>
        tpu.enqueue_indirect_dma source(%arg9 : memref<128x128xf32, #tpu.memory_space<vmem>>) target(%dma_start3A_83 : memref<10112x128xf32, #tpu.memory_space<vmem_shared>>) offsets(%dma_start3A_80 : memref<128xi32, #tpu.memory_space<vmem>>) semaphore(%run_scoped3A : memref<!tpu.dma_semaphore, #tpu.memory_space<semaphore_mem>>) {add = true}
        %dma_wait3A_84 = arith.constant 0 : i32
        %dma_wait3A_85 = tpu.memref_slice %arg8[%add3A_51, %dma_wait3A_84] : memref<40x128xi32, #tpu.memory_space<vmem>> -> memref<1x128xi32, #tpu.memory_space<vmem>>
        %dma_wait3A_86 = tpu.memref_squeeze %dma_wait3A_85 : memref<1x128xi32, #tpu.memory_space<vmem>> -> memref<128xi32, #tpu.memory_space<vmem>>
        %dma_wait3A_87 = arith.constant 0 : i32
        %dma_wait3A_88 = arith.constant 0 : i32
        %dma_wait3A_89 = tpu.memref_slice %arg11[%dma_wait3A_87, %dma_wait3A_88] : memref<10112x128xf32, #tpu.memory_space<vmem_shared>> -> memref<10112x128xf32, #tpu.memory_space<vmem_shared>>
        tpu.wait_indirect_dma semaphore(%run_scoped3A : memref<!tpu.dma_semaphore, #tpu.memory_space<semaphore_mem>>) src(%arg9 : memref<128x128xf32, #tpu.memory_space<vmem>>) dst(%dma_wait3A_89 : memref<10112x128xf32, #tpu.memory_space<vmem_shared>>)
        tpu.yield
      }) : () -> ()
      %add3A_57 = arith.constant 2 : i32
      %add3A_58 = arith.addi %add3A_51, %add3A_57 : i32
      %lt3A = arith.constant 40 : i32
      %lt3A_59 = arith.cmpi slt, %add3A_58, %lt3A : i32
      %convert_element_type3A = arith.extui %lt3A_59 : i1 to i32
      %cond3A = arith.constant 0 : i32
      %cond3A_60 = arith.cmpi ne, %convert_element_type3A, %cond3A : i32
      scf.if %cond3A_60 {
        %add3A_78 = arith.constant 2 : i32
        %add3A_79 = arith.addi %add3A_51, %add3A_78 : i32
        %dma_start3A_80 = arith.constant 0 : i32
        %dma_start3A_81 = tpu.memref_slice %arg7[%add3A_79, %dma_start3A_80] : memref<40x128xi32, #tpu.memory_space<vmem>> -> memref<1x128xi32, #tpu.memory_space<vmem>>
        %dma_start3A_82 = tpu.memref_squeeze %dma_start3A_81 : memref<1x128xi32, #tpu.memory_space<vmem>> -> memref<128xi32, #tpu.memory_space<vmem>>
        %dma_start3A_83 = arith.constant 0 : i32
        %dma_start3A_84 = arith.constant 0 : i32
        %dma_start3A_85 = tpu.memref_slice %arg2[%dma_start3A_83, %dma_start3A_84] : memref<10112x128xf32, #tpu.memory_space<hbm>> -> memref<10112x128xf32, #tpu.memory_space<hbm>>
        tpu.enqueue_indirect_dma source(%dma_start3A_85 : memref<10112x128xf32, #tpu.memory_space<hbm>>) target(%arg9 : memref<128x128xf32, #tpu.memory_space<vmem>>) offsets(%dma_start3A_82 : memref<128xi32, #tpu.memory_space<vmem>>) semaphore(%arg12 : memref<!tpu.dma_semaphore, #tpu.memory_space<semaphore_mem>>)
      } else {
      }
      %mul3A_61 = arith.constant 2 : i32
      %mul3A_62 = arith.muli %mul3A_61, %scan3A_47 : i32
      %add3A_63 = arith.constant 1 : i32
      %add3A_64 = arith.addi %mul3A_62, %add3A_63 : i32
      %dma_wait3A_65 = arith.constant 0 : i32
      %dma_wait3A_66 = tpu.memref_slice %arg7[%add3A_64, %dma_wait3A_65] : memref<40x128xi32, #tpu.memory_space<vmem>> -> memref<1x128xi32, #tpu.memory_space<vmem>>
      %dma_wait3A_67 = tpu.memref_squeeze %dma_wait3A_66 : memref<1x128xi32, #tpu.memory_space<vmem>> -> memref<128xi32, #tpu.memory_space<vmem>>
      %dma_wait3A_68 = arith.constant 0 : i32
      %dma_wait3A_69 = arith.constant 0 : i32
      %dma_wait3A_70 = tpu.memref_slice %arg2[%dma_wait3A_68, %dma_wait3A_69] : memref<10112x128xf32, #tpu.memory_space<hbm>> -> memref<10112x128xf32, #tpu.memory_space<hbm>>
      tpu.wait_indirect_dma semaphore(%arg13 : memref<!tpu.dma_semaphore, #tpu.memory_space<semaphore_mem>>) src(%dma_wait3A_70 : memref<10112x128xf32, #tpu.memory_space<hbm>>) dst(%arg10 : memref<128x128xf32, #tpu.memory_space<vmem>>)
      "tpu.region"() ({
        %run_scoped3A = tpu.sem_alloc : memref<!tpu.dma_semaphore, #tpu.memory_space<semaphore_mem>>
        %dma_start3A_78 = arith.constant 0 : i32
        %dma_start3A_79 = tpu.memref_slice %arg8[%add3A_64, %dma_start3A_78] : memref<40x128xi32, #tpu.memory_space<vmem>> -> memref<1x128xi32, #tpu.memory_space<vmem>>
        %dma_start3A_80 = tpu.memref_squeeze %dma_start3A_79 : memref<1x128xi32, #tpu.memory_space<vmem>> -> memref<128xi32, #tpu.memory_space<vmem>>
        %dma_start3A_81 = arith.constant 0 : i32
        %dma_start3A_82 = arith.constant 0 : i32
        %dma_start3A_83 = tpu.memref_slice %arg11[%dma_start3A_81, %dma_start3A_82] : memref<10112x128xf32, #tpu.memory_space<vmem_shared>> -> memref<10112x128xf32, #tpu.memory_space<vmem_shared>>
        tpu.enqueue_indirect_dma source(%arg10 : memref<128x128xf32, #tpu.memory_space<vmem>>) target(%dma_start3A_83 : memref<10112x128xf32, #tpu.memory_space<vmem_shared>>) offsets(%dma_start3A_80 : memref<128xi32, #tpu.memory_space<vmem>>) semaphore(%run_scoped3A : memref<!tpu.dma_semaphore, #tpu.memory_space<semaphore_mem>>) {add = true}
        %dma_wait3A_84 = arith.constant 0 : i32
        %dma_wait3A_85 = tpu.memref_slice %arg8[%add3A_64, %dma_wait3A_84] : memref<40x128xi32, #tpu.memory_space<vmem>> -> memref<1x128xi32, #tpu.memory_space<vmem>>
        %dma_wait3A_86 = tpu.memref_squeeze %dma_wait3A_85 : memref<1x128xi32, #tpu.memory_space<vmem>> -> memref<128xi32, #tpu.memory_space<vmem>>
        %dma_wait3A_87 = arith.constant 0 : i32
        %dma_wait3A_88 = arith.constant 0 : i32
        %dma_wait3A_89 = tpu.memref_slice %arg11[%dma_wait3A_87, %dma_wait3A_88] : memref<10112x128xf32, #tpu.memory_space<vmem_shared>> -> memref<10112x128xf32, #tpu.memory_space<vmem_shared>>
        tpu.wait_indirect_dma semaphore(%run_scoped3A : memref<!tpu.dma_semaphore, #tpu.memory_space<semaphore_mem>>) src(%arg10 : memref<128x128xf32, #tpu.memory_space<vmem>>) dst(%dma_wait3A_89 : memref<10112x128xf32, #tpu.memory_space<vmem_shared>>)
        tpu.yield
      }) : () -> ()
      %add3A_71 = arith.constant 2 : i32
      %add3A_72 = arith.addi %add3A_64, %add3A_71 : i32
      %lt3A_73 = arith.constant 40 : i32
      %lt3A_74 = arith.cmpi slt, %add3A_72, %lt3A_73 : i32
      %convert_element_type3A_75 = arith.extui %lt3A_74 : i1 to i32
      %cond3A_76 = arith.constant 0 : i32
      %cond3A_77 = arith.cmpi ne, %convert_element_type3A_75, %cond3A_76 : i32
      scf.if %cond3A_77 {
        %add3A_78 = arith.constant 2 : i32
        %add3A_79 = arith.addi %add3A_64, %add3A_78 : i32
        %dma_start3A_80 = arith.constant 0 : i32
        %dma_start3A_81 = tpu.memref_slice %arg7[%add3A_79, %dma_start3A_80] : memref<40x128xi32, #tpu.memory_space<vmem>> -> memref<1x128xi32, #tpu.memory_space<vmem>>
        %dma_start3A_82 = tpu.memref_squeeze %dma_start3A_81 : memref<1x128xi32, #tpu.memory_space<vmem>> -> memref<128xi32, #tpu.memory_space<vmem>>
        %dma_start3A_83 = arith.constant 0 : i32
        %dma_start3A_84 = arith.constant 0 : i32
        %dma_start3A_85 = tpu.memref_slice %arg2[%dma_start3A_83, %dma_start3A_84] : memref<10112x128xf32, #tpu.memory_space<hbm>> -> memref<10112x128xf32, #tpu.memory_space<hbm>>
        tpu.enqueue_indirect_dma source(%dma_start3A_85 : memref<10112x128xf32, #tpu.memory_space<hbm>>) target(%arg10 : memref<128x128xf32, #tpu.memory_space<vmem>>) offsets(%dma_start3A_82 : memref<128xi32, #tpu.memory_space<vmem>>) semaphore(%arg13 : memref<!tpu.dma_semaphore, #tpu.memory_space<semaphore_mem>>)
      } else {
      }
    }
    %scan3A_21 = arith.constant 20 : i32
    %mul3A_22 = arith.constant 80 : i32
    %mul3A_23 = arith.muli %arg1, %mul3A_22 : i32
    %add3A_24 = arith.constant 40 : i32
    %add3A_25 = arith.addi %mul3A_23, %add3A_24 : i32
    "tpu.region"() ({
      %run_scoped3A = tpu.sem_alloc : memref<!tpu.dma_semaphore, #tpu.memory_space<semaphore_mem>>
      %dma_start3A_47 = arith.constant 0 : i32
      %dma_start3A_48 = tpu.memref_slice %arg3[%arg0, %add3A_25, %dma_start3A_47] : memref<2x1280x128xi32, #tpu.memory_space<hbm>> -> memref<1x40x128xi32, #tpu.memory_space<hbm>>
      %dma_start3A_49 = tpu.memref_squeeze %dma_start3A_48 : memref<1x40x128xi32, #tpu.memory_space<hbm>> -> memref<40x128xi32, #tpu.memory_space<hbm>>
      %dma_start3A_50 = arith.constant 0 : i32
      %dma_start3A_51 = tpu.memref_slice %arg3[%arg0, %add3A_25, %dma_start3A_50] : memref<2x1280x128xi32, #tpu.memory_space<hbm>> -> memref<1x40x128xi32, #tpu.memory_space<hbm>>
      %dma_start3A_52 = tpu.memref_squeeze %dma_start3A_51 : memref<1x40x128xi32, #tpu.memory_space<hbm>> -> memref<40x128xi32, #tpu.memory_space<hbm>>
      tpu.enqueue_dma source(%dma_start3A_52 : memref<40x128xi32, #tpu.memory_space<hbm>>) target(%arg7 : memref<40x128xi32, #tpu.memory_space<vmem>>) target_semaphore(%run_scoped3A : memref<!tpu.dma_semaphore, #tpu.memory_space<semaphore_mem>>)
      %dma_wait3A = arith.constant 0 : i32
      %dma_wait3A_53 = tpu.memref_slice %arg3[%arg0, %add3A_25, %dma_wait3A] : memref<2x1280x128xi32, #tpu.memory_space<hbm>> -> memref<1x40x128xi32, #tpu.memory_space<hbm>>
      %dma_wait3A_54 = tpu.memref_squeeze %dma_wait3A_53 : memref<1x40x128xi32, #tpu.memory_space<hbm>> -> memref<40x128xi32, #tpu.memory_space<hbm>>
      %dma_wait3A_55 = arith.constant 0 : i32
      %dma_wait3A_56 = tpu.memref_slice %arg3[%arg0, %add3A_25, %dma_wait3A_55] : memref<2x1280x128xi32, #tpu.memory_space<hbm>> -> memref<1x40x128xi32, #tpu.memory_space<hbm>>
      %dma_wait3A_57 = tpu.memref_squeeze %dma_wait3A_56 : memref<1x40x128xi32, #tpu.memory_space<hbm>> -> memref<40x128xi32, #tpu.memory_space<hbm>>
      tpu.wait_dma2 semaphore(%run_scoped3A : memref<!tpu.dma_semaphore, #tpu.memory_space<semaphore_mem>>) src(%dma_wait3A_57 : memref<40x128xi32, #tpu.memory_space<hbm>>) dst(%arg7 : memref<40x128xi32, #tpu.memory_space<vmem>>)
      tpu.yield
    }) : () -> ()
    "tpu.region"() ({
      %run_scoped3A = tpu.sem_alloc : memref<!tpu.dma_semaphore, #tpu.memory_space<semaphore_mem>>
      %dma_start3A_47 = arith.constant 0 : i32
      %dma_start3A_48 = tpu.memref_slice %arg4[%arg0, %add3A_25, %dma_start3A_47] : memref<2x1280x128xi32, #tpu.memory_space<hbm>> -> memref<1x40x128xi32, #tpu.memory_space<hbm>>
      %dma_start3A_49 = tpu.memref_squeeze %dma_start3A_48 : memref<1x40x128xi32, #tpu.memory_space<hbm>> -> memref<40x128xi32, #tpu.memory_space<hbm>>
      %dma_start3A_50 = arith.constant 0 : i32
      %dma_start3A_51 = tpu.memref_slice %arg4[%arg0, %add3A_25, %dma_start3A_50] : memref<2x1280x128xi32, #tpu.memory_space<hbm>> -> memref<1x40x128xi32, #tpu.memory_space<hbm>>
      %dma_start3A_52 = tpu.memref_squeeze %dma_start3A_51 : memref<1x40x128xi32, #tpu.memory_space<hbm>> -> memref<40x128xi32, #tpu.memory_space<hbm>>
      tpu.enqueue_dma source(%dma_start3A_52 : memref<40x128xi32, #tpu.memory_space<hbm>>) target(%arg8 : memref<40x128xi32, #tpu.memory_space<vmem>>) target_semaphore(%run_scoped3A : memref<!tpu.dma_semaphore, #tpu.memory_space<semaphore_mem>>)
      %dma_wait3A = arith.constant 0 : i32
      %dma_wait3A_53 = tpu.memref_slice %arg4[%arg0, %add3A_25, %dma_wait3A] : memref<2x1280x128xi32, #tpu.memory_space<hbm>> -> memref<1x40x128xi32, #tpu.memory_space<hbm>>
      %dma_wait3A_54 = tpu.memref_squeeze %dma_wait3A_53 : memref<1x40x128xi32, #tpu.memory_space<hbm>> -> memref<40x128xi32, #tpu.memory_space<hbm>>
      %dma_wait3A_55 = arith.constant 0 : i32
      %dma_wait3A_56 = tpu.memref_slice %arg4[%arg0, %add3A_25, %dma_wait3A_55] : memref<2x1280x128xi32, #tpu.memory_space<hbm>> -> memref<1x40x128xi32, #tpu.memory_space<hbm>>
      %dma_wait3A_57 = tpu.memref_squeeze %dma_wait3A_56 : memref<1x40x128xi32, #tpu.memory_space<hbm>> -> memref<40x128xi32, #tpu.memory_space<hbm>>
      tpu.wait_dma2 semaphore(%run_scoped3A : memref<!tpu.dma_semaphore, #tpu.memory_space<semaphore_mem>>) src(%dma_wait3A_57 : memref<40x128xi32, #tpu.memory_space<hbm>>) dst(%arg8 : memref<40x128xi32, #tpu.memory_space<vmem>>)
      tpu.yield
    }) : () -> ()
    %dma_start3A_26 = arith.constant 0 : i32
    %dma_start3A_27 = arith.constant 0 : i32
    %dma_start3A_28 = tpu.memref_slice %arg7[%dma_start3A_26, %dma_start3A_27] : memref<40x128xi32, #tpu.memory_space<vmem>> -> memref<1x128xi32, #tpu.memory_space<vmem>>
    %dma_start3A_29 = tpu.memref_squeeze %dma_start3A_28 : memref<1x128xi32, #tpu.memory_space<vmem>> -> memref<128xi32, #tpu.memory_space<vmem>>
    %dma_start3A_30 = arith.constant 0 : i32
    %dma_start3A_31 = arith.constant 0 : i32
    %dma_start3A_32 = tpu.memref_slice %arg2[%dma_start3A_30, %dma_start3A_31] : memref<10112x128xf32, #tpu.memory_space<hbm>> -> memref<10112x128xf32, #tpu.memory_space<hbm>>
    tpu.enqueue_indirect_dma source(%dma_start3A_32 : memref<10112x128xf32, #tpu.memory_space<hbm>>) target(%arg9 : memref<128x128xf32, #tpu.memory_space<vmem>>) offsets(%dma_start3A_29 : memref<128xi32, #tpu.memory_space<vmem>>) semaphore(%arg12 : memref<!tpu.dma_semaphore, #tpu.memory_space<semaphore_mem>>)
    %dma_start3A_33 = arith.constant 1 : i32
    %dma_start3A_34 = arith.constant 0 : i32
    %dma_start3A_35 = tpu.memref_slice %arg7[%dma_start3A_33, %dma_start3A_34] : memref<40x128xi32, #tpu.memory_space<vmem>> -> memref<1x128xi32, #tpu.memory_space<vmem>>
    %dma_start3A_36 = tpu.memref_squeeze %dma_start3A_35 : memref<1x128xi32, #tpu.memory_space<vmem>> -> memref<128xi32, #tpu.memory_space<vmem>>
    %dma_start3A_37 = arith.constant 0 : i32
    %dma_start3A_38 = arith.constant 0 : i32
    %dma_start3A_39 = tpu.memref_slice %arg2[%dma_start3A_37, %dma_start3A_38] : memref<10112x128xf32, #tpu.memory_space<hbm>> -> memref<10112x128xf32, #tpu.memory_space<hbm>>
    tpu.enqueue_indirect_dma source(%dma_start3A_39 : memref<10112x128xf32, #tpu.memory_space<hbm>>) target(%arg10 : memref<128x128xf32, #tpu.memory_space<vmem>>) offsets(%dma_start3A_36 : memref<128xi32, #tpu.memory_space<vmem>>) semaphore(%arg13 : memref<!tpu.dma_semaphore, #tpu.memory_space<semaphore_mem>>)
    %scan3A_40 = arith.constant 0 : i32
    %scan3A_41 = arith.constant 0 : i32
    %scan3A_42 = arith.constant 20 : i32
    %scan3A_43 = arith.addi %scan3A_41, %scan3A_42 : i32
    %scan3A_44 = arith.constant 1 : i32
    scf.for %scan3A_47 = %scan3A_41 to %scan3A_43 step %scan3A_44  : i32 {
      %mul3A_48 = arith.constant 2 : i32
      %mul3A_49 = arith.muli %mul3A_48, %scan3A_47 : i32
      %add3A_50 = arith.constant 0 : i32
      %add3A_51 = arith.addi %mul3A_49, %add3A_50 : i32
      %dma_wait3A = arith.constant 0 : i32
      %dma_wait3A_52 = tpu.memref_slice %arg7[%add3A_51, %dma_wait3A] : memref<40x128xi32, #tpu.memory_space<vmem>> -> memref<1x128xi32, #tpu.memory_space<vmem>>
      %dma_wait3A_53 = tpu.memref_squeeze %dma_wait3A_52 : memref<1x128xi32, #tpu.memory_space<vmem>> -> memref<128xi32, #tpu.memory_space<vmem>>
      %dma_wait3A_54 = arith.constant 0 : i32
      %dma_wait3A_55 = arith.constant 0 : i32
      %dma_wait3A_56 = tpu.memref_slice %arg2[%dma_wait3A_54, %dma_wait3A_55] : memref<10112x128xf32, #tpu.memory_space<hbm>> -> memref<10112x128xf32, #tpu.memory_space<hbm>>
      tpu.wait_indirect_dma semaphore(%arg12 : memref<!tpu.dma_semaphore, #tpu.memory_space<semaphore_mem>>) src(%dma_wait3A_56 : memref<10112x128xf32, #tpu.memory_space<hbm>>) dst(%arg9 : memref<128x128xf32, #tpu.memory_space<vmem>>)
      "tpu.region"() ({
        %run_scoped3A = tpu.sem_alloc : memref<!tpu.dma_semaphore, #tpu.memory_space<semaphore_mem>>
        %dma_start3A_78 = arith.constant 0 : i32
        %dma_start3A_79 = tpu.memref_slice %arg8[%add3A_51, %dma_start3A_78] : memref<40x128xi32, #tpu.memory_space<vmem>> -> memref<1x128xi32, #tpu.memory_space<vmem>>
        %dma_start3A_80 = tpu.memref_squeeze %dma_start3A_79 : memref<1x128xi32, #tpu.memory_space<vmem>> -> memref<128xi32, #tpu.memory_space<vmem>>
        %dma_start3A_81 = arith.constant 0 : i32
        %dma_start3A_82 = arith.constant 0 : i32
        %dma_start3A_83 = tpu.memref_slice %arg11[%dma_start3A_81, %dma_start3A_82] : memref<10112x128xf32, #tpu.memory_space<vmem_shared>> -> memref<10112x128xf32, #tpu.memory_space<vmem_shared>>
        tpu.enqueue_indirect_dma source(%arg9 : memref<128x128xf32, #tpu.memory_space<vmem>>) target(%dma_start3A_83 : memref<10112x128xf32, #tpu.memory_space<vmem_shared>>) offsets(%dma_start3A_80 : memref<128xi32, #tpu.memory_space<vmem>>) semaphore(%run_scoped3A : memref<!tpu.dma_semaphore, #tpu.memory_space<semaphore_mem>>) {add = true}
        %dma_wait3A_84 = arith.constant 0 : i32
        %dma_wait3A_85 = tpu.memref_slice %arg8[%add3A_51, %dma_wait3A_84] : memref<40x128xi32, #tpu.memory_space<vmem>> -> memref<1x128xi32, #tpu.memory_space<vmem>>
        %dma_wait3A_86 = tpu.memref_squeeze %dma_wait3A_85 : memref<1x128xi32, #tpu.memory_space<vmem>> -> memref<128xi32, #tpu.memory_space<vmem>>
        %dma_wait3A_87 = arith.constant 0 : i32
        %dma_wait3A_88 = arith.constant 0 : i32
        %dma_wait3A_89 = tpu.memref_slice %arg11[%dma_wait3A_87, %dma_wait3A_88] : memref<10112x128xf32, #tpu.memory_space<vmem_shared>> -> memref<10112x128xf32, #tpu.memory_space<vmem_shared>>
        tpu.wait_indirect_dma semaphore(%run_scoped3A : memref<!tpu.dma_semaphore, #tpu.memory_space<semaphore_mem>>) src(%arg9 : memref<128x128xf32, #tpu.memory_space<vmem>>) dst(%dma_wait3A_89 : memref<10112x128xf32, #tpu.memory_space<vmem_shared>>)
        tpu.yield
      }) : () -> ()
      %add3A_57 = arith.constant 2 : i32
      %add3A_58 = arith.addi %add3A_51, %add3A_57 : i32
      %lt3A = arith.constant 40 : i32
      %lt3A_59 = arith.cmpi slt, %add3A_58, %lt3A : i32
      %convert_element_type3A = arith.extui %lt3A_59 : i1 to i32
      %cond3A = arith.constant 0 : i32
      %cond3A_60 = arith.cmpi ne, %convert_element_type3A, %cond3A : i32
      scf.if %cond3A_60 {
        %add3A_78 = arith.constant 2 : i32
        %add3A_79 = arith.addi %add3A_51, %add3A_78 : i32
        %dma_start3A_80 = arith.constant 0 : i32
        %dma_start3A_81 = tpu.memref_slice %arg7[%add3A_79, %dma_start3A_80] : memref<40x128xi32, #tpu.memory_space<vmem>> -> memref<1x128xi32, #tpu.memory_space<vmem>>
        %dma_start3A_82 = tpu.memref_squeeze %dma_start3A_81 : memref<1x128xi32, #tpu.memory_space<vmem>> -> memref<128xi32, #tpu.memory_space<vmem>>
        %dma_start3A_83 = arith.constant 0 : i32
        %dma_start3A_84 = arith.constant 0 : i32
        %dma_start3A_85 = tpu.memref_slice %arg2[%dma_start3A_83, %dma_start3A_84] : memref<10112x128xf32, #tpu.memory_space<hbm>> -> memref<10112x128xf32, #tpu.memory_space<hbm>>
        tpu.enqueue_indirect_dma source(%dma_start3A_85 : memref<10112x128xf32, #tpu.memory_space<hbm>>) target(%arg9 : memref<128x128xf32, #tpu.memory_space<vmem>>) offsets(%dma_start3A_82 : memref<128xi32, #tpu.memory_space<vmem>>) semaphore(%arg12 : memref<!tpu.dma_semaphore, #tpu.memory_space<semaphore_mem>>)
      } else {
      }
      %mul3A_61 = arith.constant 2 : i32
      %mul3A_62 = arith.muli %mul3A_61, %scan3A_47 : i32
      %add3A_63 = arith.constant 1 : i32
      %add3A_64 = arith.addi %mul3A_62, %add3A_63 : i32
      %dma_wait3A_65 = arith.constant 0 : i32
      %dma_wait3A_66 = tpu.memref_slice %arg7[%add3A_64, %dma_wait3A_65] : memref<40x128xi32, #tpu.memory_space<vmem>> -> memref<1x128xi32, #tpu.memory_space<vmem>>
      %dma_wait3A_67 = tpu.memref_squeeze %dma_wait3A_66 : memref<1x128xi32, #tpu.memory_space<vmem>> -> memref<128xi32, #tpu.memory_space<vmem>>
      %dma_wait3A_68 = arith.constant 0 : i32
      %dma_wait3A_69 = arith.constant 0 : i32
      %dma_wait3A_70 = tpu.memref_slice %arg2[%dma_wait3A_68, %dma_wait3A_69] : memref<10112x128xf32, #tpu.memory_space<hbm>> -> memref<10112x128xf32, #tpu.memory_space<hbm>>
      tpu.wait_indirect_dma semaphore(%arg13 : memref<!tpu.dma_semaphore, #tpu.memory_space<semaphore_mem>>) src(%dma_wait3A_70 : memref<10112x128xf32, #tpu.memory_space<hbm>>) dst(%arg10 : memref<128x128xf32, #tpu.memory_space<vmem>>)
      "tpu.region"() ({
        %run_scoped3A = tpu.sem_alloc : memref<!tpu.dma_semaphore, #tpu.memory_space<semaphore_mem>>
        %dma_start3A_78 = arith.constant 0 : i32
        %dma_start3A_79 = tpu.memref_slice %arg8[%add3A_64, %dma_start3A_78] : memref<40x128xi32, #tpu.memory_space<vmem>> -> memref<1x128xi32, #tpu.memory_space<vmem>>
        %dma_start3A_80 = tpu.memref_squeeze %dma_start3A_79 : memref<1x128xi32, #tpu.memory_space<vmem>> -> memref<128xi32, #tpu.memory_space<vmem>>
        %dma_start3A_81 = arith.constant 0 : i32
        %dma_start3A_82 = arith.constant 0 : i32
        %dma_start3A_83 = tpu.memref_slice %arg11[%dma_start3A_81, %dma_start3A_82] : memref<10112x128xf32, #tpu.memory_space<vmem_shared>> -> memref<10112x128xf32, #tpu.memory_space<vmem_shared>>
        tpu.enqueue_indirect_dma source(%arg10 : memref<128x128xf32, #tpu.memory_space<vmem>>) target(%dma_start3A_83 : memref<10112x128xf32, #tpu.memory_space<vmem_shared>>) offsets(%dma_start3A_80 : memref<128xi32, #tpu.memory_space<vmem>>) semaphore(%run_scoped3A : memref<!tpu.dma_semaphore, #tpu.memory_space<semaphore_mem>>) {add = true}
        %dma_wait3A_84 = arith.constant 0 : i32
        %dma_wait3A_85 = tpu.memref_slice %arg8[%add3A_64, %dma_wait3A_84] : memref<40x128xi32, #tpu.memory_space<vmem>> -> memref<1x128xi32, #tpu.memory_space<vmem>>
        %dma_wait3A_86 = tpu.memref_squeeze %dma_wait3A_85 : memref<1x128xi32, #tpu.memory_space<vmem>> -> memref<128xi32, #tpu.memory_space<vmem>>
        %dma_wait3A_87 = arith.constant 0 : i32
        %dma_wait3A_88 = arith.constant 0 : i32
        %dma_wait3A_89 = tpu.memref_slice %arg11[%dma_wait3A_87, %dma_wait3A_88] : memref<10112x128xf32, #tpu.memory_space<vmem_shared>> -> memref<10112x128xf32, #tpu.memory_space<vmem_shared>>
        tpu.wait_indirect_dma semaphore(%run_scoped3A : memref<!tpu.dma_semaphore, #tpu.memory_space<semaphore_mem>>) src(%arg10 : memref<128x128xf32, #tpu.memory_space<vmem>>) dst(%dma_wait3A_89 : memref<10112x128xf32, #tpu.memory_space<vmem_shared>>)
        tpu.yield
      }) : () -> ()
      %add3A_71 = arith.constant 2 : i32
      %add3A_72 = arith.addi %add3A_64, %add3A_71 : i32
      %lt3A_73 = arith.constant 40 : i32
      %lt3A_74 = arith.cmpi slt, %add3A_72, %lt3A_73 : i32
      %convert_element_type3A_75 = arith.extui %lt3A_74 : i1 to i32
      %cond3A_76 = arith.constant 0 : i32
      %cond3A_77 = arith.cmpi ne, %convert_element_type3A_75, %cond3A_76 : i32
      scf.if %cond3A_77 {
        %add3A_78 = arith.constant 2 : i32
        %add3A_79 = arith.addi %add3A_64, %add3A_78 : i32
        %dma_start3A_80 = arith.constant 0 : i32
        %dma_start3A_81 = tpu.memref_slice %arg7[%add3A_79, %dma_start3A_80] : memref<40x128xi32, #tpu.memory_space<vmem>> -> memref<1x128xi32, #tpu.memory_space<vmem>>
        %dma_start3A_82 = tpu.memref_squeeze %dma_start3A_81 : memref<1x128xi32, #tpu.memory_space<vmem>> -> memref<128xi32, #tpu.memory_space<vmem>>
        %dma_start3A_83 = arith.constant 0 : i32
        %dma_start3A_84 = arith.constant 0 : i32
        %dma_start3A_85 = tpu.memref_slice %arg2[%dma_start3A_83, %dma_start3A_84] : memref<10112x128xf32, #tpu.memory_space<hbm>> -> memref<10112x128xf32, #tpu.memory_space<hbm>>
        tpu.enqueue_indirect_dma source(%dma_start3A_85 : memref<10112x128xf32, #tpu.memory_space<hbm>>) target(%arg10 : memref<128x128xf32, #tpu.memory_space<vmem>>) offsets(%dma_start3A_82 : memref<128xi32, #tpu.memory_space<vmem>>) semaphore(%arg13 : memref<!tpu.dma_semaphore, #tpu.memory_space<semaphore_mem>>)
      } else {
      }
    }
    %scan3A_45 = arith.constant 20 : i32
    %barrier3A_46 = arith.constant 0 : index
    tpu.barrier barrier_id(%barrier3A_46)
    "tpu.region"() ({
      %run_scoped3A = tpu.sem_alloc : memref<!tpu.dma_semaphore, #tpu.memory_space<semaphore_mem>>
      %dma_start3A_47 = arith.constant 0 : i32
      %dma_start3A_48 = tpu.memref_slice %arg6[%arg0, %mul3A_0, %dma_start3A_47] : memref<2x10112x128xf32, #tpu.memory_space<hbm>> -> memref<1x632x128xf32, #tpu.memory_space<hbm>>
      %dma_start3A_49 = tpu.memref_squeeze %dma_start3A_48 : memref<1x632x128xf32, #tpu.memory_space<hbm>> -> memref<632x128xf32, #tpu.memory_space<hbm>>
      %dma_start3A_50 = arith.constant 0 : i32
      %dma_start3A_51 = tpu.memref_slice %arg11[%mul3A_0, %dma_start3A_50] : memref<10112x128xf32, #tpu.memory_space<vmem_shared>> -> memref<632x128xf32, #tpu.memory_space<vmem_shared>>
      tpu.enqueue_dma source(%dma_start3A_51 : memref<632x128xf32, #tpu.memory_space<vmem_shared>>) target(%dma_start3A_49 : memref<632x128xf32, #tpu.memory_space<hbm>>) target_semaphore(%run_scoped3A : memref<!tpu.dma_semaphore, #tpu.memory_space<semaphore_mem>>)
      %dma_wait3A = arith.constant 0 : i32
      %dma_wait3A_52 = tpu.memref_slice %arg6[%arg0, %mul3A_0, %dma_wait3A] : memref<2x10112x128xf32, #tpu.memory_space<hbm>> -> memref<1x632x128xf32, #tpu.memory_space<hbm>>
      %dma_wait3A_53 = tpu.memref_squeeze %dma_wait3A_52 : memref<1x632x128xf32, #tpu.memory_space<hbm>> -> memref<632x128xf32, #tpu.memory_space<hbm>>
      %dma_wait3A_54 = arith.constant 0 : i32
      %dma_wait3A_55 = tpu.memref_slice %arg11[%mul3A_0, %dma_wait3A_54] : memref<10112x128xf32, #tpu.memory_space<vmem_shared>> -> memref<632x128xf32, #tpu.memory_space<vmem_shared>>
      tpu.wait_dma2 semaphore(%run_scoped3A : memref<!tpu.dma_semaphore, #tpu.memory_space<semaphore_mem>>) src(%dma_wait3A_55 : memref<632x128xf32, #tpu.memory_space<vmem_shared>>) dst(%dma_wait3A_53 : memref<632x128xf32, #tpu.memory_space<hbm>>)
      tpu.yield
    }) : () -> ()
    return
  }
}

#map = affine_map<(d0, d1) -> (0, 0)>
#map1 = affine_map<(d0, d1) -> (0, 0, 0)>
module attributes {stable_mosaic.version = 14 : i64} {
  func.func @agg(%arg0: i32, %arg1: i32, %arg2: memref<10112x128xf32, #tpu.memory_space<hbm>>, %arg3: memref<2x1280x128xi32, #tpu.memory_space<hbm>>, %arg4: memref<2x1280x128xi32, #tpu.memory_space<hbm>>, %arg5: memref<10112x128xf32, #tpu.memory_space<hbm>>, %arg6: memref<2x10112x128xf32, #tpu.memory_space<hbm>>, %arg7: memref<40x128xi32, #tpu.memory_space<vmem>>, %arg8: memref<40x128xi32, #tpu.memory_space<vmem>>, %arg9: memref<128x128xf32, #tpu.memory_space<vmem>>, %arg10: memref<128x128xf32, #tpu.memory_space<vmem>>, %arg11: memref<10112x128xf32, #tpu.memory_space<vmem_shared>>, %arg12: memref<!tpu.dma_semaphore, #tpu.memory_space<semaphore_mem>>, %arg13: memref<!tpu.dma_semaphore, #tpu.memory_space<semaphore_mem>>) attributes {dimension_semantics = [#tpu.dimension_semantics<core_parallel>, #tpu.dimension_semantics<subcore_parallel>], iteration_bounds = array<i64: 2, 16>, scalar_prefetch = 0 : i64, scratch_operands = 7 : i64, tpu.core_type = #tpu.core_type<sc_vector_subcore>, window_params = [{transform_indices = #map}, {transform_indices = #map1}, {transform_indices = #map1}, {transform_indices = #map}, {transform_indices = #map1}]} {
    %mul3A = arith.constant 632 : i32
    %mul3A_0 = arith.muli %arg1, %mul3A : i32
    "tpu.region"() ({
      %run_scoped3A = tpu.sem_alloc : memref<!tpu.dma_semaphore, #tpu.memory_space<semaphore_mem>>
      %dma_start3A_47 = arith.constant 0 : i32
      %dma_start3A_48 = tpu.memref_slice %arg11[%mul3A_0, %dma_start3A_47] : memref<10112x128xf32, #tpu.memory_space<vmem_shared>> -> memref<632x128xf32, #tpu.memory_space<vmem_shared>>
      %dma_start3A_49 = arith.constant 0 : i32
      %dma_start3A_50 = tpu.memref_slice %arg5[%mul3A_0, %dma_start3A_49] : memref<10112x128xf32, #tpu.memory_space<hbm>> -> memref<632x128xf32, #tpu.memory_space<hbm>>
      tpu.enqueue_dma source(%dma_start3A_50 : memref<632x128xf32, #tpu.memory_space<hbm>>) target(%dma_start3A_48 : memref<632x128xf32, #tpu.memory_space<vmem_shared>>) target_semaphore(%run_scoped3A : memref<!tpu.dma_semaphore, #tpu.memory_space<semaphore_mem>>)
      %dma_wait3A = arith.constant 0 : i32
      %dma_wait3A_51 = tpu.memref_slice %arg11[%mul3A_0, %dma_wait3A] : memref<10112x128xf32, #tpu.memory_space<vmem_shared>> -> memref<632x128xf32, #tpu.memory_space<vmem_shared>>
      %dma_wait3A_52 = arith.constant 0 : i32
      %dma_wait3A_53 = tpu.memref_slice %arg5[%mul3A_0, %dma_wait3A_52] : memref<10112x128xf32, #tpu.memory_space<hbm>> -> memref<632x128xf32, #tpu.memory_space<hbm>>
      tpu.wait_dma2 semaphore(%run_scoped3A : memref<!tpu.dma_semaphore, #tpu.memory_space<semaphore_mem>>) src(%dma_wait3A_53 : memref<632x128xf32, #tpu.memory_space<hbm>>) dst(%dma_wait3A_51 : memref<632x128xf32, #tpu.memory_space<vmem_shared>>)
      tpu.yield
    }) : () -> ()
    %barrier3A = arith.constant 0 : index
    tpu.barrier barrier_id(%barrier3A)
    %mul3A_1 = arith.constant 80 : i32
    %mul3A_2 = arith.muli %arg1, %mul3A_1 : i32
    %add3A = arith.constant 0 : i32
    %add3A_3 = arith.addi %mul3A_2, %add3A : i32
    "tpu.region"() ({
      %run_scoped3A = tpu.sem_alloc : memref<!tpu.dma_semaphore, #tpu.memory_space<semaphore_mem>>
      %dma_start3A_47 = arith.constant 0 : i32
      %dma_start3A_48 = tpu.memref_slice %arg3[%arg0, %add3A_3, %dma_start3A_47] : memref<2x1280x128xi32, #tpu.memory_space<hbm>> -> memref<1x40x128xi32, #tpu.memory_space<hbm>>
      %dma_start3A_49 = tpu.memref_squeeze %dma_start3A_48 : memref<1x40x128xi32, #tpu.memory_space<hbm>> -> memref<40x128xi32, #tpu.memory_space<hbm>>
      %dma_start3A_50 = arith.constant 0 : i32
      %dma_start3A_51 = tpu.memref_slice %arg3[%arg0, %add3A_3, %dma_start3A_50] : memref<2x1280x128xi32, #tpu.memory_space<hbm>> -> memref<1x40x128xi32, #tpu.memory_space<hbm>>
      %dma_start3A_52 = tpu.memref_squeeze %dma_start3A_51 : memref<1x40x128xi32, #tpu.memory_space<hbm>> -> memref<40x128xi32, #tpu.memory_space<hbm>>
      tpu.enqueue_dma source(%dma_start3A_52 : memref<40x128xi32, #tpu.memory_space<hbm>>) target(%arg7 : memref<40x128xi32, #tpu.memory_space<vmem>>) target_semaphore(%run_scoped3A : memref<!tpu.dma_semaphore, #tpu.memory_space<semaphore_mem>>)
      %dma_wait3A = arith.constant 0 : i32
      %dma_wait3A_53 = tpu.memref_slice %arg3[%arg0, %add3A_3, %dma_wait3A] : memref<2x1280x128xi32, #tpu.memory_space<hbm>> -> memref<1x40x128xi32, #tpu.memory_space<hbm>>
      %dma_wait3A_54 = tpu.memref_squeeze %dma_wait3A_53 : memref<1x40x128xi32, #tpu.memory_space<hbm>> -> memref<40x128xi32, #tpu.memory_space<hbm>>
      %dma_wait3A_55 = arith.constant 0 : i32
      %dma_wait3A_56 = tpu.memref_slice %arg3[%arg0, %add3A_3, %dma_wait3A_55] : memref<2x1280x128xi32, #tpu.memory_space<hbm>> -> memref<1x40x128xi32, #tpu.memory_space<hbm>>
      %dma_wait3A_57 = tpu.memref_squeeze %dma_wait3A_56 : memref<1x40x128xi32, #tpu.memory_space<hbm>> -> memref<40x128xi32, #tpu.memory_space<hbm>>
      tpu.wait_dma2 semaphore(%run_scoped3A : memref<!tpu.dma_semaphore, #tpu.memory_space<semaphore_mem>>) src(%dma_wait3A_57 : memref<40x128xi32, #tpu.memory_space<hbm>>) dst(%arg7 : memref<40x128xi32, #tpu.memory_space<vmem>>)
      tpu.yield
    }) : () -> ()
    "tpu.region"() ({
      %run_scoped3A = tpu.sem_alloc : memref<!tpu.dma_semaphore, #tpu.memory_space<semaphore_mem>>
      %dma_start3A_47 = arith.constant 0 : i32
      %dma_start3A_48 = tpu.memref_slice %arg4[%arg0, %add3A_3, %dma_start3A_47] : memref<2x1280x128xi32, #tpu.memory_space<hbm>> -> memref<1x40x128xi32, #tpu.memory_space<hbm>>
      %dma_start3A_49 = tpu.memref_squeeze %dma_start3A_48 : memref<1x40x128xi32, #tpu.memory_space<hbm>> -> memref<40x128xi32, #tpu.memory_space<hbm>>
      %dma_start3A_50 = arith.constant 0 : i32
      %dma_start3A_51 = tpu.memref_slice %arg4[%arg0, %add3A_3, %dma_start3A_50] : memref<2x1280x128xi32, #tpu.memory_space<hbm>> -> memref<1x40x128xi32, #tpu.memory_space<hbm>>
      %dma_start3A_52 = tpu.memref_squeeze %dma_start3A_51 : memref<1x40x128xi32, #tpu.memory_space<hbm>> -> memref<40x128xi32, #tpu.memory_space<hbm>>
      tpu.enqueue_dma source(%dma_start3A_52 : memref<40x128xi32, #tpu.memory_space<hbm>>) target(%arg8 : memref<40x128xi32, #tpu.memory_space<vmem>>) target_semaphore(%run_scoped3A : memref<!tpu.dma_semaphore, #tpu.memory_space<semaphore_mem>>)
      %dma_wait3A = arith.constant 0 : i32
      %dma_wait3A_53 = tpu.memref_slice %arg4[%arg0, %add3A_3, %dma_wait3A] : memref<2x1280x128xi32, #tpu.memory_space<hbm>> -> memref<1x40x128xi32, #tpu.memory_space<hbm>>
      %dma_wait3A_54 = tpu.memref_squeeze %dma_wait3A_53 : memref<1x40x128xi32, #tpu.memory_space<hbm>> -> memref<40x128xi32, #tpu.memory_space<hbm>>
      %dma_wait3A_55 = arith.constant 0 : i32
      %dma_wait3A_56 = tpu.memref_slice %arg4[%arg0, %add3A_3, %dma_wait3A_55] : memref<2x1280x128xi32, #tpu.memory_space<hbm>> -> memref<1x40x128xi32, #tpu.memory_space<hbm>>
      %dma_wait3A_57 = tpu.memref_squeeze %dma_wait3A_56 : memref<1x40x128xi32, #tpu.memory_space<hbm>> -> memref<40x128xi32, #tpu.memory_space<hbm>>
      tpu.wait_dma2 semaphore(%run_scoped3A : memref<!tpu.dma_semaphore, #tpu.memory_space<semaphore_mem>>) src(%dma_wait3A_57 : memref<40x128xi32, #tpu.memory_space<hbm>>) dst(%arg8 : memref<40x128xi32, #tpu.memory_space<vmem>>)
      tpu.yield
    }) : () -> ()
    %dma_start3A = arith.constant 0 : i32
    %dma_start3A_4 = arith.constant 0 : i32
    %dma_start3A_5 = tpu.memref_slice %arg7[%dma_start3A, %dma_start3A_4] : memref<40x128xi32, #tpu.memory_space<vmem>> -> memref<1x128xi32, #tpu.memory_space<vmem>>
    %dma_start3A_6 = tpu.memref_squeeze %dma_start3A_5 : memref<1x128xi32, #tpu.memory_space<vmem>> -> memref<128xi32, #tpu.memory_space<vmem>>
    %dma_start3A_7 = arith.constant 0 : i32
    %dma_start3A_8 = arith.constant 0 : i32
    %dma_start3A_9 = tpu.memref_slice %arg2[%dma_start3A_7, %dma_start3A_8] : memref<10112x128xf32, #tpu.memory_space<hbm>> -> memref<10112x128xf32, #tpu.memory_space<hbm>>
    tpu.enqueue_indirect_dma source(%dma_start3A_9 : memref<10112x128xf32, #tpu.memory_space<hbm>>) target(%arg9 : memref<128x128xf32, #tpu.memory_space<vmem>>) offsets(%dma_start3A_6 : memref<128xi32, #tpu.memory_space<vmem>>) semaphore(%arg12 : memref<!tpu.dma_semaphore, #tpu.memory_space<semaphore_mem>>)
    %dma_start3A_10 = arith.constant 1 : i32
    %dma_start3A_11 = arith.constant 0 : i32
    %dma_start3A_12 = tpu.memref_slice %arg7[%dma_start3A_10, %dma_start3A_11] : memref<40x128xi32, #tpu.memory_space<vmem>> -> memref<1x128xi32, #tpu.memory_space<vmem>>
    %dma_start3A_13 = tpu.memref_squeeze %dma_start3A_12 : memref<1x128xi32, #tpu.memory_space<vmem>> -> memref<128xi32, #tpu.memory_space<vmem>>
    %dma_start3A_14 = arith.constant 0 : i32
    %dma_start3A_15 = arith.constant 0 : i32
    %dma_start3A_16 = tpu.memref_slice %arg2[%dma_start3A_14, %dma_start3A_15] : memref<10112x128xf32, #tpu.memory_space<hbm>> -> memref<10112x128xf32, #tpu.memory_space<hbm>>
    tpu.enqueue_indirect_dma source(%dma_start3A_16 : memref<10112x128xf32, #tpu.memory_space<hbm>>) target(%arg10 : memref<128x128xf32, #tpu.memory_space<vmem>>) offsets(%dma_start3A_13 : memref<128xi32, #tpu.memory_space<vmem>>) semaphore(%arg13 : memref<!tpu.dma_semaphore, #tpu.memory_space<semaphore_mem>>)
    %scan3A = arith.constant 0 : i32
    %scan3A_17 = arith.constant 0 : i32
    %scan3A_18 = arith.constant 20 : i32
    %scan3A_19 = arith.addi %scan3A_17, %scan3A_18 : i32
    %scan3A_20 = arith.constant 1 : i32
    scf.for %scan3A_47 = %scan3A_17 to %scan3A_19 step %scan3A_20  : i32 {
      %mul3A_48 = arith.constant 2 : i32
      %mul3A_49 = arith.muli %mul3A_48, %scan3A_47 : i32
      %add3A_50 = arith.constant 0 : i32
      %add3A_51 = arith.addi %mul3A_49, %add3A_50 : i32
      %dma_wait3A = arith.constant 0 : i32
      %dma_wait3A_52 = tpu.memref_slice %arg7[%add3A_51, %dma_wait3A] : memref<40x128xi32, #tpu.memory_space<vmem>> -> memref<1x128xi32, #tpu.memory_space<vmem>>
      %dma_wait3A_53 = tpu.memref_squeeze %dma_wait3A_52 : memref<1x128xi32, #tpu.memory_space<vmem>> -> memref<128xi32, #tpu.memory_space<vmem>>
      %dma_wait3A_54 = arith.constant 0 : i32
      %dma_wait3A_55 = arith.constant 0 : i32
      %dma_wait3A_56 = tpu.memref_slice %arg2[%dma_wait3A_54, %dma_wait3A_55] : memref<10112x128xf32, #tpu.memory_space<hbm>> -> memref<10112x128xf32, #tpu.memory_space<hbm>>
      tpu.wait_indirect_dma semaphore(%arg12 : memref<!tpu.dma_semaphore, #tpu.memory_space<semaphore_mem>>) src(%dma_wait3A_56 : memref<10112x128xf32, #tpu.memory_space<hbm>>) dst(%arg9 : memref<128x128xf32, #tpu.memory_space<vmem>>)
      "tpu.region"() ({
        %run_scoped3A = tpu.sem_alloc : memref<!tpu.dma_semaphore, #tpu.memory_space<semaphore_mem>>
        %dma_start3A_78 = arith.constant 0 : i32
        %dma_start3A_79 = tpu.memref_slice %arg8[%add3A_51, %dma_start3A_78] : memref<40x128xi32, #tpu.memory_space<vmem>> -> memref<1x128xi32, #tpu.memory_space<vmem>>
        %dma_start3A_80 = tpu.memref_squeeze %dma_start3A_79 : memref<1x128xi32, #tpu.memory_space<vmem>> -> memref<128xi32, #tpu.memory_space<vmem>>
        %dma_start3A_81 = arith.constant 0 : i32
        %dma_start3A_82 = arith.constant 0 : i32
        %dma_start3A_83 = tpu.memref_slice %arg11[%dma_start3A_81, %dma_start3A_82] : memref<10112x128xf32, #tpu.memory_space<vmem_shared>> -> memref<10112x128xf32, #tpu.memory_space<vmem_shared>>
        tpu.enqueue_indirect_dma source(%arg9 : memref<128x128xf32, #tpu.memory_space<vmem>>) target(%dma_start3A_83 : memref<10112x128xf32, #tpu.memory_space<vmem_shared>>) offsets(%dma_start3A_80 : memref<128xi32, #tpu.memory_space<vmem>>) semaphore(%run_scoped3A : memref<!tpu.dma_semaphore, #tpu.memory_space<semaphore_mem>>) {add = true}
        %dma_wait3A_84 = arith.constant 0 : i32
        %dma_wait3A_85 = tpu.memref_slice %arg8[%add3A_51, %dma_wait3A_84] : memref<40x128xi32, #tpu.memory_space<vmem>> -> memref<1x128xi32, #tpu.memory_space<vmem>>
        %dma_wait3A_86 = tpu.memref_squeeze %dma_wait3A_85 : memref<1x128xi32, #tpu.memory_space<vmem>> -> memref<128xi32, #tpu.memory_space<vmem>>
        %dma_wait3A_87 = arith.constant 0 : i32
        %dma_wait3A_88 = arith.constant 0 : i32
        %dma_wait3A_89 = tpu.memref_slice %arg11[%dma_wait3A_87, %dma_wait3A_88] : memref<10112x128xf32, #tpu.memory_space<vmem_shared>> -> memref<10112x128xf32, #tpu.memory_space<vmem_shared>>
        tpu.wait_indirect_dma semaphore(%run_scoped3A : memref<!tpu.dma_semaphore, #tpu.memory_space<semaphore_mem>>) src(%arg9 : memref<128x128xf32, #tpu.memory_space<vmem>>) dst(%dma_wait3A_89 : memref<10112x128xf32, #tpu.memory_space<vmem_shared>>)
        tpu.yield
      }) : () -> ()
      %add3A_57 = arith.constant 2 : i32
      %add3A_58 = arith.addi %add3A_51, %add3A_57 : i32
      %lt3A = arith.constant 40 : i32
      %lt3A_59 = arith.cmpi slt, %add3A_58, %lt3A : i32
      %convert_element_type3A = arith.extui %lt3A_59 : i1 to i32
      %cond3A = arith.constant 0 : i32
      %cond3A_60 = arith.cmpi ne, %convert_element_type3A, %cond3A : i32
      scf.if %cond3A_60 {
        %add3A_78 = arith.constant 2 : i32
        %add3A_79 = arith.addi %add3A_51, %add3A_78 : i32
        %dma_start3A_80 = arith.constant 0 : i32
        %dma_start3A_81 = tpu.memref_slice %arg7[%add3A_79, %dma_start3A_80] : memref<40x128xi32, #tpu.memory_space<vmem>> -> memref<1x128xi32, #tpu.memory_space<vmem>>
        %dma_start3A_82 = tpu.memref_squeeze %dma_start3A_81 : memref<1x128xi32, #tpu.memory_space<vmem>> -> memref<128xi32, #tpu.memory_space<vmem>>
        %dma_start3A_83 = arith.constant 0 : i32
        %dma_start3A_84 = arith.constant 0 : i32
        %dma_start3A_85 = tpu.memref_slice %arg2[%dma_start3A_83, %dma_start3A_84] : memref<10112x128xf32, #tpu.memory_space<hbm>> -> memref<10112x128xf32, #tpu.memory_space<hbm>>
        tpu.enqueue_indirect_dma source(%dma_start3A_85 : memref<10112x128xf32, #tpu.memory_space<hbm>>) target(%arg9 : memref<128x128xf32, #tpu.memory_space<vmem>>) offsets(%dma_start3A_82 : memref<128xi32, #tpu.memory_space<vmem>>) semaphore(%arg12 : memref<!tpu.dma_semaphore, #tpu.memory_space<semaphore_mem>>)
      } else {
      }
      %mul3A_61 = arith.constant 2 : i32
      %mul3A_62 = arith.muli %mul3A_61, %scan3A_47 : i32
      %add3A_63 = arith.constant 1 : i32
      %add3A_64 = arith.addi %mul3A_62, %add3A_63 : i32
      %dma_wait3A_65 = arith.constant 0 : i32
      %dma_wait3A_66 = tpu.memref_slice %arg7[%add3A_64, %dma_wait3A_65] : memref<40x128xi32, #tpu.memory_space<vmem>> -> memref<1x128xi32, #tpu.memory_space<vmem>>
      %dma_wait3A_67 = tpu.memref_squeeze %dma_wait3A_66 : memref<1x128xi32, #tpu.memory_space<vmem>> -> memref<128xi32, #tpu.memory_space<vmem>>
      %dma_wait3A_68 = arith.constant 0 : i32
      %dma_wait3A_69 = arith.constant 0 : i32
      %dma_wait3A_70 = tpu.memref_slice %arg2[%dma_wait3A_68, %dma_wait3A_69] : memref<10112x128xf32, #tpu.memory_space<hbm>> -> memref<10112x128xf32, #tpu.memory_space<hbm>>
      tpu.wait_indirect_dma semaphore(%arg13 : memref<!tpu.dma_semaphore, #tpu.memory_space<semaphore_mem>>) src(%dma_wait3A_70 : memref<10112x128xf32, #tpu.memory_space<hbm>>) dst(%arg10 : memref<128x128xf32, #tpu.memory_space<vmem>>)
      "tpu.region"() ({
        %run_scoped3A = tpu.sem_alloc : memref<!tpu.dma_semaphore, #tpu.memory_space<semaphore_mem>>
        %dma_start3A_78 = arith.constant 0 : i32
        %dma_start3A_79 = tpu.memref_slice %arg8[%add3A_64, %dma_start3A_78] : memref<40x128xi32, #tpu.memory_space<vmem>> -> memref<1x128xi32, #tpu.memory_space<vmem>>
        %dma_start3A_80 = tpu.memref_squeeze %dma_start3A_79 : memref<1x128xi32, #tpu.memory_space<vmem>> -> memref<128xi32, #tpu.memory_space<vmem>>
        %dma_start3A_81 = arith.constant 0 : i32
        %dma_start3A_82 = arith.constant 0 : i32
        %dma_start3A_83 = tpu.memref_slice %arg11[%dma_start3A_81, %dma_start3A_82] : memref<10112x128xf32, #tpu.memory_space<vmem_shared>> -> memref<10112x128xf32, #tpu.memory_space<vmem_shared>>
        tpu.enqueue_indirect_dma source(%arg10 : memref<128x128xf32, #tpu.memory_space<vmem>>) target(%dma_start3A_83 : memref<10112x128xf32, #tpu.memory_space<vmem_shared>>) offsets(%dma_start3A_80 : memref<128xi32, #tpu.memory_space<vmem>>) semaphore(%run_scoped3A : memref<!tpu.dma_semaphore, #tpu.memory_space<semaphore_mem>>) {add = true}
        %dma_wait3A_84 = arith.constant 0 : i32
        %dma_wait3A_85 = tpu.memref_slice %arg8[%add3A_64, %dma_wait3A_84] : memref<40x128xi32, #tpu.memory_space<vmem>> -> memref<1x128xi32, #tpu.memory_space<vmem>>
        %dma_wait3A_86 = tpu.memref_squeeze %dma_wait3A_85 : memref<1x128xi32, #tpu.memory_space<vmem>> -> memref<128xi32, #tpu.memory_space<vmem>>
        %dma_wait3A_87 = arith.constant 0 : i32
        %dma_wait3A_88 = arith.constant 0 : i32
        %dma_wait3A_89 = tpu.memref_slice %arg11[%dma_wait3A_87, %dma_wait3A_88] : memref<10112x128xf32, #tpu.memory_space<vmem_shared>> -> memref<10112x128xf32, #tpu.memory_space<vmem_shared>>
        tpu.wait_indirect_dma semaphore(%run_scoped3A : memref<!tpu.dma_semaphore, #tpu.memory_space<semaphore_mem>>) src(%arg10 : memref<128x128xf32, #tpu.memory_space<vmem>>) dst(%dma_wait3A_89 : memref<10112x128xf32, #tpu.memory_space<vmem_shared>>)
        tpu.yield
      }) : () -> ()
      %add3A_71 = arith.constant 2 : i32
      %add3A_72 = arith.addi %add3A_64, %add3A_71 : i32
      %lt3A_73 = arith.constant 40 : i32
      %lt3A_74 = arith.cmpi slt, %add3A_72, %lt3A_73 : i32
      %convert_element_type3A_75 = arith.extui %lt3A_74 : i1 to i32
      %cond3A_76 = arith.constant 0 : i32
      %cond3A_77 = arith.cmpi ne, %convert_element_type3A_75, %cond3A_76 : i32
      scf.if %cond3A_77 {
        %add3A_78 = arith.constant 2 : i32
        %add3A_79 = arith.addi %add3A_64, %add3A_78 : i32
        %dma_start3A_80 = arith.constant 0 : i32
        %dma_start3A_81 = tpu.memref_slice %arg7[%add3A_79, %dma_start3A_80] : memref<40x128xi32, #tpu.memory_space<vmem>> -> memref<1x128xi32, #tpu.memory_space<vmem>>
        %dma_start3A_82 = tpu.memref_squeeze %dma_start3A_81 : memref<1x128xi32, #tpu.memory_space<vmem>> -> memref<128xi32, #tpu.memory_space<vmem>>
        %dma_start3A_83 = arith.constant 0 : i32
        %dma_start3A_84 = arith.constant 0 : i32
        %dma_start3A_85 = tpu.memref_slice %arg2[%dma_start3A_83, %dma_start3A_84] : memref<10112x128xf32, #tpu.memory_space<hbm>> -> memref<10112x128xf32, #tpu.memory_space<hbm>>
        tpu.enqueue_indirect_dma source(%dma_start3A_85 : memref<10112x128xf32, #tpu.memory_space<hbm>>) target(%arg10 : memref<128x128xf32, #tpu.memory_space<vmem>>) offsets(%dma_start3A_82 : memref<128xi32, #tpu.memory_space<vmem>>) semaphore(%arg13 : memref<!tpu.dma_semaphore, #tpu.memory_space<semaphore_mem>>)
      } else {
      }
    }
    %scan3A_21 = arith.constant 20 : i32
    %mul3A_22 = arith.constant 80 : i32
    %mul3A_23 = arith.muli %arg1, %mul3A_22 : i32
    %add3A_24 = arith.constant 40 : i32
    %add3A_25 = arith.addi %mul3A_23, %add3A_24 : i32
    "tpu.region"() ({
      %run_scoped3A = tpu.sem_alloc : memref<!tpu.dma_semaphore, #tpu.memory_space<semaphore_mem>>
      %dma_start3A_47 = arith.constant 0 : i32
      %dma_start3A_48 = tpu.memref_slice %arg3[%arg0, %add3A_25, %dma_start3A_47] : memref<2x1280x128xi32, #tpu.memory_space<hbm>> -> memref<1x40x128xi32, #tpu.memory_space<hbm>>
      %dma_start3A_49 = tpu.memref_squeeze %dma_start3A_48 : memref<1x40x128xi32, #tpu.memory_space<hbm>> -> memref<40x128xi32, #tpu.memory_space<hbm>>
      %dma_start3A_50 = arith.constant 0 : i32
      %dma_start3A_51 = tpu.memref_slice %arg3[%arg0, %add3A_25, %dma_start3A_50] : memref<2x1280x128xi32, #tpu.memory_space<hbm>> -> memref<1x40x128xi32, #tpu.memory_space<hbm>>
      %dma_start3A_52 = tpu.memref_squeeze %dma_start3A_51 : memref<1x40x128xi32, #tpu.memory_space<hbm>> -> memref<40x128xi32, #tpu.memory_space<hbm>>
      tpu.enqueue_dma source(%dma_start3A_52 : memref<40x128xi32, #tpu.memory_space<hbm>>) target(%arg7 : memref<40x128xi32, #tpu.memory_space<vmem>>) target_semaphore(%run_scoped3A : memref<!tpu.dma_semaphore, #tpu.memory_space<semaphore_mem>>)
      %dma_wait3A = arith.constant 0 : i32
      %dma_wait3A_53 = tpu.memref_slice %arg3[%arg0, %add3A_25, %dma_wait3A] : memref<2x1280x128xi32, #tpu.memory_space<hbm>> -> memref<1x40x128xi32, #tpu.memory_space<hbm>>
      %dma_wait3A_54 = tpu.memref_squeeze %dma_wait3A_53 : memref<1x40x128xi32, #tpu.memory_space<hbm>> -> memref<40x128xi32, #tpu.memory_space<hbm>>
      %dma_wait3A_55 = arith.constant 0 : i32
      %dma_wait3A_56 = tpu.memref_slice %arg3[%arg0, %add3A_25, %dma_wait3A_55] : memref<2x1280x128xi32, #tpu.memory_space<hbm>> -> memref<1x40x128xi32, #tpu.memory_space<hbm>>
      %dma_wait3A_57 = tpu.memref_squeeze %dma_wait3A_56 : memref<1x40x128xi32, #tpu.memory_space<hbm>> -> memref<40x128xi32, #tpu.memory_space<hbm>>
      tpu.wait_dma2 semaphore(%run_scoped3A : memref<!tpu.dma_semaphore, #tpu.memory_space<semaphore_mem>>) src(%dma_wait3A_57 : memref<40x128xi32, #tpu.memory_space<hbm>>) dst(%arg7 : memref<40x128xi32, #tpu.memory_space<vmem>>)
      tpu.yield
    }) : () -> ()
    "tpu.region"() ({
      %run_scoped3A = tpu.sem_alloc : memref<!tpu.dma_semaphore, #tpu.memory_space<semaphore_mem>>
      %dma_start3A_47 = arith.constant 0 : i32
      %dma_start3A_48 = tpu.memref_slice %arg4[%arg0, %add3A_25, %dma_start3A_47] : memref<2x1280x128xi32, #tpu.memory_space<hbm>> -> memref<1x40x128xi32, #tpu.memory_space<hbm>>
      %dma_start3A_49 = tpu.memref_squeeze %dma_start3A_48 : memref<1x40x128xi32, #tpu.memory_space<hbm>> -> memref<40x128xi32, #tpu.memory_space<hbm>>
      %dma_start3A_50 = arith.constant 0 : i32
      %dma_start3A_51 = tpu.memref_slice %arg4[%arg0, %add3A_25, %dma_start3A_50] : memref<2x1280x128xi32, #tpu.memory_space<hbm>> -> memref<1x40x128xi32, #tpu.memory_space<hbm>>
      %dma_start3A_52 = tpu.memref_squeeze %dma_start3A_51 : memref<1x40x128xi32, #tpu.memory_space<hbm>> -> memref<40x128xi32, #tpu.memory_space<hbm>>
      tpu.enqueue_dma source(%dma_start3A_52 : memref<40x128xi32, #tpu.memory_space<hbm>>) target(%arg8 : memref<40x128xi32, #tpu.memory_space<vmem>>) target_semaphore(%run_scoped3A : memref<!tpu.dma_semaphore, #tpu.memory_space<semaphore_mem>>)
      %dma_wait3A = arith.constant 0 : i32
      %dma_wait3A_53 = tpu.memref_slice %arg4[%arg0, %add3A_25, %dma_wait3A] : memref<2x1280x128xi32, #tpu.memory_space<hbm>> -> memref<1x40x128xi32, #tpu.memory_space<hbm>>
      %dma_wait3A_54 = tpu.memref_squeeze %dma_wait3A_53 : memref<1x40x128xi32, #tpu.memory_space<hbm>> -> memref<40x128xi32, #tpu.memory_space<hbm>>
      %dma_wait3A_55 = arith.constant 0 : i32
      %dma_wait3A_56 = tpu.memref_slice %arg4[%arg0, %add3A_25, %dma_wait3A_55] : memref<2x1280x128xi32, #tpu.memory_space<hbm>> -> memref<1x40x128xi32, #tpu.memory_space<hbm>>
      %dma_wait3A_57 = tpu.memref_squeeze %dma_wait3A_56 : memref<1x40x128xi32, #tpu.memory_space<hbm>> -> memref<40x128xi32, #tpu.memory_space<hbm>>
      tpu.wait_dma2 semaphore(%run_scoped3A : memref<!tpu.dma_semaphore, #tpu.memory_space<semaphore_mem>>) src(%dma_wait3A_57 : memref<40x128xi32, #tpu.memory_space<hbm>>) dst(%arg8 : memref<40x128xi32, #tpu.memory_space<vmem>>)
      tpu.yield
    }) : () -> ()
    %dma_start3A_26 = arith.constant 0 : i32
    %dma_start3A_27 = arith.constant 0 : i32
    %dma_start3A_28 = tpu.memref_slice %arg7[%dma_start3A_26, %dma_start3A_27] : memref<40x128xi32, #tpu.memory_space<vmem>> -> memref<1x128xi32, #tpu.memory_space<vmem>>
    %dma_start3A_29 = tpu.memref_squeeze %dma_start3A_28 : memref<1x128xi32, #tpu.memory_space<vmem>> -> memref<128xi32, #tpu.memory_space<vmem>>
    %dma_start3A_30 = arith.constant 0 : i32
    %dma_start3A_31 = arith.constant 0 : i32
    %dma_start3A_32 = tpu.memref_slice %arg2[%dma_start3A_30, %dma_start3A_31] : memref<10112x128xf32, #tpu.memory_space<hbm>> -> memref<10112x128xf32, #tpu.memory_space<hbm>>
    tpu.enqueue_indirect_dma source(%dma_start3A_32 : memref<10112x128xf32, #tpu.memory_space<hbm>>) target(%arg9 : memref<128x128xf32, #tpu.memory_space<vmem>>) offsets(%dma_start3A_29 : memref<128xi32, #tpu.memory_space<vmem>>) semaphore(%arg12 : memref<!tpu.dma_semaphore, #tpu.memory_space<semaphore_mem>>)
    %dma_start3A_33 = arith.constant 1 : i32
    %dma_start3A_34 = arith.constant 0 : i32
    %dma_start3A_35 = tpu.memref_slice %arg7[%dma_start3A_33, %dma_start3A_34] : memref<40x128xi32, #tpu.memory_space<vmem>> -> memref<1x128xi32, #tpu.memory_space<vmem>>
    %dma_start3A_36 = tpu.memref_squeeze %dma_start3A_35 : memref<1x128xi32, #tpu.memory_space<vmem>> -> memref<128xi32, #tpu.memory_space<vmem>>
    %dma_start3A_37 = arith.constant 0 : i32
    %dma_start3A_38 = arith.constant 0 : i32
    %dma_start3A_39 = tpu.memref_slice %arg2[%dma_start3A_37, %dma_start3A_38] : memref<10112x128xf32, #tpu.memory_space<hbm>> -> memref<10112x128xf32, #tpu.memory_space<hbm>>
    tpu.enqueue_indirect_dma source(%dma_start3A_39 : memref<10112x128xf32, #tpu.memory_space<hbm>>) target(%arg10 : memref<128x128xf32, #tpu.memory_space<vmem>>) offsets(%dma_start3A_36 : memref<128xi32, #tpu.memory_space<vmem>>) semaphore(%arg13 : memref<!tpu.dma_semaphore, #tpu.memory_space<semaphore_mem>>)
    %scan3A_40 = arith.constant 0 : i32
    %scan3A_41 = arith.constant 0 : i32
    %scan3A_42 = arith.constant 20 : i32
    %scan3A_43 = arith.addi %scan3A_41, %scan3A_42 : i32
    %scan3A_44 = arith.constant 1 : i32
    scf.for %scan3A_47 = %scan3A_41 to %scan3A_43 step %scan3A_44  : i32 {
      %mul3A_48 = arith.constant 2 : i32
      %mul3A_49 = arith.muli %mul3A_48, %scan3A_47 : i32
      %add3A_50 = arith.constant 0 : i32
      %add3A_51 = arith.addi %mul3A_49, %add3A_50 : i32
      %dma_wait3A = arith.constant 0 : i32
      %dma_wait3A_52 = tpu.memref_slice %arg7[%add3A_51, %dma_wait3A] : memref<40x128xi32, #tpu.memory_space<vmem>> -> memref<1x128xi32, #tpu.memory_space<vmem>>
      %dma_wait3A_53 = tpu.memref_squeeze %dma_wait3A_52 : memref<1x128xi32, #tpu.memory_space<vmem>> -> memref<128xi32, #tpu.memory_space<vmem>>
      %dma_wait3A_54 = arith.constant 0 : i32
      %dma_wait3A_55 = arith.constant 0 : i32
      %dma_wait3A_56 = tpu.memref_slice %arg2[%dma_wait3A_54, %dma_wait3A_55] : memref<10112x128xf32, #tpu.memory_space<hbm>> -> memref<10112x128xf32, #tpu.memory_space<hbm>>
      tpu.wait_indirect_dma semaphore(%arg12 : memref<!tpu.dma_semaphore, #tpu.memory_space<semaphore_mem>>) src(%dma_wait3A_56 : memref<10112x128xf32, #tpu.memory_space<hbm>>) dst(%arg9 : memref<128x128xf32, #tpu.memory_space<vmem>>)
      "tpu.region"() ({
        %run_scoped3A = tpu.sem_alloc : memref<!tpu.dma_semaphore, #tpu.memory_space<semaphore_mem>>
        %dma_start3A_78 = arith.constant 0 : i32
        %dma_start3A_79 = tpu.memref_slice %arg8[%add3A_51, %dma_start3A_78] : memref<40x128xi32, #tpu.memory_space<vmem>> -> memref<1x128xi32, #tpu.memory_space<vmem>>
        %dma_start3A_80 = tpu.memref_squeeze %dma_start3A_79 : memref<1x128xi32, #tpu.memory_space<vmem>> -> memref<128xi32, #tpu.memory_space<vmem>>
        %dma_start3A_81 = arith.constant 0 : i32
        %dma_start3A_82 = arith.constant 0 : i32
        %dma_start3A_83 = tpu.memref_slice %arg11[%dma_start3A_81, %dma_start3A_82] : memref<10112x128xf32, #tpu.memory_space<vmem_shared>> -> memref<10112x128xf32, #tpu.memory_space<vmem_shared>>
        tpu.enqueue_indirect_dma source(%arg9 : memref<128x128xf32, #tpu.memory_space<vmem>>) target(%dma_start3A_83 : memref<10112x128xf32, #tpu.memory_space<vmem_shared>>) offsets(%dma_start3A_80 : memref<128xi32, #tpu.memory_space<vmem>>) semaphore(%run_scoped3A : memref<!tpu.dma_semaphore, #tpu.memory_space<semaphore_mem>>) {add = true}
        %dma_wait3A_84 = arith.constant 0 : i32
        %dma_wait3A_85 = tpu.memref_slice %arg8[%add3A_51, %dma_wait3A_84] : memref<40x128xi32, #tpu.memory_space<vmem>> -> memref<1x128xi32, #tpu.memory_space<vmem>>
        %dma_wait3A_86 = tpu.memref_squeeze %dma_wait3A_85 : memref<1x128xi32, #tpu.memory_space<vmem>> -> memref<128xi32, #tpu.memory_space<vmem>>
        %dma_wait3A_87 = arith.constant 0 : i32
        %dma_wait3A_88 = arith.constant 0 : i32
        %dma_wait3A_89 = tpu.memref_slice %arg11[%dma_wait3A_87, %dma_wait3A_88] : memref<10112x128xf32, #tpu.memory_space<vmem_shared>> -> memref<10112x128xf32, #tpu.memory_space<vmem_shared>>
        tpu.wait_indirect_dma semaphore(%run_scoped3A : memref<!tpu.dma_semaphore, #tpu.memory_space<semaphore_mem>>) src(%arg9 : memref<128x128xf32, #tpu.memory_space<vmem>>) dst(%dma_wait3A_89 : memref<10112x128xf32, #tpu.memory_space<vmem_shared>>)
        tpu.yield
      }) : () -> ()
      %add3A_57 = arith.constant 2 : i32
      %add3A_58 = arith.addi %add3A_51, %add3A_57 : i32
      %lt3A = arith.constant 40 : i32
      %lt3A_59 = arith.cmpi slt, %add3A_58, %lt3A : i32
      %convert_element_type3A = arith.extui %lt3A_59 : i1 to i32
      %cond3A = arith.constant 0 : i32
      %cond3A_60 = arith.cmpi ne, %convert_element_type3A, %cond3A : i32
      scf.if %cond3A_60 {
        %add3A_78 = arith.constant 2 : i32
        %add3A_79 = arith.addi %add3A_51, %add3A_78 : i32
        %dma_start3A_80 = arith.constant 0 : i32
        %dma_start3A_81 = tpu.memref_slice %arg7[%add3A_79, %dma_start3A_80] : memref<40x128xi32, #tpu.memory_space<vmem>> -> memref<1x128xi32, #tpu.memory_space<vmem>>
        %dma_start3A_82 = tpu.memref_squeeze %dma_start3A_81 : memref<1x128xi32, #tpu.memory_space<vmem>> -> memref<128xi32, #tpu.memory_space<vmem>>
        %dma_start3A_83 = arith.constant 0 : i32
        %dma_start3A_84 = arith.constant 0 : i32
        %dma_start3A_85 = tpu.memref_slice %arg2[%dma_start3A_83, %dma_start3A_84] : memref<10112x128xf32, #tpu.memory_space<hbm>> -> memref<10112x128xf32, #tpu.memory_space<hbm>>
        tpu.enqueue_indirect_dma source(%dma_start3A_85 : memref<10112x128xf32, #tpu.memory_space<hbm>>) target(%arg9 : memref<128x128xf32, #tpu.memory_space<vmem>>) offsets(%dma_start3A_82 : memref<128xi32, #tpu.memory_space<vmem>>) semaphore(%arg12 : memref<!tpu.dma_semaphore, #tpu.memory_space<semaphore_mem>>)
      } else {
      }
      %mul3A_61 = arith.constant 2 : i32
      %mul3A_62 = arith.muli %mul3A_61, %scan3A_47 : i32
      %add3A_63 = arith.constant 1 : i32
      %add3A_64 = arith.addi %mul3A_62, %add3A_63 : i32
      %dma_wait3A_65 = arith.constant 0 : i32
      %dma_wait3A_66 = tpu.memref_slice %arg7[%add3A_64, %dma_wait3A_65] : memref<40x128xi32, #tpu.memory_space<vmem>> -> memref<1x128xi32, #tpu.memory_space<vmem>>
      %dma_wait3A_67 = tpu.memref_squeeze %dma_wait3A_66 : memref<1x128xi32, #tpu.memory_space<vmem>> -> memref<128xi32, #tpu.memory_space<vmem>>
      %dma_wait3A_68 = arith.constant 0 : i32
      %dma_wait3A_69 = arith.constant 0 : i32
      %dma_wait3A_70 = tpu.memref_slice %arg2[%dma_wait3A_68, %dma_wait3A_69] : memref<10112x128xf32, #tpu.memory_space<hbm>> -> memref<10112x128xf32, #tpu.memory_space<hbm>>
      tpu.wait_indirect_dma semaphore(%arg13 : memref<!tpu.dma_semaphore, #tpu.memory_space<semaphore_mem>>) src(%dma_wait3A_70 : memref<10112x128xf32, #tpu.memory_space<hbm>>) dst(%arg10 : memref<128x128xf32, #tpu.memory_space<vmem>>)
      "tpu.region"() ({
        %run_scoped3A = tpu.sem_alloc : memref<!tpu.dma_semaphore, #tpu.memory_space<semaphore_mem>>
        %dma_start3A_78 = arith.constant 0 : i32
        %dma_start3A_79 = tpu.memref_slice %arg8[%add3A_64, %dma_start3A_78] : memref<40x128xi32, #tpu.memory_space<vmem>> -> memref<1x128xi32, #tpu.memory_space<vmem>>
        %dma_start3A_80 = tpu.memref_squeeze %dma_start3A_79 : memref<1x128xi32, #tpu.memory_space<vmem>> -> memref<128xi32, #tpu.memory_space<vmem>>
        %dma_start3A_81 = arith.constant 0 : i32
        %dma_start3A_82 = arith.constant 0 : i32
        %dma_start3A_83 = tpu.memref_slice %arg11[%dma_start3A_81, %dma_start3A_82] : memref<10112x128xf32, #tpu.memory_space<vmem_shared>> -> memref<10112x128xf32, #tpu.memory_space<vmem_shared>>
        tpu.enqueue_indirect_dma source(%arg10 : memref<128x128xf32, #tpu.memory_space<vmem>>) target(%dma_start3A_83 : memref<10112x128xf32, #tpu.memory_space<vmem_shared>>) offsets(%dma_start3A_80 : memref<128xi32, #tpu.memory_space<vmem>>) semaphore(%run_scoped3A : memref<!tpu.dma_semaphore, #tpu.memory_space<semaphore_mem>>) {add = true}
        %dma_wait3A_84 = arith.constant 0 : i32
        %dma_wait3A_85 = tpu.memref_slice %arg8[%add3A_64, %dma_wait3A_84] : memref<40x128xi32, #tpu.memory_space<vmem>> -> memref<1x128xi32, #tpu.memory_space<vmem>>
        %dma_wait3A_86 = tpu.memref_squeeze %dma_wait3A_85 : memref<1x128xi32, #tpu.memory_space<vmem>> -> memref<128xi32, #tpu.memory_space<vmem>>
        %dma_wait3A_87 = arith.constant 0 : i32
        %dma_wait3A_88 = arith.constant 0 : i32
        %dma_wait3A_89 = tpu.memref_slice %arg11[%dma_wait3A_87, %dma_wait3A_88] : memref<10112x128xf32, #tpu.memory_space<vmem_shared>> -> memref<10112x128xf32, #tpu.memory_space<vmem_shared>>
        tpu.wait_indirect_dma semaphore(%run_scoped3A : memref<!tpu.dma_semaphore, #tpu.memory_space<semaphore_mem>>) src(%arg10 : memref<128x128xf32, #tpu.memory_space<vmem>>) dst(%dma_wait3A_89 : memref<10112x128xf32, #tpu.memory_space<vmem_shared>>)
        tpu.yield
      }) : () -> ()
      %add3A_71 = arith.constant 2 : i32
      %add3A_72 = arith.addi %add3A_64, %add3A_71 : i32
      %lt3A_73 = arith.constant 40 : i32
      %lt3A_74 = arith.cmpi slt, %add3A_72, %lt3A_73 : i32
      %convert_element_type3A_75 = arith.extui %lt3A_74 : i1 to i32
      %cond3A_76 = arith.constant 0 : i32
      %cond3A_77 = arith.cmpi ne, %convert_element_type3A_75, %cond3A_76 : i32
      scf.if %cond3A_77 {
        %add3A_78 = arith.constant 2 : i32
        %add3A_79 = arith.addi %add3A_64, %add3A_78 : i32
        %dma_start3A_80 = arith.constant 0 : i32
        %dma_start3A_81 = tpu.memref_slice %arg7[%add3A_79, %dma_start3A_80] : memref<40x128xi32, #tpu.memory_space<vmem>> -> memref<1x128xi32, #tpu.memory_space<vmem>>
        %dma_start3A_82 = tpu.memref_squeeze %dma_start3A_81 : memref<1x128xi32, #tpu.memory_space<vmem>> -> memref<128xi32, #tpu.memory_space<vmem>>
        %dma_start3A_83 = arith.constant 0 : i32
        %dma_start3A_84 = arith.constant 0 : i32
        %dma_start3A_85 = tpu.memref_slice %arg2[%dma_start3A_83, %dma_start3A_84] : memref<10112x128xf32, #tpu.memory_space<hbm>> -> memref<10112x128xf32, #tpu.memory_space<hbm>>
        tpu.enqueue_indirect_dma source(%dma_start3A_85 : memref<10112x128xf32, #tpu.memory_space<hbm>>) target(%arg10 : memref<128x128xf32, #tpu.memory_space<vmem>>) offsets(%dma_start3A_82 : memref<128xi32, #tpu.memory_space<vmem>>) semaphore(%arg13 : memref<!tpu.dma_semaphore, #tpu.memory_space<semaphore_mem>>)
      } else {
      }
    }
    %scan3A_45 = arith.constant 20 : i32
    %barrier3A_46 = arith.constant 0 : index
    tpu.barrier barrier_id(%barrier3A_46)
    "tpu.region"() ({
      %run_scoped3A = tpu.sem_alloc : memref<!tpu.dma_semaphore, #tpu.memory_space<semaphore_mem>>
      %dma_start3A_47 = arith.constant 0 : i32
      %dma_start3A_48 = tpu.memref_slice %arg6[%arg0, %mul3A_0, %dma_start3A_47] : memref<2x10112x128xf32, #tpu.memory_space<hbm>> -> memref<1x632x128xf32, #tpu.memory_space<hbm>>
      %dma_start3A_49 = tpu.memref_squeeze %dma_start3A_48 : memref<1x632x128xf32, #tpu.memory_space<hbm>> -> memref<632x128xf32, #tpu.memory_space<hbm>>
      %dma_start3A_50 = arith.constant 0 : i32
      %dma_start3A_51 = tpu.memref_slice %arg11[%mul3A_0, %dma_start3A_50] : memref<10112x128xf32, #tpu.memory_space<vmem_shared>> -> memref<632x128xf32, #tpu.memory_space<vmem_shared>>
      tpu.enqueue_dma source(%dma_start3A_51 : memref<632x128xf32, #tpu.memory_space<vmem_shared>>) target(%dma_start3A_49 : memref<632x128xf32, #tpu.memory_space<hbm>>) target_semaphore(%run_scoped3A : memref<!tpu.dma_semaphore, #tpu.memory_space<semaphore_mem>>)
      %dma_wait3A = arith.constant 0 : i32
      %dma_wait3A_52 = tpu.memref_slice %arg6[%arg0, %mul3A_0, %dma_wait3A] : memref<2x10112x128xf32, #tpu.memory_space<hbm>> -> memref<1x632x128xf32, #tpu.memory_space<hbm>>
      %dma_wait3A_53 = tpu.memref_squeeze %dma_wait3A_52 : memref<1x632x128xf32, #tpu.memory_space<hbm>> -> memref<632x128xf32, #tpu.memory_space<hbm>>
      %dma_wait3A_54 = arith.constant 0 : i32
      %dma_wait3A_55 = tpu.memref_slice %arg11[%mul3A_0, %dma_wait3A_54] : memref<10112x128xf32, #tpu.memory_space<vmem_shared>> -> memref<632x128xf32, #tpu.memory_space<vmem_shared>>
      tpu.wait_dma2 semaphore(%run_scoped3A : memref<!tpu.dma_semaphore, #tpu.memory_space<semaphore_mem>>) src(%dma_wait3A_55 : memref<632x128xf32, #tpu.memory_space<vmem_shared>>) dst(%dma_wait3A_53 : memref<632x128xf32, #tpu.memory_space<hbm>>)
      tpu.yield
    }) : () -> ()
    return
  }
}

module attributes {stable_mosaic.version = 14 : i64} {
  func.func @_dense_body(%arg0: i32, %arg1: memref<2528x128xf32, #tpu.memory_space<vmem>>, %arg2: memref<2x2528x128xf32, #tpu.memory_space<vmem>>, %arg3: memref<2x2528x128xf32, #tpu.memory_space<vmem>>, %arg4: memref<128x128xf32, #tpu.memory_space<vmem>>, %arg5: memref<128x128xf32, #tpu.memory_space<vmem>>, %arg6: memref<1x128xf32, #tpu.memory_space<vmem>>, %arg7: memref<128x128xf32, #tpu.memory_space<vmem>>, %arg8: memref<128x128xf32, #tpu.memory_space<vmem>>, %arg9: memref<1x128xf32, #tpu.memory_space<vmem>>, %arg10: memref<2528x128xf32, #tpu.memory_space<vmem>>) attributes {dimension_semantics = [#tpu.dimension_semantics<arbitrary>], iteration_bounds = array<i64: 4>, scalar_prefetch = 0 : i64, scratch_operands = 0 : i64, tpu.core_type = #tpu.core_type<tc>, window_params = [{transform_indices = @transform_0, window_bounds = array<i64: 2528, 128>}, {transform_indices = @transform_1, window_bounds = array<i64: 2, 2528, 128>}, {transform_indices = @transform_2, window_bounds = array<i64: 2, 2528, 128>}, {pipeline_mode = #tpu.pipeline_mode<synchronous>, transform_indices = @transform_3, window_bounds = array<i64: 128, 128>}, {pipeline_mode = #tpu.pipeline_mode<synchronous>, transform_indices = @transform_4, window_bounds = array<i64: 128, 128>}, {pipeline_mode = #tpu.pipeline_mode<synchronous>, transform_indices = @transform_5, window_bounds = array<i64: 1, 128>}, {pipeline_mode = #tpu.pipeline_mode<synchronous>, transform_indices = @transform_6, window_bounds = array<i64: 128, 128>}, {pipeline_mode = #tpu.pipeline_mode<synchronous>, transform_indices = @transform_7, window_bounds = array<i64: 128, 128>}, {pipeline_mode = #tpu.pipeline_mode<synchronous>, transform_indices = @transform_8, window_bounds = array<i64: 1, 128>}, {transform_indices = @transform_9, window_bounds = array<i64: 2528, 128>}]} {
    %get3A = arith.constant 0 : index
    %get3A_0 = arith.constant 0 : index
    %get3A_1 = vector.load %arg1[%get3A, %get3A_0] : memref<2528x128xf32, #tpu.memory_space<vmem>>, vector<2528x128xf32>
    %get3A_2 = arith.constant 0 : index
    %get3A_3 = arith.constant 0 : index
    %get3A_4 = arith.constant 0 : index
    %get3A_5 = vector.load %arg2[%get3A_2, %get3A_3, %get3A_4] : memref<2x2528x128xf32, #tpu.memory_space<vmem>>, vector<1x2528x128xf32>
    %get3A_6 = vector.shape_cast %get3A_5 : vector<1x2528x128xf32> to vector<2528x128xf32>
    %get3A_7 = arith.constant 0 : index
    %get3A_8 = arith.constant 0 : index
    %get3A_9 = arith.constant 0 : index
    %get3A_10 = vector.load %arg3[%get3A_7, %get3A_8, %get3A_9] : memref<2x2528x128xf32, #tpu.memory_space<vmem>>, vector<1x2528x128xf32>
    %get3A_11 = vector.shape_cast %get3A_10 : vector<1x2528x128xf32> to vector<2528x128xf32>
    %max3A = arith.constant 1.000000e+00 : f32
    %max3A_12 = vector.broadcast %max3A : f32 to vector<2528x128xf32>
    %max3A_13 = arith.maximumf %get3A_11, %max3A_12 : vector<2528x128xf32>
    %div3A = arith.divf %get3A_6, %max3A_13 : vector<2528x128xf32>
    %get3A_14 = arith.constant 0 : index
    %get3A_15 = arith.constant 0 : index
    %get3A_16 = vector.load %arg4[%get3A_14, %get3A_15] : memref<128x128xf32, #tpu.memory_space<vmem>>, vector<128x128xf32>
    %dot_general3A = arith.constant dense<0.000000e+00> : vector<2528x128xf32>
    %dot_general3A_17 = tpu.matmul %get3A_1, %get3A_16, %dot_general3A {dimension_numbers = #tpu.dot_dimension_numbers<[1], [0], [0], [1], [0, 0, 1, 1], [], []>, transpose_lhs_hint = false} : vector<2528x128xf32>, vector<128x128xf32>, vector<2528x128xf32> -> vector<2528x128xf32>
    %get3A_18 = arith.constant 0 : index
    %get3A_19 = arith.constant 0 : index
    %get3A_20 = vector.load %arg5[%get3A_18, %get3A_19] : memref<128x128xf32, #tpu.memory_space<vmem>>, vector<128x128xf32>
    %dot_general3A_21 = arith.constant dense<0.000000e+00> : vector<2528x128xf32>
    %dot_general3A_22 = tpu.matmul %div3A, %get3A_20, %dot_general3A_21 {dimension_numbers = #tpu.dot_dimension_numbers<[1], [0], [0], [1], [0, 0, 1, 1], [], []>, transpose_lhs_hint = false} : vector<2528x128xf32>, vector<128x128xf32>, vector<2528x128xf32> -> vector<2528x128xf32>
    %add3A = arith.addf %dot_general3A_17, %dot_general3A_22 : vector<2528x128xf32>
    %get3A_23 = arith.constant 0 : index
    %get3A_24 = arith.constant 0 : index
    %get3A_25 = vector.load %arg6[%get3A_23, %get3A_24] : memref<1x128xf32, #tpu.memory_space<vmem>>, vector<1x128xf32>
    %add3A_26 = vector.broadcast %get3A_25 : vector<1x128xf32> to vector<2528x128xf32>
    %add3A_27 = arith.addf %add3A, %add3A_26 : vector<2528x128xf32>
    %max3A_28 = arith.constant 0.000000e+00 : f32
    %max3A_29 = vector.broadcast %max3A_28 : f32 to vector<2528x128xf32>
    %max3A_30 = arith.maximumf %add3A_27, %max3A_29 : vector<2528x128xf32>
    %get3A_31 = arith.constant 1 : index
    %get3A_32 = arith.constant 0 : index
    %get3A_33 = arith.constant 0 : index
    %get3A_34 = vector.load %arg2[%get3A_31, %get3A_32, %get3A_33] : memref<2x2528x128xf32, #tpu.memory_space<vmem>>, vector<1x2528x128xf32>
    %get3A_35 = vector.shape_cast %get3A_34 : vector<1x2528x128xf32> to vector<2528x128xf32>
    %get3A_36 = arith.constant 1 : index
    %get3A_37 = arith.constant 0 : index
    %get3A_38 = arith.constant 0 : index
    %get3A_39 = vector.load %arg3[%get3A_36, %get3A_37, %get3A_38] : memref<2x2528x128xf32, #tpu.memory_space<vmem>>, vector<1x2528x128xf32>
    %get3A_40 = vector.shape_cast %get3A_39 : vector<1x2528x128xf32> to vector<2528x128xf32>
    %max3A_41 = arith.constant 1.000000e+00 : f32
    %max3A_42 = vector.broadcast %max3A_41 : f32 to vector<2528x128xf32>
    %max3A_43 = arith.maximumf %get3A_40, %max3A_42 : vector<2528x128xf32>
    %div3A_44 = arith.divf %get3A_35, %max3A_43 : vector<2528x128xf32>
    %get3A_45 = arith.constant 0 : index
    %get3A_46 = arith.constant 0 : index
    %get3A_47 = vector.load %arg7[%get3A_45, %get3A_46] : memref<128x128xf32, #tpu.memory_space<vmem>>, vector<128x128xf32>
    %dot_general3A_48 = arith.constant dense<0.000000e+00> : vector<2528x128xf32>
    %dot_general3A_49 = tpu.matmul %get3A_1, %get3A_47, %dot_general3A_48 {dimension_numbers = #tpu.dot_dimension_numbers<[1], [0], [0], [1], [0, 0, 1, 1], [], []>, transpose_lhs_hint = false} : vector<2528x128xf32>, vector<128x128xf32>, vector<2528x128xf32> -> vector<2528x128xf32>
    %get3A_50 = arith.constant 0 : index
    %get3A_51 = arith.constant 0 : index
    %get3A_52 = vector.load %arg8[%get3A_50, %get3A_51] : memref<128x128xf32, #tpu.memory_space<vmem>>, vector<128x128xf32>
    %dot_general3A_53 = arith.constant dense<0.000000e+00> : vector<2528x128xf32>
    %dot_general3A_54 = tpu.matmul %div3A_44, %get3A_52, %dot_general3A_53 {dimension_numbers = #tpu.dot_dimension_numbers<[1], [0], [0], [1], [0, 0, 1, 1], [], []>, transpose_lhs_hint = false} : vector<2528x128xf32>, vector<128x128xf32>, vector<2528x128xf32> -> vector<2528x128xf32>
    %add3A_55 = arith.addf %dot_general3A_49, %dot_general3A_54 : vector<2528x128xf32>
    %get3A_56 = arith.constant 0 : index
    %get3A_57 = arith.constant 0 : index
    %get3A_58 = vector.load %arg9[%get3A_56, %get3A_57] : memref<1x128xf32, #tpu.memory_space<vmem>>, vector<1x128xf32>
    %add3A_59 = vector.broadcast %get3A_58 : vector<1x128xf32> to vector<2528x128xf32>
    %add3A_60 = arith.addf %add3A_55, %add3A_59 : vector<2528x128xf32>
    %max3A_61 = arith.constant 0.000000e+00 : f32
    %max3A_62 = vector.broadcast %max3A_61 : f32 to vector<2528x128xf32>
    %max3A_63 = arith.maximumf %add3A_60, %max3A_62 : vector<2528x128xf32>
    %add3A_64 = arith.addf %max3A_30, %max3A_63 : vector<2528x128xf32>
    %swap3A = arith.constant 0 : index
    %swap3A_65 = arith.constant 0 : index
    %swap3A_66 = vector.load %arg10[%swap3A, %swap3A_65] : memref<2528x128xf32, #tpu.memory_space<vmem>>, vector<2528x128xf32>
    tpu.vector_store %arg10[%swap3A, %swap3A_65], %add3A_64 {strides = array<i32>} : memref<2528x128xf32, #tpu.memory_space<vmem>>, vector<2528x128xf32>,
    return
  }
  func.func @transform_0(%arg0: i32) -> (i32, i32) {
    %c0_i32 = arith.constant 0 : i32
    %c0_i32_0 = arith.constant 0 : i32
    return %arg0, %c0_i32 : i32, i32
  }
  func.func @transform_1(%arg0: i32) -> (i32, i32, i32) {
    %c0_i32 = arith.constant 0 : i32
    %c0_i32_0 = arith.constant 0 : i32
    %c0_i32_1 = arith.constant 0 : i32
    return %c0_i32, %arg0, %c0_i32_0 : i32, i32, i32
  }
  func.func @transform_2(%arg0: i32) -> (i32, i32, i32) {
    %c0_i32 = arith.constant 0 : i32
    %c0_i32_0 = arith.constant 0 : i32
    %c0_i32_1 = arith.constant 0 : i32
    return %c0_i32, %arg0, %c0_i32_0 : i32, i32, i32
  }
  func.func @transform_3(%arg0: i32) -> (i32, i32) {
    %c0_i32 = arith.constant 0 : i32
    %c0_i32_0 = arith.constant 0 : i32
    %c0_i32_1 = arith.constant 0 : i32
    return %c0_i32, %c0_i32_0 : i32, i32
  }
  func.func @transform_4(%arg0: i32) -> (i32, i32) {
    %c0_i32 = arith.constant 0 : i32
    %c0_i32_0 = arith.constant 0 : i32
    %c0_i32_1 = arith.constant 0 : i32
    return %c0_i32, %c0_i32_0 : i32, i32
  }
  func.func @transform_5(%arg0: i32) -> (i32, i32) {
    %c0_i32 = arith.constant 0 : i32
    %c0_i32_0 = arith.constant 0 : i32
    %c0_i32_1 = arith.constant 0 : i32
    return %c0_i32, %c0_i32_0 : i32, i32
  }
  func.func @transform_6(%arg0: i32) -> (i32, i32) {
    %c0_i32 = arith.constant 0 : i32
    %c0_i32_0 = arith.constant 0 : i32
    %c0_i32_1 = arith.constant 0 : i32
    return %c0_i32, %c0_i32_0 : i32, i32
  }
  func.func @transform_7(%arg0: i32) -> (i32, i32) {
    %c0_i32 = arith.constant 0 : i32
    %c0_i32_0 = arith.constant 0 : i32
    %c0_i32_1 = arith.constant 0 : i32
    return %c0_i32, %c0_i32_0 : i32, i32
  }
  func.func @transform_8(%arg0: i32) -> (i32, i32) {
    %c0_i32 = arith.constant 0 : i32
    %c0_i32_0 = arith.constant 0 : i32
    %c0_i32_1 = arith.constant 0 : i32
    return %c0_i32, %c0_i32_0 : i32, i32
  }
  func.func @transform_9(%arg0: i32) -> (i32, i32) {
    %c0_i32 = arith.constant 0 : i32
    %c0_i32_0 = arith.constant 0 : i32
    return %arg0, %c0_i32 : i32, i32
  }
}

</mosaic_0001>

<sc_bundles>
// kernel: kernel.12.cloned.1.call-start
scs
__scs_entry_jumppad:
0x0: {  	(pc) =	sbr.rel $0x88, $3  }
0x1: {  	(tag) =	ssettag $0x0;
	lr =	simm.s32 $0x1  }
0x2: {  	[smem:$0x3F8C] =	sst lr;
	_ =	strace $0xD0000000  }
0x3: {  	_ = 	snop  }
0x4: {  	_ = 	snop  }
0x5: {  	_ = 	snop  }
0x6: {  	_ = 	snop  }
0x7: {  	_ = 	snop  }
__scs_overlays_trampoline_lowered:
0x8: {  	[smem:$0x3F9B] =	sst s0  }
0x9: {  	[smem:$0x3F9C] =	sst s1  }
0xa: {  	[smem:$0x3F9D] =	sst s2  }
0xb: {  	[smem:$0x3F9E] =	sst s3  }
0xc: {  	[smem:$0x3F9F] =	sst s4  }
0xd: {  	[smem:$0x3FA0] =	sst s5  }
0xe: {  	[smem:$0x3FA1] =	sst s6  }
0xf: {  	[smem:$0x3FA2] =	sst s7  }
0x10: {  	[smem:$0x3FA3] =	sst s8  }
0x11: {  	[smem:$0x3FA4] =	sst s9;
	s0 =	simm.s32 @!p0 $0x0  }
0x12: {  	s1 =	sld [smem:$0x3F8A];
	s0 =	simm.s32 @p0 $0x1  }
0x13: {  	[smem:$0x3FA5] =	sst s0;
	s0 =	simm.s32 @!p1 $0x0  }
0x14: {  	s2 =	sld [smem:$0x3F89];
	s0 =	simm.s32 @p1 $0x1  }
0x15: {  	[smem:$0x3FA6] =	sst s0;
	s0 =	simm.s32 @!p2 $0x0  }
0x16: {  	s3 =	sld [smem:$0x3FDB];
	s0 =	simm.s32 @p2 $0x1  }
0x17: {  	s4 =	simm.s32 $0x1BF5;
	[smem:$0x3FA8] =	sst s0  }
0x18: {  	s0 =	sld [smem:$0x3F8B];
	_ =	swait.ge [sflag:s4], $0x0  }
0x19: {  	s7 =	sld [smem:$0x3F8C]  }
0x1a: {  	s8 =	sadd.s32 $0xFFFFE003, lr  }
0x1b: {  	s9 =	sadd.s32 $0xFFFFFEF7, lr;
	s5 =	simm.s32 $0xFFFFFFFF;
	p2 =	slt.u32 s8, $0xFFFFF086  }
0x1c: {  	p1 =	slt.u32 s9, $0xF7A;
	s5 =	simm.s32 @!p2 $0x0  }
0x1d: {  	s5 =	simm.s32 @p1 $0x1;
	p0 =	seq.s32 s7, s2  }
0x1e: {  	s7 =	smul.u32 @!p0 $0xF7A, s2;
	p2 =	seq.s32 @!p0 s5, $0x0  }
0x1f: {  	s9 =	smul.u32 $0xF7A, s1;
	s8 =	simm.s32 @!p0 $0x1BF5;
	p2 =	por !p2, p0  }
0x20: {  	[sflag:s8] =	ssyncset.s32 @!p0 $0xFFFFF086;
	s6 =	sadd.s32 @!p0 s3, s7;
	s7 =	simm.s32 @!p0 $0x108  }
0x21: {  	s3 =	sadd.s32 s3, s9;
	s6 =	sadd.s32 @!p0 $0x88, s6;
	s7 =	simm.s32 @p2 $0x1082  }
0x22: {  	[simem:s7], [sflag:s8] =	dma.local @!p0 [hbm:s6], $0xF7A  }
0x23: {  	s9 =	sor.u32 $0xD0000000, s2;
	s6 =	simm.s32 $0x108;
	_ =	swait.ge @!p0 [sflag:s8], $0x0  }
0x24: {  	s3 =	sadd.s32 $0x88, s3;
	s6 =	simm.s32 @!p1 $0x1082;
	[sflag:s4] =	ssyncset.s32 $0xFFFFF086  }
0x25: {  	[simem:s6], [sflag:s4] =	dma.local [hbm:s3], $0xF7A  }
0x26: {  	[smem:$0x3F8C] =	sst s1;
	(tag) =	ssettag s2;
	_ =	strace s9  }
0x27: {  	s1 =	sld [smem:$0x3F9C]  }
0x28: {  	s2 =	sld [smem:$0x3F9D]  }
0x29: {  	s4 =	sld [smem:$0x3F9F]  }
0x2a: {  	p0 =	seq.s32 s5, $0x0;
	s5 =	sld [smem:$0x3FA0]  }
0x2b: {  	s6 =	sld [smem:$0x3FA1]  }
0x2c: {  	s7 =	sld [smem:$0x3FA2]  }
0x2d: {  	s3 =	simm.s32 $0x108;
	s8 =	sld [smem:$0x3FA3]  }
0x2e: {  	s3 =	simm.s32 @!p0 $0x1082;
	s9 =	sld [smem:$0x3FA4]  }
0x2f: {  	lr =	sadd.s32 s0, s3;
	s0 =	sld [smem:$0x3F9B]  }
0x30: {  	s3 =	sld [smem:$0x3F9E]  }
0x31: {  	[smem:$0x3FA7] =	sst s10  }
0x32: {  	s10 =	sld [smem:$0x3FA5];
	_ =	sdelay $0x3  }
0x33: {  	p0 =	seq.s32 s10, $0x1;
	s10 =	sld [smem:$0x3FA7];
	_ =	sdelay $0x3  }
0x34: {  	[smem:$0x3FA7] =	sst s10  }
0x35: {  	s10 =	sld [smem:$0x3FA6];
	_ =	sdelay $0x3  }
0x36: {  	p1 =	seq.s32 s10, $0x1;
	s10 =	sld [smem:$0x3FA7];
	_ =	sdelay $0x3  }
0x37: {  	[smem:$0x3FA7] =	sst s10  }
0x38: {  	s10 =	sld [smem:$0x3FA8]  }
0x39: {  	_ = 	snop;
	(pc) =	sbr.ind lr, $3  }
0x3a: {  	_ = 	snop  }
0x3b: {  	_ = 	snop  }
0x3c: {  	p2 =	seq.s32 s10, $0x1;
	s10 =	sld [smem:$0x3FA7]  }
0x3d: {  	_ =	shalt  }
0x3e: {  	_ =	shalt  }
0x3f: {  	_ =	shalt  }
0x40: {  	_ =	shalt  }
0x41: {  	_ =	shalt  }
0x42: {  	_ =	shalt  }
0x43: {  	_ =	shalt  }
0x44: {  	_ =	shalt  }
0x45: {  	_ =	shalt  }
0x46: {  	_ =	shalt  }
0x47: {  	_ =	shalt  }
0x48: {  	_ =	shalt  }
0x49: {  	_ =	shalt  }
0x4a: {  	_ =	shalt  }
0x4b: {  	_ =	shalt  }
0x4c: {  	_ =	shalt  }
0x4d: {  	_ =	shalt  }
0x4e: {  	_ =	shalt  }
0x4f: {  	_ =	shalt  }
0x50: {  	_ =	shalt  }
0x51: {  	_ =	shalt  }
0x52: {  	_ =	shalt  }
0x53: {  	_ =	shalt  }
0x54: {  	_ =	shalt  }
0x55: {  	_ =	shalt  }
0x56: {  	_ =	shalt  }
0x57: {  	_ =	shalt  }
0x58: {  	_ =	shalt  }
0x59: {  	_ =	shalt  }
0x5a: {  	_ =	shalt  }
0x5b: {  	_ =	shalt  }
0x5c: {  	_ =	shalt  }
0x5d: {  	_ =	shalt  }
0x5e: {  	_ =	shalt  }
0x5f: {  	_ =	shalt  }
0x60: {  	_ =	shalt  }
0x61: {  	_ =	shalt  }
0x62: {  	_ =	shalt  }
0x63: {  	_ =	shalt  }
0x64: {  	_ =	shalt  }
0x65: {  	_ =	shalt  }
0x66: {  	_ =	shalt  }
0x67: {  	_ =	shalt  }
0x68: {  	_ =	shalt  }
0x69: {  	_ =	shalt  }
0x6a: {  	_ =	shalt  }
0x6b: {  	_ =	shalt  }
0x6c: {  	_ =	shalt  }
0x6d: {  	_ =	shalt  }
0x6e: {  	_ =	shalt  }
0x6f: {  	_ =	shalt  }
0x70: {  	_ =	shalt  }
0x71: {  	_ =	shalt  }
0x72: {  	_ =	shalt  }
0x73: {  	_ =	shalt  }
0x74: {  	_ =	shalt  }
0x75: {  	_ =	shalt  }
0x76: {  	_ =	shalt  }
0x77: {  	_ =	shalt  }
0x78: {  	_ =	shalt  }
0x79: {  	_ =	shalt  }
0x7a: {  	_ =	shalt  }
0x7b: {  	_ =	shalt  }
0x7c: {  	_ =	shalt  }
0x7d: {  	_ =	shalt  }
0x7e: {  	_ =	shalt  }
0x7f: {  	_ =	shalt  }
0x80: {  	_ =	shalt  }
0x81: {  	_ =	shalt  }
0x82: {  	_ =	shalt  }
0x83: {  	_ =	shalt  }
0x84: {  	_ =	shalt  }
0x85: {  	_ =	shalt  }
0x86: {  	_ =	shalt  }
0x87: {  	_ =	shalt  }
.Lfunc_end0:
.L_simem_size_0:
called_computation.1_lowered:
.L_overlay_start_0:
0x88: {  	s2 =	sld [smem:$0x3FD9]  }
0x89: {  	s3 =	sld [smem:$0x3FFE];
	_ =	sdelay $0x1  }
0x8a: {  	s1 =	srdreg.scid  }
0x8b: {  	s0 =	sand.u32 $0x1, s1  }
0x8c: {  	s17 =	sshll.u32 s0, $0xA;
	s2 =	sadd.s32 s3, s2  }
0x8d: {  	s2 =	sadd.s32 s2, s17  }
0x8e: {  	[smem:$0x3FB3] =	sst s2  }
0x8f: {  	_ = 	snop  }
0x90: {  	s2 =	sld [smem:$0x3FD0];
	(tm) =	ssettm $0x1  }
0x91: {  	s18 =	sld [smem:$0x3FFB];
	_ =	sdelay $0x3  }
0x92: {  	_ =	strace s18  }
0x93: {  	s3 =	sld [smem:$0x3FFC];
	_ =	sdelay $0x3  }
0x94: {  	_ =	strace s3  }
0x95: {  	s3 =	sld [smem:$0x3FFD];
	_ =	sdelay $0x3  }
0x96: {  	_ =	strace s3  }
0x97: {  	_ =	strace $0x8FFFFFFF  }
0x98: {  	s19 =	sld [smem:$0x3FDB];
	_ =	sdelay $0x1  }
0x99: {  	s4 =	simm.s32 $_scs_section_size  }
0x9a: {  	s5 =	simm.s32 $_size__tile_overlayer_lowered;
	s6 =	simm.s32 $_tile_overlayer_lowered  }
0x9b: {  	s22 =	simm.s32 $0x1BFF;
	s21 =	sshll.u32 s6, $0x1;
	s3 =	sadd.s32 s4, s19  }
0x9c: {  	s7 =	simm.s32 $0x0;
	s20 =	sshll.u32 s5, $0x1;
	s5 =	sadd.s32 s21, s3  }
0x9d: {  	[timem:s7], [sflag:s22] =	dma.local [hbm:s5], s20  }
0x9e: {  	_ =	swait.ge [sflag:s22], s20  }
0x9f: {  	s4 =	ssub.s32 $0x0, s20;
	[sflag:s22] =	ssyncset.done $0x0  }
0xa0: {  	[sflag:s22] =	ssyncadd.s32 s4;
	_ =	sdelay $0x1  }
0xa1: {  	s23 =	simm.s32 $0x1B8B  }
0xa2: {  	_ =	swait.ge [sflag:s23], $0x1  }
0xa3: {  	[sflag:s23] =	ssyncset.done $0x0  }
0xa4: {  	s25 =	simm.s32 $0x1B8E;
	s24 =	sld [smem:$0x3FFE];
	[sflag:s23] =	ssyncadd.s32 $0xFFFFFFFF  }
0xa5: {  	s26 =	simm.s32 $execute0_lowered;
	[smem:$0x3FD2] =	sst s25  }
0xa6: {  	s5 =	sshll.u32 s26, $0x1;
	_ =	strace $0x80000046;
	[dreg:$0x1] =	wrdreg $0xFFFFFFFF  }
0xa7: {  	s28 =	simm.s32 $_size_execute0_lowered;
	s3 =	sadd.s32 s3, s5;
	[dreg:$0x0] =	wrdreg $0x0  }
0xa8: {  	s5 =	sshll.u32 s28, $0x1;
	[dreg:$0x2] =	wrdreg s3  }
0xa9: {  	[dreg:$0x3] =	wrdreg s5  }
0xaa: {  	[dreg:$0x4] =	wrdreg $0xC0  }
0xab: {  	_ =	task [dreg:s7], $0x5FFFF  }
0xac: {  	[dreg:$0x1] =	wrdreg $0xFFFFFFFF  }
0xad: {  	[dreg:$0x0] =	wrdreg $0x60  }
0xae: {  	[dreg:$0x2] =	wrdreg s24  }
0xaf: {  	[dreg:$0x3] =	wrdreg s2  }
0xb0: {  	[dreg:$0x4] =	wrdreg $0xA8000  }
0xb1: {  	[dreg:$0x5] =	wrdreg $0xA  }
0xb2: {  	_ =	task.clear_ibuf [dreg:s7], $0x6FFFF;
	_ =	strace $0x90000046  }
0xb3: {  	s29 =	simm.s32 $0xA;
	_ =	strace $0x80000048  }
0xb4: {  	_ =	swait.ge [sflag:s29], $0x1  }
0xb5: {  	[sflag:s29] =	ssyncadd.s32 $0xFFFFFFFF  }
0xb6: {  	_ =	strace $0x90000048  }
0xb7: {  	_ =	sfence  }
0xb8: {  	s30 =	sld [smem:$0x0];
	_ =	sdelay $0x2  }
0xb9: {  	s31 =	sshll.u32 s1, $0xD;
	s1 =	sshrl.u32 s1, $0x2  }
0xba: {  	s3 =	sand.u32 $0x4000, s31;
	s1 =	sadd.s32 s1, s30  }
0xbb: {  	s0 =	sor.u32 s3, s0;
	s1 =	sshll.u32 s1, $0x11  }
0xbc: {  	s0 =	sor.u32 s1, s0  }
0xbd: {  	s0 =	sadd.s32 $0x8F2B, s0  }
0xbe: {  	[sflag:s0] =	ssyncadd.remote.s32 $0x1  }
0xbf: {  	_ =	sfence.sel $0xFFFF  }
0xc0: {  	[dreg:$0x0] =	wrdreg $0xFFFFFFFF;
	(pc) =	sbr.abs _section_cstart, $3  }
0xc1: {  	[dreg:$0x1] =	wrdreg $0xFFFFFFFF  }
0xc2: {  	_ =	task.clear_ibuf [dreg:s7], $0x2FFFF;
	_ =	strace $0x9FFFFFFF  }
0xc3: {  	(tm) =	ssettm $0x7FFFFFFF  }
tec
execute0_lowered:
.L_overlay_start_1:
0x0: {  	(tag) =	ssettag $0x1  }
0x1: {  	s5 =	rddreg [dreg:$0x0]  }
0x2: {  	s9 =	rddreg [dreg:$0x1]  }
0x3: {  	s2 =	rddreg [dreg:$0x2]  }
0x4: {  	s0 =	rddreg [dreg:$0x3];
	s3 =	simm.s32 $0x0  }
0x5: {  	s1 =	stileid.u32;
	s4 =	srdreg.scid;
	s17 =	simm.s32 $0x2800  }
0x6: {  	s18 =	simm.s32 $0x6800;
	s19 =	simm.s32 $0x1;
	s20 =	simm.s32 $0x2  }
0x7: {  	s21 =	simm.s32 $0x2700;
	s22 =	simm.s32 $0x2780;
	s6 =	smul.u32 $0x13C00, s1  }
0x8: {  	s23 =	simm.s32 $0x0;
	[smem:$0x7FF] =	sst s3;
	s12 =	smul.u32 $0x4F000, s1  }
0x9: {  	s7 =	sand.u32 $0x1, s4;
	s4 =	sadd.s32 $0xE600, s5;
	s14 =	smul.u32 $0x2800, s1  }
0xa: {  	s11 =	sadd.s32 $0x4600, s5;
	s30 =	sshll.u32 s1, $0x6;
	s10 =	smul.u32 $0x13C000, s7  }
0xb: {  	_ =	strace $0x80000047;
	s28 =	ssub.s32 $0x2, s7;
	s7 =	smul.u32 $0x28000, s7  }
0xc: {  	s8 =	sshrl.u32 s6, $0x3;
	s13 =	sshrl.u32 s28, $0x1;
	s29 =	sshrl.u32 s12, $0x2  }
0xd: {  	s8 =	sadd.s32 s8, s5;
	s6 =	sadd.s32 s6, s10;
	s13 =	ssub.s32 s28, s13  }
0xe: {  	s16 =	sadd.s32 s29, s2;
	s7 =	sadd.s32 s14, s7;
	s14 =	simm.s32 $0x3  }
0xf: {  	s6 =	sshrl.u32 s6, $0x3;
	s31 =	sshrl.u32 s7, $0x3;
	s12 =	smax.u32 s13, $0x1  }
0x10: {  	s13 =	sshrl.u32 s16, $0x3;
	s16 =	simm.s32 $0x80;
	s15 =	sadd.s32 s6, s5  }
0x11: {  	s5 =	sadd.s32 $0x35E00, s8;
	s6 =	sor.u32 $0x1C03, s30;
	s10 =	sadd.s32 $0x280, s31  }
0x12: {  	s7 =	sadd.s32 s9, s31;
	s8 =	sadd.s32 s11, s31;
	s9 =	sadd.s32 s9, s10  }
0x13: {  	s10 =	sadd.s32 s11, s10;
	s11 =	sadd.s32 $0x5D600, s15;
	s15 =	simm.s32 $0x1400  }
.LBB2_1:
0x14: {  	[spmem:s13], [sflag:s6] =	dma.local [hbm:s5], $0x2780  }
0x15: {  	_ =	swait.ge [sflag:s14], $0x2780  }
0x16: {  	[sflag:s14] =	ssyncset.done $0x0  }
0x17: {  	[sflag:s14] =	ssyncadd.s32 $0xFFFFD880  }
0x18: {  	[bflag:$0x0] =	sbarrier.arrive $0xFFFF  }
0x19: {  	[tilespmem:s3], [sflag:$0x3] =	stream.linear.gather [hbm4b:s7+s3], $0x1400, $0x38;
	[tilespmem:$0x1E400] =	vst v63  }
0x1a: {  	_ =	swait.ge [sflag:s14], $0x1400  }
0x1b: {  	[sflag:s14] =	ssyncset.done $0x0  }
0x1c: {  	[sflag:s14] =	ssyncadd.s32 $0xFFFFEC00  }
0x1d: {  	[tilespmem:s15], [sflag:$0x3] =	stream.linear.gather [hbm4b:s8+s3], $0x1400, $0x38;
	[tilespmem:$0x1E400] =	vst v63  }
0x1e: {  	_ =	swait.ge [sflag:s14], $0x1400  }
0x1f: {  	[sflag:s14] =	ssyncset.done $0x0  }
0x20: {  	[sflag:s14] =	ssyncadd.s32 $0xFFFFEC00  }
0x21: {  	[tilespmem:s17], [sflag:$0x1] =	stream.indirect.gather [hbm4b:s4+s16], $0x80, s3, s16, $0xb8;
	[tilespmem:$0x1E400] =	vst v63  }
0x22: {  	_ = 	snop  }
0x23: {  	[tilespmem:s18], [sflag:$0x2] =	stream.indirect.gather [hbm4b:s4+s16], $0x80, s16, s16, $0xb8;
	[tilespmem:$0x1E400] =	vst v63  }
0x24: {  	_ =	swait.ge [sflag:s19], $0x4000  }
0x25: {  	[sflag:s19] =	ssyncset.done $0x0  }
0x26: {  	s24 =	simm.s32 $0x1400;
	[sflag:s19] =	ssyncadd.s32 $0xFFFFC000  }
0x27: {  	[spmem:s2] =	stream.indirect.scatter.add.f32 [tilespmem:s17], [sflag:$0x3], $0x80, s24, s16, $0xb8;
	[tilespmem:$0x1E400] =	vst v63  }
0x28: {  	_ =	swait.ge [sflag:s14], $0x4000  }
0x29: {  	[sflag:s14] =	ssyncset.done $0x0  }
0x2a: {  	s30 =	simm.s32 $0x100;
	[sflag:s14] =	ssyncadd.s32 $0xFFFFC000  }
0x2b: {  	[tilespmem:s17], [sflag:$0x1] =	stream.indirect.gather [hbm4b:s4+s16], $0x80, s30, s16, $0xb8;
	[tilespmem:$0x1E400] =	vst v63  }
0x2c: {  	_ =	swait.ge [sflag:s20], $0x4000  }
0x2d: {  	[sflag:s20] =	ssyncset.done $0x0  }
0x2e: {  	s31 =	simm.s32 $0x1480;
	[sflag:s20] =	ssyncadd.s32 $0xFFFFC000  }
0x2f: {  	[spmem:s2] =	stream.indirect.scatter.add.f32 [tilespmem:s18], [sflag:$0x3], $0x80, s31, s16, $0xb8;
	[tilespmem:$0x1E400] =	vst v63  }
0x30: {  	_ =	swait.ge [sflag:s14], $0x4000  }
0x31: {  	[sflag:s14] =	ssyncset.done $0x0  }
0x32: {  	s25 =	simm.s32 $0x180;
	s24 =	simm.s32 $0x400;
	[sflag:s14] =	ssyncadd.s32 $0xFFFFC000  }
.LBB2_2:
0x33: {  	[tilespmem:s18], [sflag:$0x2] =	stream.indirect.gather [hbm4b:s4+s16], $0x80, s25, s16, $0xb8;
	[tilespmem:$0x1E400] =	vst v63  }
0x34: {  	s25 =	smov.u32 s24  }
0x35: {  	p0 =	sne.s32 s24, $0x4800;
	s24 =	sadd.s32 $0x400, s24;
	_ =	swait.ge [sflag:s19], $0x4000  }
0x36: {  	s25 =	sshra.s32 s25, $0x2;
	[sflag:s19] =	ssyncset.done $0x0  }
0x37: {  	s26 =	sadd.s32 $0x1400, s25;
	[sflag:s19] =	ssyncadd.s32 $0xFFFFC000  }
0x38: {  	[spmem:s2] =	stream.indirect.scatter.add.f32 [tilespmem:s17], [sflag:$0x3], $0x80, s26, s16, $0xb8;
	[tilespmem:$0x1E400] =	vst v63  }
0x39: {  	_ =	swait.ge [sflag:s14], $0x4000  }
0x3a: {  	[sflag:s14] =	ssyncset.done $0x0  }
0x3b: {  	s26 =	sadd.s32 $0x100, s25;
	[sflag:s14] =	ssyncadd.s32 $0xFFFFC000  }
0x3c: {  	[tilespmem:s17], [sflag:$0x1] =	stream.indirect.gather [hbm4b:s4+s16], $0x80, s26, s16, $0xb8;
	[tilespmem:$0x1E400] =	vst v63  }
0x3d: {  	_ =	swait.ge [sflag:s20], $0x4000  }
0x3e: {  	[sflag:s20] =	ssyncset.done $0x0  }
.Ltmp0:
0x3f: {  	s26 =	sadd.s32 $0x1480, s25;
	[sflag:s20] =	ssyncadd.s32 $0xFFFFC000;
	(pc) =	sbr.rel @p0 .LBB2_2-.Ltmp0, $4  }
0x40: {  	[spmem:s2] =	stream.indirect.scatter.add.f32 [tilespmem:s18], [sflag:$0x3], $0x80, s26, s16, $0xb8;
	[tilespmem:$0x1E400] =	vst v63  }
0x41: {  	_ =	swait.ge [sflag:s14], $0x4000  }
0x42: {  	[sflag:s14] =	ssyncset.done $0x0  }
0x43: {  	s25 =	sadd.s32 $0x180, s25;
	[sflag:s14] =	ssyncadd.s32 $0xFFFFC000  }
0x44: {  	[tilespmem:s18], [sflag:$0x2] =	stream.indirect.gather [hbm4b:s4+s16], $0x80, s25, s16, $0xb8;
	[tilespmem:$0x1E400] =	vst v63  }
0x45: {  	_ =	swait.ge [sflag:s19], $0x4000  }
0x46: {  	[sflag:s19] =	ssyncset.done $0x0  }
0x47: {  	[sflag:s19] =	ssyncadd.s32 $0xFFFFC000  }
0x48: {  	[spmem:s2] =	stream.indirect.scatter.add.f32 [tilespmem:s17], [sflag:$0x3], $0x80, s21, s16, $0xb8;
	[tilespmem:$0x1E400] =	vst v63  }
0x49: {  	_ =	swait.ge [sflag:s14], $0x4000  }
0x4a: {  	[sflag:s14] =	ssyncset.done $0x0  }
0x4b: {  	[sflag:s14] =	ssyncadd.s32 $0xFFFFC000  }
0x4c: {  	_ =	swait.ge [sflag:s20], $0x4000  }
0x4d: {  	[sflag:s20] =	ssyncset.done $0x0  }
0x4e: {  	[sflag:s20] =	ssyncadd.s32 $0xFFFFC000  }
0x4f: {  	[spmem:s2] =	stream.indirect.scatter.add.f32 [tilespmem:s18], [sflag:$0x3], $0x80, s22, s16, $0xb8;
	[tilespmem:$0x1E400] =	vst v63  }
0x50: {  	_ =	swait.ge [sflag:s14], $0x4000  }
0x51: {  	[sflag:s14] =	ssyncset.done $0x0  }
0x52: {  	s24 =	simm.s32 $0x0;
	[sflag:s14] =	ssyncadd.s32 $0xFFFFC000  }
0x53: {  	[tilespmem:s24], [sflag:$0x3] =	stream.linear.gather [hbm4b:s9+s24], $0x1400, $0x38;
	[tilespmem:$0x1E400] =	vst v63  }
0x54: {  	_ =	swait.ge [sflag:s14], $0x1400  }
0x55: {  	[sflag:s14] =	ssyncset.done $0x0  }
0x56: {  	[sflag:s14] =	ssyncadd.s32 $0xFFFFEC00  }
0x57: {  	[tilespmem:s15], [sflag:$0x3] =	stream.linear.gather [hbm4b:s10+s24], $0x1400, $0x38;
	[tilespmem:$0x1E400] =	vst v63  }
0x58: {  	_ =	swait.ge [sflag:s14], $0x1400  }
0x59: {  	[sflag:s14] =	ssyncset.done $0x0  }
0x5a: {  	[sflag:s14] =	ssyncadd.s32 $0xFFFFEC00  }
0x5b: {  	[tilespmem:s17], [sflag:$0x1] =	stream.indirect.gather [hbm4b:s4+s16], $0x80, s24, s16, $0xb8;
	[tilespmem:$0x1E400] =	vst v63  }
0x5c: {  	_ = 	snop  }
0x5d: {  	[tilespmem:s18], [sflag:$0x2] =	stream.indirect.gather [hbm4b:s4+s16], $0x80, s16, s16, $0xb8;
	[tilespmem:$0x1E400] =	vst v63  }
0x5e: {  	_ =	swait.ge [sflag:s19], $0x4000  }
0x5f: {  	[sflag:s19] =	ssyncset.done $0x0  }
0x60: {  	s29 =	simm.s32 $0x1400;
	[sflag:s19] =	ssyncadd.s32 $0xFFFFC000  }
0x61: {  	[spmem:s2] =	stream.indirect.scatter.add.f32 [tilespmem:s17], [sflag:$0x3], $0x80, s29, s16, $0xb8;
	[tilespmem:$0x1E400] =	vst v63  }
0x62: {  	_ =	swait.ge [sflag:s14], $0x4000  }
0x63: {  	[sflag:s14] =	ssyncset.done $0x0  }
0x64: {  	s30 =	simm.s32 $0x100;
	[sflag:s14] =	ssyncadd.s32 $0xFFFFC000  }
0x65: {  	[tilespmem:s17], [sflag:$0x1] =	stream.indirect.gather [hbm4b:s4+s16], $0x80, s30, s16, $0xb8;
	[tilespmem:$0x1E400] =	vst v63  }
0x66: {  	_ =	swait.ge [sflag:s20], $0x4000  }
0x67: {  	[sflag:s20] =	ssyncset.done $0x0  }
0x68: {  	s31 =	simm.s32 $0x1480;
	[sflag:s20] =	ssyncadd.s32 $0xFFFFC000  }
0x69: {  	[spmem:s2] =	stream.indirect.scatter.add.f32 [tilespmem:s18], [sflag:$0x3], $0x80, s31, s16, $0xb8;
	[tilespmem:$0x1E400] =	vst v63  }
0x6a: {  	_ =	swait.ge [sflag:s14], $0x4000  }
0x6b: {  	[sflag:s14] =	ssyncset.done $0x0  }
0x6c: {  	s25 =	simm.s32 $0x180;
	s24 =	simm.s32 $0x400;
	[sflag:s14] =	ssyncadd.s32 $0xFFFFC000  }
.LBB2_4:
0x6d: {  	[tilespmem:s18], [sflag:$0x2] =	stream.indirect.gather [hbm4b:s4+s16], $0x80, s25, s16, $0xb8;
	[tilespmem:$0x1E400] =	vst v63  }
0x6e: {  	s25 =	smov.u32 s24  }
0x6f: {  	p0 =	sne.s32 s24, $0x4800;
	s24 =	sadd.s32 $0x400, s24;
	_ =	swait.ge [sflag:s19], $0x4000  }
0x70: {  	s25 =	sshra.s32 s25, $0x2;
	[sflag:s19] =	ssyncset.done $0x0  }
0x71: {  	s26 =	sadd.s32 $0x1400, s25;
	[sflag:s19] =	ssyncadd.s32 $0xFFFFC000  }
0x72: {  	[spmem:s2] =	stream.indirect.scatter.add.f32 [tilespmem:s17], [sflag:$0x3], $0x80, s26, s16, $0xb8;
	[tilespmem:$0x1E400] =	vst v63  }
0x73: {  	_ =	swait.ge [sflag:s14], $0x4000  }
0x74: {  	[sflag:s14] =	ssyncset.done $0x0  }
0x75: {  	s26 =	sadd.s32 $0x100, s25;
	[sflag:s14] =	ssyncadd.s32 $0xFFFFC000  }
0x76: {  	[tilespmem:s17], [sflag:$0x1] =	stream.indirect.gather [hbm4b:s4+s16], $0x80, s26, s16, $0xb8;
	[tilespmem:$0x1E400] =	vst v63  }
0x77: {  	_ =	swait.ge [sflag:s20], $0x4000  }
0x78: {  	[sflag:s20] =	ssyncset.done $0x0  }
.Ltmp1:
0x79: {  	s26 =	sadd.s32 $0x1480, s25;
	[sflag:s20] =	ssyncadd.s32 $0xFFFFC000;
	(pc) =	sbr.rel @p0 .LBB2_4-.Ltmp1, $4  }
0x7a: {  	[spmem:s2] =	stream.indirect.scatter.add.f32 [tilespmem:s18], [sflag:$0x3], $0x80, s26, s16, $0xb8;
	[tilespmem:$0x1E400] =	vst v63  }
0x7b: {  	_ =	swait.ge [sflag:s14], $0x4000  }
0x7c: {  	[sflag:s14] =	ssyncset.done $0x0  }
0x7d: {  	s25 =	sadd.s32 $0x180, s25;
	[sflag:s14] =	ssyncadd.s32 $0xFFFFC000  }
0x7e: {  	[tilespmem:s18], [sflag:$0x2] =	stream.indirect.gather [hbm4b:s4+s16], $0x80, s25, s16, $0xb8;
	[tilespmem:$0x1E400] =	vst v63  }
0x7f: {  	_ =	swait.ge [sflag:s19], $0x4000  }
0x80: {  	[sflag:s19] =	ssyncset.done $0x0  }
0x81: {  	[sflag:s19] =	ssyncadd.s32 $0xFFFFC000  }
0x82: {  	[spmem:s2] =	stream.indirect.scatter.add.f32 [tilespmem:s17], [sflag:$0x3], $0x80, s21, s16, $0xb8;
	[tilespmem:$0x1E400] =	vst v63  }
0x83: {  	_ =	swait.ge [sflag:s14], $0x4000  }
0x84: {  	[sflag:s14] =	ssyncset.done $0x0  }
0x85: {  	[sflag:s14] =	ssyncadd.s32 $0xFFFFC000  }
0x86: {  	_ =	swait.ge [sflag:s20], $0x4000  }
0x87: {  	[sflag:s20] =	ssyncset.done $0x0  }
0x88: {  	[sflag:s20] =	ssyncadd.s32 $0xFFFFC000  }
0x89: {  	[spmem:s2] =	stream.indirect.scatter.add.f32 [tilespmem:s18], [sflag:$0x3], $0x80, s22, s16, $0xb8;
	[tilespmem:$0x1E400] =	vst v63  }
0x8a: {  	_ =	swait.ge [sflag:s14], $0x4000  }
0x8b: {  	s23 =	sadd.s32 $0x1, s23;
	[sflag:s14] =	ssyncset.done $0x0  }
0x8c: {  	p0 =	sne.s32 s23, s12;
	[sflag:s14] =	ssyncadd.s32 $0xFFFFC000  }
.Ltmp2:
0x8d: {  	[bflag:$0x0] =	sbarrier.arrive $0xFFFF;
	(pc) =	sbr.rel @p0 .LBB2_1-.Ltmp2, $4  }
0x8e: {  	[hbm:s11], [sflag:s6] =	dma.local [spmem:s13], $0x2780  }
0x8f: {  	_ =	swait.ge [sflag:s14], $0x2780  }
0x90: {  	[sflag:s14] =	ssyncset.done $0x0  }
0x91: {  	[sflag:s14] =	ssyncadd.s32 $0xFFFFD880  }
0x92: {  	_ =	sfence.sel $0x180000  }
0x93: {  	[bflag:$0x0] =	sbarrier.arrive $0xFFFF  }
0x94: {  	p0 =	sne.s32 s1, $0x0;
	_ =	strace $0x90000047  }
0x95: {  	s0 =	sadd.s32 @!p0 $0x100000, s0;
	[bflag:$0x2] =	sbarrier.arrive $0xFFFF  }
0x96: {  	[sflag:s0] =	ssyncadd.tile.s32 @!p0 $0x1;
	_ =	shalt  }
.Lfunc_end2:
_tile_overlayer_lowered:
.L_overlay_start_2:
0x97: {  	(tag) =	ssettag $0x2  }
0x98: {  	s0 =	rddreg [dreg:$0x0];
	s2 =	stileid.u32  }
0x99: {  	s1 =	rddreg [dreg:$0x1];
	p0 =	sne.s32 s2, $0x0  }
0x9a: {  	s3 =	rddreg [dreg:$0x2];
	[bflag:$0x3] =	sbarrier.arrive $0xFFFF;
	s2 =	simm.s32 @!p0 $0x1C03  }
0x9b: {  	[timem:s3], [sflag:s2] =	dma.local @!p0 [hbm:s0], s1  }
0x9c: {  	s0 =	simm.s32 @!p0 $0x3  }
0x9d: {  	_ =	swait.ge @!p0 [sflag:s0], s1  }
0x9e: {  	s1 =	ssub.s32 @!p0 $0x0, s1;
	[sflag:s0] =	ssyncset.done @!p0 $0x0  }
0x9f: {  	[sflag:s0] =	ssyncadd.s32 @!p0 s1  }
0xa0: {  	[bflag:$0x3] =	sbarrier.arrive $0xFFFF  }
0xa1: {  	_ =	shalt  }

// kernel: kernel.15.cloned.1.call-start
scs
__scs_entry_jumppad:
0x0: {  	(pc) =	sbr.rel $0x88, $3  }
0x1: {  	(tag) =	ssettag $0x0;
	lr =	simm.s32 $0x1  }
0x2: {  	[smem:$0x3F8C] =	sst lr;
	_ =	strace $0xD0000000  }
0x3: {  	_ = 	snop  }
0x4: {  	_ = 	snop  }
0x5: {  	_ = 	snop  }
0x6: {  	_ = 	snop  }
0x7: {  	_ = 	snop  }
__scs_overlays_trampoline_lowered:
0x8: {  	[smem:$0x3F9B] =	sst s0  }
0x9: {  	[smem:$0x3F9C] =	sst s1  }
0xa: {  	[smem:$0x3F9D] =	sst s2  }
0xb: {  	[smem:$0x3F9E] =	sst s3  }
0xc: {  	[smem:$0x3F9F] =	sst s4  }
0xd: {  	[smem:$0x3FA0] =	sst s5  }
0xe: {  	[smem:$0x3FA1] =	sst s6  }
0xf: {  	[smem:$0x3FA2] =	sst s7  }
0x10: {  	[smem:$0x3FA3] =	sst s8  }
0x11: {  	[smem:$0x3FA4] =	sst s9;
	s0 =	simm.s32 @!p0 $0x0  }
0x12: {  	s1 =	sld [smem:$0x3F8A];
	s0 =	simm.s32 @p0 $0x1  }
0x13: {  	[smem:$0x3FA5] =	sst s0;
	s0 =	simm.s32 @!p1 $0x0  }
0x14: {  	s2 =	sld [smem:$0x3F89];
	s0 =	simm.s32 @p1 $0x1  }
0x15: {  	[smem:$0x3FA6] =	sst s0;
	s0 =	simm.s32 @!p2 $0x0  }
0x16: {  	s3 =	sld [smem:$0x3FDB];
	s0 =	simm.s32 @p2 $0x1  }
0x17: {  	s4 =	simm.s32 $0x1BF5;
	[smem:$0x3FA8] =	sst s0  }
0x18: {  	s0 =	sld [smem:$0x3F8B];
	_ =	swait.ge [sflag:s4], $0x0  }
0x19: {  	s7 =	sld [smem:$0x3F8C]  }
0x1a: {  	s8 =	sadd.s32 $0xFFFFE003, lr  }
0x1b: {  	s9 =	sadd.s32 $0xFFFFFEF7, lr;
	s5 =	simm.s32 $0xFFFFFFFF;
	p2 =	slt.u32 s8, $0xFFFFF086  }
0x1c: {  	p1 =	slt.u32 s9, $0xF7A;
	s5 =	simm.s32 @!p2 $0x0  }
0x1d: {  	s5 =	simm.s32 @p1 $0x1;
	p0 =	seq.s32 s7, s2  }
0x1e: {  	s7 =	smul.u32 @!p0 $0xF7A, s2;
	p2 =	seq.s32 @!p0 s5, $0x0  }
0x1f: {  	s9 =	smul.u32 $0xF7A, s1;
	s8 =	simm.s32 @!p0 $0x1BF5;
	p2 =	por !p2, p0  }
0x20: {  	[sflag:s8] =	ssyncset.s32 @!p0 $0xFFFFF086;
	s6 =	sadd.s32 @!p0 s3, s7;
	s7 =	simm.s32 @!p0 $0x108  }
0x21: {  	s3 =	sadd.s32 s3, s9;
	s6 =	sadd.s32 @!p0 $0x88, s6;
	s7 =	simm.s32 @p2 $0x1082  }
0x22: {  	[simem:s7], [sflag:s8] =	dma.local @!p0 [hbm:s6], $0xF7A  }
0x23: {  	s9 =	sor.u32 $0xD0000000, s2;
	s6 =	simm.s32 $0x108;
	_ =	swait.ge @!p0 [sflag:s8], $0x0  }
0x24: {  	s3 =	sadd.s32 $0x88, s3;
	s6 =	simm.s32 @!p1 $0x1082;
	[sflag:s4] =	ssyncset.s32 $0xFFFFF086  }
0x25: {  	[simem:s6], [sflag:s4] =	dma.local [hbm:s3], $0xF7A  }
0x26: {  	[smem:$0x3F8C] =	sst s1;
	(tag) =	ssettag s2;
	_ =	strace s9  }
0x27: {  	s1 =	sld [smem:$0x3F9C]  }
0x28: {  	s2 =	sld [smem:$0x3F9D]  }
0x29: {  	s4 =	sld [smem:$0x3F9F]  }
0x2a: {  	p0 =	seq.s32 s5, $0x0;
	s5 =	sld [smem:$0x3FA0]  }
0x2b: {  	s6 =	sld [smem:$0x3FA1]  }
0x2c: {  	s7 =	sld [smem:$0x3FA2]  }
0x2d: {  	s3 =	simm.s32 $0x108;
	s8 =	sld [smem:$0x3FA3]  }
0x2e: {  	s3 =	simm.s32 @!p0 $0x1082;
	s9 =	sld [smem:$0x3FA4]  }
0x2f: {  	lr =	sadd.s32 s0, s3;
	s0 =	sld [smem:$0x3F9B]  }
0x30: {  	s3 =	sld [smem:$0x3F9E]  }
0x31: {  	[smem:$0x3FA7] =	sst s10  }
0x32: {  	s10 =	sld [smem:$0x3FA5];
	_ =	sdelay $0x3  }
0x33: {  	p0 =	seq.s32 s10, $0x1;
	s10 =	sld [smem:$0x3FA7];
	_ =	sdelay $0x3  }
0x34: {  	[smem:$0x3FA7] =	sst s10  }
0x35: {  	s10 =	sld [smem:$0x3FA6];
	_ =	sdelay $0x3  }
0x36: {  	p1 =	seq.s32 s10, $0x1;
	s10 =	sld [smem:$0x3FA7];
	_ =	sdelay $0x3  }
0x37: {  	[smem:$0x3FA7] =	sst s10  }
0x38: {  	s10 =	sld [smem:$0x3FA8]  }
0x39: {  	_ = 	snop;
	(pc) =	sbr.ind lr, $3  }
0x3a: {  	_ = 	snop  }
0x3b: {  	_ = 	snop  }
0x3c: {  	p2 =	seq.s32 s10, $0x1;
	s10 =	sld [smem:$0x3FA7]  }
0x3d: {  	_ =	shalt  }
0x3e: {  	_ =	shalt  }
0x3f: {  	_ =	shalt  }
0x40: {  	_ =	shalt  }
0x41: {  	_ =	shalt  }
0x42: {  	_ =	shalt  }
0x43: {  	_ =	shalt  }
0x44: {  	_ =	shalt  }
0x45: {  	_ =	shalt  }
0x46: {  	_ =	shalt  }
0x47: {  	_ =	shalt  }
0x48: {  	_ =	shalt  }
0x49: {  	_ =	shalt  }
0x4a: {  	_ =	shalt  }
0x4b: {  	_ =	shalt  }
0x4c: {  	_ =	shalt  }
0x4d: {  	_ =	shalt  }
0x4e: {  	_ =	shalt  }
0x4f: {  	_ =	shalt  }
0x50: {  	_ =	shalt  }
0x51: {  	_ =	shalt  }
0x52: {  	_ =	shalt  }
0x53: {  	_ =	shalt  }
0x54: {  	_ =	shalt  }
0x55: {  	_ =	shalt  }
0x56: {  	_ =	shalt  }
0x57: {  	_ =	shalt  }
0x58: {  	_ =	shalt  }
0x59: {  	_ =	shalt  }
0x5a: {  	_ =	shalt  }
0x5b: {  	_ =	shalt  }
0x5c: {  	_ =	shalt  }
0x5d: {  	_ =	shalt  }
0x5e: {  	_ =	shalt  }
0x5f: {  	_ =	shalt  }
0x60: {  	_ =	shalt  }
0x61: {  	_ =	shalt  }
0x62: {  	_ =	shalt  }
0x63: {  	_ =	shalt  }
0x64: {  	_ =	shalt  }
0x65: {  	_ =	shalt  }
0x66: {  	_ =	shalt  }
0x67: {  	_ =	shalt  }
0x68: {  	_ =	shalt  }
0x69: {  	_ =	shalt  }
0x6a: {  	_ =	shalt  }
0x6b: {  	_ =	shalt  }
0x6c: {  	_ =	shalt  }
0x6d: {  	_ =	shalt  }
0x6e: {  	_ =	shalt  }
0x6f: {  	_ =	shalt  }
0x70: {  	_ =	shalt  }
0x71: {  	_ =	shalt  }
0x72: {  	_ =	shalt  }
0x73: {  	_ =	shalt  }
0x74: {  	_ =	shalt  }
0x75: {  	_ =	shalt  }
0x76: {  	_ =	shalt  }
0x77: {  	_ =	shalt  }
0x78: {  	_ =	shalt  }
0x79: {  	_ =	shalt  }
0x7a: {  	_ =	shalt  }
0x7b: {  	_ =	shalt  }
0x7c: {  	_ =	shalt  }
0x7d: {  	_ =	shalt  }
0x7e: {  	_ =	shalt  }
0x7f: {  	_ =	shalt  }
0x80: {  	_ =	shalt  }
0x81: {  	_ =	shalt  }
0x82: {  	_ =	shalt  }
0x83: {  	_ =	shalt  }
0x84: {  	_ =	shalt  }
0x85: {  	_ =	shalt  }
0x86: {  	_ =	shalt  }
0x87: {  	_ =	shalt  }
.Lfunc_end0:
.L_simem_size_0:
called_computation.2_lowered:
.L_overlay_start_0:
0x88: {  	s2 =	sld [smem:$0x3FD9]  }
0x89: {  	s3 =	sld [smem:$0x3FFE];
	_ =	sdelay $0x1  }
0x8a: {  	s1 =	srdreg.scid  }
0x8b: {  	s0 =	sand.u32 $0x1, s1  }
0x8c: {  	s17 =	sshll.u32 s0, $0xA;
	s2 =	sadd.s32 s3, s2  }
0x8d: {  	s2 =	sadd.s32 s2, s17  }
0x8e: {  	[smem:$0x3FB3] =	sst s2  }
0x8f: {  	_ = 	snop  }
0x90: {  	s2 =	sld [smem:$0x3FD0];
	(tm) =	ssettm $0x1  }
0x91: {  	s18 =	sld [smem:$0x3FFB];
	_ =	sdelay $0x3  }
0x92: {  	_ =	strace s18  }
0x93: {  	s3 =	sld [smem:$0x3FFC];
	_ =	sdelay $0x3  }
0x94: {  	_ =	strace s3  }
0x95: {  	s3 =	sld [smem:$0x3FFD];
	_ =	sdelay $0x3  }
0x96: {  	_ =	strace s3  }
0x97: {  	_ =	strace $0x8FFFFFFF  }
0x98: {  	s19 =	sld [smem:$0x3FDB];
	_ =	sdelay $0x1  }
0x99: {  	s4 =	simm.s32 $_scs_section_size  }
0x9a: {  	s5 =	simm.s32 $_size__tile_overlayer_lowered;
	s6 =	simm.s32 $_tile_overlayer_lowered  }
0x9b: {  	s22 =	simm.s32 $0x1BFF;
	s21 =	sshll.u32 s6, $0x1;
	s3 =	sadd.s32 s4, s19  }
0x9c: {  	s7 =	simm.s32 $0x0;
	s20 =	sshll.u32 s5, $0x1;
	s5 =	sadd.s32 s21, s3  }
0x9d: {  	[timem:s7], [sflag:s22] =	dma.local [hbm:s5], s20  }
0x9e: {  	_ =	swait.ge [sflag:s22], s20  }
0x9f: {  	s4 =	ssub.s32 $0x0, s20;
	[sflag:s22] =	ssyncset.done $0x0  }
0xa0: {  	[sflag:s22] =	ssyncadd.s32 s4;
	_ =	sdelay $0x1  }
0xa1: {  	s23 =	simm.s32 $0x1B8B  }
0xa2: {  	_ =	swait.ge [sflag:s23], $0x1  }
0xa3: {  	[sflag:s23] =	ssyncset.done $0x0  }
0xa4: {  	s25 =	simm.s32 $0x1B8E;
	s24 =	sld [smem:$0x3FFE];
	[sflag:s23] =	ssyncadd.s32 $0xFFFFFFFF  }
0xa5: {  	s26 =	simm.s32 $execute0_lowered;
	[smem:$0x3FD2] =	sst s25  }
0xa6: {  	s5 =	sshll.u32 s26, $0x1;
	_ =	strace $0x8000004C;
	[dreg:$0x1] =	wrdreg $0xFFFFFFFF  }
0xa7: {  	s28 =	simm.s32 $_size_execute0_lowered;
	s3 =	sadd.s32 s3, s5;
	[dreg:$0x0] =	wrdreg $0x0  }
0xa8: {  	s5 =	sshll.u32 s28, $0x1;
	[dreg:$0x2] =	wrdreg s3  }
0xa9: {  	[dreg:$0x3] =	wrdreg s5  }
0xaa: {  	[dreg:$0x4] =	wrdreg $0xC0  }
0xab: {  	_ =	task [dreg:s7], $0x5FFFF  }
0xac: {  	[dreg:$0x1] =	wrdreg $0xFFFFFFFF  }
0xad: {  	[dreg:$0x0] =	wrdreg $0x60  }
0xae: {  	[dreg:$0x2] =	wrdreg s24  }
0xaf: {  	[dreg:$0x3] =	wrdreg s2  }
0xb0: {  	[dreg:$0x4] =	wrdreg $0xA8000  }
0xb1: {  	[dreg:$0x5] =	wrdreg $0x9  }
0xb2: {  	_ =	task.clear_ibuf [dreg:s7], $0x6FFFF;
	_ =	strace $0x9000004C  }
0xb3: {  	s29 =	simm.s32 $0x9;
	_ =	strace $0x8000004E  }
0xb4: {  	_ =	swait.ge [sflag:s29], $0x1  }
0xb5: {  	[sflag:s29] =	ssyncadd.s32 $0xFFFFFFFF  }
0xb6: {  	_ =	strace $0x9000004E  }
0xb7: {  	_ =	sfence  }
0xb8: {  	s30 =	sld [smem:$0x0];
	_ =	sdelay $0x2  }
0xb9: {  	s31 =	sshll.u32 s1, $0xD;
	s1 =	sshrl.u32 s1, $0x2  }
0xba: {  	s3 =	sand.u32 $0x4000, s31;
	s1 =	sadd.s32 s1, s30  }
0xbb: {  	s0 =	sor.u32 s3, s0;
	s1 =	sshll.u32 s1, $0x11  }
0xbc: {  	s0 =	sor.u32 s1, s0  }
0xbd: {  	s0 =	sadd.s32 $0x8F2B, s0  }
0xbe: {  	[sflag:s0] =	ssyncadd.remote.s32 $0x1  }
0xbf: {  	_ =	sfence.sel $0xFFFF  }
0xc0: {  	[dreg:$0x0] =	wrdreg $0xFFFFFFFF;
	(pc) =	sbr.abs _section_cstart, $3  }
0xc1: {  	[dreg:$0x1] =	wrdreg $0xFFFFFFFF  }
0xc2: {  	_ =	task.clear_ibuf [dreg:s7], $0x2FFFF;
	_ =	strace $0x9FFFFFFF  }
0xc3: {  	(tm) =	ssettm $0x7FFFFFFF  }
tec
execute0_lowered:
.L_overlay_start_1:
0x0: {  	(tag) =	ssettag $0x1  }
0x1: {  	s5 =	rddreg [dreg:$0x0]  }
0x2: {  	s9 =	rddreg [dreg:$0x1]  }
0x3: {  	s2 =	rddreg [dreg:$0x2]  }
0x4: {  	s0 =	rddreg [dreg:$0x3];
	s3 =	simm.s32 $0x0  }
0x5: {  	s1 =	stileid.u32;
	s4 =	srdreg.scid;
	s17 =	simm.s32 $0x2800  }
0x6: {  	s18 =	simm.s32 $0x6800;
	s19 =	simm.s32 $0x1;
	s20 =	simm.s32 $0x2  }
0x7: {  	s21 =	simm.s32 $0x2700;
	s22 =	simm.s32 $0x2780;
	s6 =	smul.u32 $0x13C00, s1  }
0x8: {  	s23 =	simm.s32 $0x0;
	[smem:$0x7FF] =	sst s3;
	s12 =	smul.u32 $0x4F000, s1  }
0x9: {  	s7 =	sand.u32 $0x1, s4;
	s4 =	sadd.s32 $0xE600, s5;
	s14 =	smul.u32 $0x2800, s1  }
0xa: {  	s11 =	sadd.s32 $0x4600, s5;
	s30 =	sshll.u32 s1, $0x6;
	s10 =	smul.u32 $0x13C000, s7  }
0xb: {  	_ =	strace $0x8000004D;
	s28 =	ssub.s32 $0x2, s7;
	s7 =	smul.u32 $0x28000, s7  }
0xc: {  	s8 =	sshrl.u32 s6, $0x3;
	s13 =	sshrl.u32 s28, $0x1;
	s29 =	sshrl.u32 s12, $0x2  }
0xd: {  	s8 =	sadd.s32 s8, s5;
	s6 =	sadd.s32 s6, s10;
	s13 =	ssub.s32 s28, s13  }
0xe: {  	s16 =	sadd.s32 s29, s2;
	s7 =	sadd.s32 s14, s7;
	s14 =	simm.s32 $0x3  }
0xf: {  	s6 =	sshrl.u32 s6, $0x3;
	s31 =	sshrl.u32 s7, $0x3;
	s12 =	smax.u32 s13, $0x1  }
0x10: {  	s13 =	sshrl.u32 s16, $0x3;
	s16 =	simm.s32 $0x80;
	s15 =	sadd.s32 s6, s5  }
0x11: {  	s5 =	sadd.s32 $0x35E00, s8;
	s6 =	sor.u32 $0x1C03, s30;
	s10 =	sadd.s32 $0x280, s31  }
0x12: {  	s7 =	sadd.s32 s9, s31;
	s8 =	sadd.s32 s11, s31;
	s9 =	sadd.s32 s9, s10  }
0x13: {  	s10 =	sadd.s32 s11, s10;
	s11 =	sadd.s32 $0x5D600, s15;
	s15 =	simm.s32 $0x1400  }
.LBB2_1:
0x14: {  	[spmem:s13], [sflag:s6] =	dma.local [hbm:s5], $0x2780  }
0x15: {  	_ =	swait.ge [sflag:s14], $0x2780  }
0x16: {  	[sflag:s14] =	ssyncset.done $0x0  }
0x17: {  	[sflag:s14] =	ssyncadd.s32 $0xFFFFD880  }
0x18: {  	[bflag:$0x0] =	sbarrier.arrive $0xFFFF  }
0x19: {  	[tilespmem:s3], [sflag:$0x3] =	stream.linear.gather [hbm4b:s7+s3], $0x1400, $0x38;
	[tilespmem:$0x1E400] =	vst v63  }
0x1a: {  	_ =	swait.ge [sflag:s14], $0x1400  }
0x1b: {  	[sflag:s14] =	ssyncset.done $0x0  }
0x1c: {  	[sflag:s14] =	ssyncadd.s32 $0xFFFFEC00  }
0x1d: {  	[tilespmem:s15], [sflag:$0x3] =	stream.linear.gather [hbm4b:s8+s3], $0x1400, $0x38;
	[tilespmem:$0x1E400] =	vst v63  }
0x1e: {  	_ =	swait.ge [sflag:s14], $0x1400  }
0x1f: {  	[sflag:s14] =	ssyncset.done $0x0  }
0x20: {  	[sflag:s14] =	ssyncadd.s32 $0xFFFFEC00  }
0x21: {  	[tilespmem:s17], [sflag:$0x1] =	stream.indirect.gather [hbm4b:s4+s16], $0x80, s3, s16, $0xb8;
	[tilespmem:$0x1E400] =	vst v63  }
0x22: {  	_ = 	snop  }
0x23: {  	[tilespmem:s18], [sflag:$0x2] =	stream.indirect.gather [hbm4b:s4+s16], $0x80, s16, s16, $0xb8;
	[tilespmem:$0x1E400] =	vst v63  }
0x24: {  	_ =	swait.ge [sflag:s19], $0x4000  }
0x25: {  	[sflag:s19] =	ssyncset.done $0x0  }
0x26: {  	s24 =	simm.s32 $0x1400;
	[sflag:s19] =	ssyncadd.s32 $0xFFFFC000  }
0x27: {  	[spmem:s2] =	stream.indirect.scatter.add.f32 [tilespmem:s17], [sflag:$0x3], $0x80, s24, s16, $0xb8;
	[tilespmem:$0x1E400] =	vst v63  }
0x28: {  	_ =	swait.ge [sflag:s14], $0x4000  }
0x29: {  	[sflag:s14] =	ssyncset.done $0x0  }
0x2a: {  	s30 =	simm.s32 $0x100;
	[sflag:s14] =	ssyncadd.s32 $0xFFFFC000  }
0x2b: {  	[tilespmem:s17], [sflag:$0x1] =	stream.indirect.gather [hbm4b:s4+s16], $0x80, s30, s16, $0xb8;
	[tilespmem:$0x1E400] =	vst v63  }
0x2c: {  	_ =	swait.ge [sflag:s20], $0x4000  }
0x2d: {  	[sflag:s20] =	ssyncset.done $0x0  }
0x2e: {  	s31 =	simm.s32 $0x1480;
	[sflag:s20] =	ssyncadd.s32 $0xFFFFC000  }
0x2f: {  	[spmem:s2] =	stream.indirect.scatter.add.f32 [tilespmem:s18], [sflag:$0x3], $0x80, s31, s16, $0xb8;
	[tilespmem:$0x1E400] =	vst v63  }
0x30: {  	_ =	swait.ge [sflag:s14], $0x4000  }
0x31: {  	[sflag:s14] =	ssyncset.done $0x0  }
0x32: {  	s25 =	simm.s32 $0x180;
	s24 =	simm.s32 $0x400;
	[sflag:s14] =	ssyncadd.s32 $0xFFFFC000  }
.LBB2_2:
0x33: {  	[tilespmem:s18], [sflag:$0x2] =	stream.indirect.gather [hbm4b:s4+s16], $0x80, s25, s16, $0xb8;
	[tilespmem:$0x1E400] =	vst v63  }
0x34: {  	s25 =	smov.u32 s24  }
0x35: {  	p0 =	sne.s32 s24, $0x4800;
	s24 =	sadd.s32 $0x400, s24;
	_ =	swait.ge [sflag:s19], $0x4000  }
0x36: {  	s25 =	sshra.s32 s25, $0x2;
	[sflag:s19] =	ssyncset.done $0x0  }
0x37: {  	s26 =	sadd.s32 $0x1400, s25;
	[sflag:s19] =	ssyncadd.s32 $0xFFFFC000  }
0x38: {  	[spmem:s2] =	stream.indirect.scatter.add.f32 [tilespmem:s17], [sflag:$0x3], $0x80, s26, s16, $0xb8;
	[tilespmem:$0x1E400] =	vst v63  }
0x39: {  	_ =	swait.ge [sflag:s14], $0x4000  }
0x3a: {  	[sflag:s14] =	ssyncset.done $0x0  }
0x3b: {  	s26 =	sadd.s32 $0x100, s25;
	[sflag:s14] =	ssyncadd.s32 $0xFFFFC000  }
0x3c: {  	[tilespmem:s17], [sflag:$0x1] =	stream.indirect.gather [hbm4b:s4+s16], $0x80, s26, s16, $0xb8;
	[tilespmem:$0x1E400] =	vst v63  }
0x3d: {  	_ =	swait.ge [sflag:s20], $0x4000  }
0x3e: {  	[sflag:s20] =	ssyncset.done $0x0  }
.Ltmp0:
0x3f: {  	s26 =	sadd.s32 $0x1480, s25;
	[sflag:s20] =	ssyncadd.s32 $0xFFFFC000;
	(pc) =	sbr.rel @p0 .LBB2_2-.Ltmp0, $4  }
0x40: {  	[spmem:s2] =	stream.indirect.scatter.add.f32 [tilespmem:s18], [sflag:$0x3], $0x80, s26, s16, $0xb8;
	[tilespmem:$0x1E400] =	vst v63  }
0x41: {  	_ =	swait.ge [sflag:s14], $0x4000  }
0x42: {  	[sflag:s14] =	ssyncset.done $0x0  }
0x43: {  	s25 =	sadd.s32 $0x180, s25;
	[sflag:s14] =	ssyncadd.s32 $0xFFFFC000  }
0x44: {  	[tilespmem:s18], [sflag:$0x2] =	stream.indirect.gather [hbm4b:s4+s16], $0x80, s25, s16, $0xb8;
	[tilespmem:$0x1E400] =	vst v63  }
0x45: {  	_ =	swait.ge [sflag:s19], $0x4000  }
0x46: {  	[sflag:s19] =	ssyncset.done $0x0  }
0x47: {  	[sflag:s19] =	ssyncadd.s32 $0xFFFFC000  }
0x48: {  	[spmem:s2] =	stream.indirect.scatter.add.f32 [tilespmem:s17], [sflag:$0x3], $0x80, s21, s16, $0xb8;
	[tilespmem:$0x1E400] =	vst v63  }
0x49: {  	_ =	swait.ge [sflag:s14], $0x4000  }
0x4a: {  	[sflag:s14] =	ssyncset.done $0x0  }
0x4b: {  	[sflag:s14] =	ssyncadd.s32 $0xFFFFC000  }
0x4c: {  	_ =	swait.ge [sflag:s20], $0x4000  }
0x4d: {  	[sflag:s20] =	ssyncset.done $0x0  }
0x4e: {  	[sflag:s20] =	ssyncadd.s32 $0xFFFFC000  }
0x4f: {  	[spmem:s2] =	stream.indirect.scatter.add.f32 [tilespmem:s18], [sflag:$0x3], $0x80, s22, s16, $0xb8;
	[tilespmem:$0x1E400] =	vst v63  }
0x50: {  	_ =	swait.ge [sflag:s14], $0x4000  }
0x51: {  	[sflag:s14] =	ssyncset.done $0x0  }
0x52: {  	s24 =	simm.s32 $0x0;
	[sflag:s14] =	ssyncadd.s32 $0xFFFFC000  }
0x53: {  	[tilespmem:s24], [sflag:$0x3] =	stream.linear.gather [hbm4b:s9+s24], $0x1400, $0x38;
	[tilespmem:$0x1E400] =	vst v63  }
0x54: {  	_ =	swait.ge [sflag:s14], $0x1400  }
0x55: {  	[sflag:s14] =	ssyncset.done $0x0  }
0x56: {  	[sflag:s14] =	ssyncadd.s32 $0xFFFFEC00  }
0x57: {  	[tilespmem:s15], [sflag:$0x3] =	stream.linear.gather [hbm4b:s10+s24], $0x1400, $0x38;
	[tilespmem:$0x1E400] =	vst v63  }
0x58: {  	_ =	swait.ge [sflag:s14], $0x1400  }
0x59: {  	[sflag:s14] =	ssyncset.done $0x0  }
0x5a: {  	[sflag:s14] =	ssyncadd.s32 $0xFFFFEC00  }
0x5b: {  	[tilespmem:s17], [sflag:$0x1] =	stream.indirect.gather [hbm4b:s4+s16], $0x80, s24, s16, $0xb8;
	[tilespmem:$0x1E400] =	vst v63  }
0x5c: {  	_ = 	snop  }
0x5d: {  	[tilespmem:s18], [sflag:$0x2] =	stream.indirect.gather [hbm4b:s4+s16], $0x80, s16, s16, $0xb8;
	[tilespmem:$0x1E400] =	vst v63  }
0x5e: {  	_ =	swait.ge [sflag:s19], $0x4000  }
0x5f: {  	[sflag:s19] =	ssyncset.done $0x0  }
0x60: {  	s29 =	simm.s32 $0x1400;
	[sflag:s19] =	ssyncadd.s32 $0xFFFFC000  }
0x61: {  	[spmem:s2] =	stream.indirect.scatter.add.f32 [tilespmem:s17], [sflag:$0x3], $0x80, s29, s16, $0xb8;
	[tilespmem:$0x1E400] =	vst v63  }
0x62: {  	_ =	swait.ge [sflag:s14], $0x4000  }
0x63: {  	[sflag:s14] =	ssyncset.done $0x0  }
0x64: {  	s30 =	simm.s32 $0x100;
	[sflag:s14] =	ssyncadd.s32 $0xFFFFC000  }
0x65: {  	[tilespmem:s17], [sflag:$0x1] =	stream.indirect.gather [hbm4b:s4+s16], $0x80, s30, s16, $0xb8;
	[tilespmem:$0x1E400] =	vst v63  }
0x66: {  	_ =	swait.ge [sflag:s20], $0x4000  }
0x67: {  	[sflag:s20] =	ssyncset.done $0x0  }
0x68: {  	s31 =	simm.s32 $0x1480;
	[sflag:s20] =	ssyncadd.s32 $0xFFFFC000  }
0x69: {  	[spmem:s2] =	stream.indirect.scatter.add.f32 [tilespmem:s18], [sflag:$0x3], $0x80, s31, s16, $0xb8;
	[tilespmem:$0x1E400] =	vst v63  }
0x6a: {  	_ =	swait.ge [sflag:s14], $0x4000  }
0x6b: {  	[sflag:s14] =	ssyncset.done $0x0  }
0x6c: {  	s25 =	simm.s32 $0x180;
	s24 =	simm.s32 $0x400;
	[sflag:s14] =	ssyncadd.s32 $0xFFFFC000  }
.LBB2_4:
0x6d: {  	[tilespmem:s18], [sflag:$0x2] =	stream.indirect.gather [hbm4b:s4+s16], $0x80, s25, s16, $0xb8;
	[tilespmem:$0x1E400] =	vst v63  }
0x6e: {  	s25 =	smov.u32 s24  }
0x6f: {  	p0 =	sne.s32 s24, $0x4800;
	s24 =	sadd.s32 $0x400, s24;
	_ =	swait.ge [sflag:s19], $0x4000  }
0x70: {  	s25 =	sshra.s32 s25, $0x2;
	[sflag:s19] =	ssyncset.done $0x0  }
0x71: {  	s26 =	sadd.s32 $0x1400, s25;
	[sflag:s19] =	ssyncadd.s32 $0xFFFFC000  }
0x72: {  	[spmem:s2] =	stream.indirect.scatter.add.f32 [tilespmem:s17], [sflag:$0x3], $0x80, s26, s16, $0xb8;
	[tilespmem:$0x1E400] =	vst v63  }
0x73: {  	_ =	swait.ge [sflag:s14], $0x4000  }
0x74: {  	[sflag:s14] =	ssyncset.done $0x0  }
0x75: {  	s26 =	sadd.s32 $0x100, s25;
	[sflag:s14] =	ssyncadd.s32 $0xFFFFC000  }
0x76: {  	[tilespmem:s17], [sflag:$0x1] =	stream.indirect.gather [hbm4b:s4+s16], $0x80, s26, s16, $0xb8;
	[tilespmem:$0x1E400] =	vst v63  }
0x77: {  	_ =	swait.ge [sflag:s20], $0x4000  }
0x78: {  	[sflag:s20] =	ssyncset.done $0x0  }
.Ltmp1:
0x79: {  	s26 =	sadd.s32 $0x1480, s25;
	[sflag:s20] =	ssyncadd.s32 $0xFFFFC000;
	(pc) =	sbr.rel @p0 .LBB2_4-.Ltmp1, $4  }
0x7a: {  	[spmem:s2] =	stream.indirect.scatter.add.f32 [tilespmem:s18], [sflag:$0x3], $0x80, s26, s16, $0xb8;
	[tilespmem:$0x1E400] =	vst v63  }
0x7b: {  	_ =	swait.ge [sflag:s14], $0x4000  }
0x7c: {  	[sflag:s14] =	ssyncset.done $0x0  }
0x7d: {  	s25 =	sadd.s32 $0x180, s25;
	[sflag:s14] =	ssyncadd.s32 $0xFFFFC000  }
0x7e: {  	[tilespmem:s18], [sflag:$0x2] =	stream.indirect.gather [hbm4b:s4+s16], $0x80, s25, s16, $0xb8;
	[tilespmem:$0x1E400] =	vst v63  }
0x7f: {  	_ =	swait.ge [sflag:s19], $0x4000  }
0x80: {  	[sflag:s19] =	ssyncset.done $0x0  }
0x81: {  	[sflag:s19] =	ssyncadd.s32 $0xFFFFC000  }
0x82: {  	[spmem:s2] =	stream.indirect.scatter.add.f32 [tilespmem:s17], [sflag:$0x3], $0x80, s21, s16, $0xb8;
	[tilespmem:$0x1E400] =	vst v63  }
0x83: {  	_ =	swait.ge [sflag:s14], $0x4000  }
0x84: {  	[sflag:s14] =	ssyncset.done $0x0  }
0x85: {  	[sflag:s14] =	ssyncadd.s32 $0xFFFFC000  }
0x86: {  	_ =	swait.ge [sflag:s20], $0x4000  }
0x87: {  	[sflag:s20] =	ssyncset.done $0x0  }
0x88: {  	[sflag:s20] =	ssyncadd.s32 $0xFFFFC000  }
0x89: {  	[spmem:s2] =	stream.indirect.scatter.add.f32 [tilespmem:s18], [sflag:$0x3], $0x80, s22, s16, $0xb8;
	[tilespmem:$0x1E400] =	vst v63  }
0x8a: {  	_ =	swait.ge [sflag:s14], $0x4000  }
0x8b: {  	s23 =	sadd.s32 $0x1, s23;
	[sflag:s14] =	ssyncset.done $0x0  }
0x8c: {  	p0 =	sne.s32 s23, s12;
	[sflag:s14] =	ssyncadd.s32 $0xFFFFC000  }
.Ltmp2:
0x8d: {  	[bflag:$0x0] =	sbarrier.arrive $0xFFFF;
	(pc) =	sbr.rel @p0 .LBB2_1-.Ltmp2, $4  }
0x8e: {  	[hbm:s11], [sflag:s6] =	dma.local [spmem:s13], $0x2780  }
0x8f: {  	_ =	swait.ge [sflag:s14], $0x2780  }
0x90: {  	[sflag:s14] =	ssyncset.done $0x0  }
0x91: {  	[sflag:s14] =	ssyncadd.s32 $0xFFFFD880  }
0x92: {  	_ =	sfence.sel $0x180000  }
0x93: {  	[bflag:$0x0] =	sbarrier.arrive $0xFFFF  }
0x94: {  	p0 =	sne.s32 s1, $0x0;
	_ =	strace $0x9000004D  }
0x95: {  	s0 =	sadd.s32 @!p0 $0x100000, s0;
	[bflag:$0x2] =	sbarrier.arrive $0xFFFF  }
0x96: {  	[sflag:s0] =	ssyncadd.tile.s32 @!p0 $0x1;
	_ =	shalt  }
.Lfunc_end2:
_tile_overlayer_lowered:
.L_overlay_start_2:
0x97: {  	(tag) =	ssettag $0x2  }
0x98: {  	s0 =	rddreg [dreg:$0x0];
	s2 =	stileid.u32  }
0x99: {  	s1 =	rddreg [dreg:$0x1];
	p0 =	sne.s32 s2, $0x0  }
0x9a: {  	s3 =	rddreg [dreg:$0x2];
	[bflag:$0x3] =	sbarrier.arrive $0xFFFF;
	s2 =	simm.s32 @!p0 $0x1C03  }
0x9b: {  	[timem:s3], [sflag:s2] =	dma.local @!p0 [hbm:s0], s1  }
0x9c: {  	s0 =	simm.s32 @!p0 $0x3  }
0x9d: {  	_ =	swait.ge @!p0 [sflag:s0], s1  }
0x9e: {  	s1 =	ssub.s32 @!p0 $0x0, s1;
	[sflag:s0] =	ssyncset.done @!p0 $0x0  }
0x9f: {  	[sflag:s0] =	ssyncadd.s32 @!p0 s1  }
0xa0: {  	[bflag:$0x3] =	sbarrier.arrive $0xFFFF  }
0xa1: {  	_ =	shalt  }

// kernel: kernel.18.cloned.1.call-start
scs
__scs_entry_jumppad:
0x0: {  	(pc) =	sbr.rel $0x88, $3  }
0x1: {  	(tag) =	ssettag $0x0;
	lr =	simm.s32 $0x1  }
0x2: {  	[smem:$0x3F8C] =	sst lr;
	_ =	strace $0xD0000000  }
0x3: {  	_ = 	snop  }
0x4: {  	_ = 	snop  }
0x5: {  	_ = 	snop  }
0x6: {  	_ = 	snop  }
0x7: {  	_ = 	snop  }
__scs_overlays_trampoline_lowered:
0x8: {  	[smem:$0x3F9B] =	sst s0  }
0x9: {  	[smem:$0x3F9C] =	sst s1  }
0xa: {  	[smem:$0x3F9D] =	sst s2  }
0xb: {  	[smem:$0x3F9E] =	sst s3  }
0xc: {  	[smem:$0x3F9F] =	sst s4  }
0xd: {  	[smem:$0x3FA0] =	sst s5  }
0xe: {  	[smem:$0x3FA1] =	sst s6  }
0xf: {  	[smem:$0x3FA2] =	sst s7  }
0x10: {  	[smem:$0x3FA3] =	sst s8  }
0x11: {  	[smem:$0x3FA4] =	sst s9;
	s0 =	simm.s32 @!p0 $0x0  }
0x12: {  	s1 =	sld [smem:$0x3F8A];
	s0 =	simm.s32 @p0 $0x1  }
0x13: {  	[smem:$0x3FA5] =	sst s0;
	s0 =	simm.s32 @!p1 $0x0  }
0x14: {  	s2 =	sld [smem:$0x3F89];
	s0 =	simm.s32 @p1 $0x1  }
0x15: {  	[smem:$0x3FA6] =	sst s0;
	s0 =	simm.s32 @!p2 $0x0  }
0x16: {  	s3 =	sld [smem:$0x3FDB];
	s0 =	simm.s32 @p2 $0x1  }
0x17: {  	s4 =	simm.s32 $0x1BF5;
	[smem:$0x3FA8] =	sst s0  }
0x18: {  	s0 =	sld [smem:$0x3F8B];
	_ =	swait.ge [sflag:s4], $0x0  }
0x19: {  	s7 =	sld [smem:$0x3F8C]  }
0x1a: {  	s8 =	sadd.s32 $0xFFFFE003, lr  }
0x1b: {  	s9 =	sadd.s32 $0xFFFFFEF7, lr;
	s5 =	simm.s32 $0xFFFFFFFF;
	p2 =	slt.u32 s8, $0xFFFFF086  }
0x1c: {  	p1 =	slt.u32 s9, $0xF7A;
	s5 =	simm.s32 @!p2 $0x0  }
0x1d: {  	s5 =	simm.s32 @p1 $0x1;
	p0 =	seq.s32 s7, s2  }
0x1e: {  	s7 =	smul.u32 @!p0 $0xF7A, s2;
	p2 =	seq.s32 @!p0 s5, $0x0  }
0x1f: {  	s9 =	smul.u32 $0xF7A, s1;
	s8 =	simm.s32 @!p0 $0x1BF5;
	p2 =	por !p2, p0  }
0x20: {  	[sflag:s8] =	ssyncset.s32 @!p0 $0xFFFFF086;
	s6 =	sadd.s32 @!p0 s3, s7;
	s7 =	simm.s32 @!p0 $0x108  }
0x21: {  	s3 =	sadd.s32 s3, s9;
	s6 =	sadd.s32 @!p0 $0x88, s6;
	s7 =	simm.s32 @p2 $0x1082  }
0x22: {  	[simem:s7], [sflag:s8] =	dma.local @!p0 [hbm:s6], $0xF7A  }
0x23: {  	s9 =	sor.u32 $0xD0000000, s2;
	s6 =	simm.s32 $0x108;
	_ =	swait.ge @!p0 [sflag:s8], $0x0  }
0x24: {  	s3 =	sadd.s32 $0x88, s3;
	s6 =	simm.s32 @!p1 $0x1082;
	[sflag:s4] =	ssyncset.s32 $0xFFFFF086  }
0x25: {  	[simem:s6], [sflag:s4] =	dma.local [hbm:s3], $0xF7A  }
0x26: {  	[smem:$0x3F8C] =	sst s1;
	(tag) =	ssettag s2;
	_ =	strace s9  }
0x27: {  	s1 =	sld [smem:$0x3F9C]  }
0x28: {  	s2 =	sld [smem:$0x3F9D]  }
0x29: {  	s4 =	sld [smem:$0x3F9F]  }
0x2a: {  	p0 =	seq.s32 s5, $0x0;
	s5 =	sld [smem:$0x3FA0]  }
0x2b: {  	s6 =	sld [smem:$0x3FA1]  }
0x2c: {  	s7 =	sld [smem:$0x3FA2]  }
0x2d: {  	s3 =	simm.s32 $0x108;
	s8 =	sld [smem:$0x3FA3]  }
0x2e: {  	s3 =	simm.s32 @!p0 $0x1082;
	s9 =	sld [smem:$0x3FA4]  }
0x2f: {  	lr =	sadd.s32 s0, s3;
	s0 =	sld [smem:$0x3F9B]  }
0x30: {  	s3 =	sld [smem:$0x3F9E]  }
0x31: {  	[smem:$0x3FA7] =	sst s10  }
0x32: {  	s10 =	sld [smem:$0x3FA5];
	_ =	sdelay $0x3  }
0x33: {  	p0 =	seq.s32 s10, $0x1;
	s10 =	sld [smem:$0x3FA7];
	_ =	sdelay $0x3  }
0x34: {  	[smem:$0x3FA7] =	sst s10  }
0x35: {  	s10 =	sld [smem:$0x3FA6];
	_ =	sdelay $0x3  }
0x36: {  	p1 =	seq.s32 s10, $0x1;
	s10 =	sld [smem:$0x3FA7];
	_ =	sdelay $0x3  }
0x37: {  	[smem:$0x3FA7] =	sst s10  }
0x38: {  	s10 =	sld [smem:$0x3FA8]  }
0x39: {  	_ = 	snop;
	(pc) =	sbr.ind lr, $3  }
0x3a: {  	_ = 	snop  }
0x3b: {  	_ = 	snop  }
0x3c: {  	p2 =	seq.s32 s10, $0x1;
	s10 =	sld [smem:$0x3FA7]  }
0x3d: {  	_ =	shalt  }
0x3e: {  	_ =	shalt  }
0x3f: {  	_ =	shalt  }
0x40: {  	_ =	shalt  }
0x41: {  	_ =	shalt  }
0x42: {  	_ =	shalt  }
0x43: {  	_ =	shalt  }
0x44: {  	_ =	shalt  }
0x45: {  	_ =	shalt  }
0x46: {  	_ =	shalt  }
0x47: {  	_ =	shalt  }
0x48: {  	_ =	shalt  }
0x49: {  	_ =	shalt  }
0x4a: {  	_ =	shalt  }
0x4b: {  	_ =	shalt  }
0x4c: {  	_ =	shalt  }
0x4d: {  	_ =	shalt  }
0x4e: {  	_ =	shalt  }
0x4f: {  	_ =	shalt  }
0x50: {  	_ =	shalt  }
0x51: {  	_ =	shalt  }
0x52: {  	_ =	shalt  }
0x53: {  	_ =	shalt  }
0x54: {  	_ =	shalt  }
0x55: {  	_ =	shalt  }
0x56: {  	_ =	shalt  }
0x57: {  	_ =	shalt  }
0x58: {  	_ =	shalt  }
0x59: {  	_ =	shalt  }
0x5a: {  	_ =	shalt  }
0x5b: {  	_ =	shalt  }
0x5c: {  	_ =	shalt  }
0x5d: {  	_ =	shalt  }
0x5e: {  	_ =	shalt  }
0x5f: {  	_ =	shalt  }
0x60: {  	_ =	shalt  }
0x61: {  	_ =	shalt  }
0x62: {  	_ =	shalt  }
0x63: {  	_ =	shalt  }
0x64: {  	_ =	shalt  }
0x65: {  	_ =	shalt  }
0x66: {  	_ =	shalt  }
0x67: {  	_ =	shalt  }
0x68: {  	_ =	shalt  }
0x69: {  	_ =	shalt  }
0x6a: {  	_ =	shalt  }
0x6b: {  	_ =	shalt  }
0x6c: {  	_ =	shalt  }
0x6d: {  	_ =	shalt  }
0x6e: {  	_ =	shalt  }
0x6f: {  	_ =	shalt  }
0x70: {  	_ =	shalt  }
0x71: {  	_ =	shalt  }
0x72: {  	_ =	shalt  }
0x73: {  	_ =	shalt  }
0x74: {  	_ =	shalt  }
0x75: {  	_ =	shalt  }
0x76: {  	_ =	shalt  }
0x77: {  	_ =	shalt  }
0x78: {  	_ =	shalt  }
0x79: {  	_ =	shalt  }
0x7a: {  	_ =	shalt  }
0x7b: {  	_ =	shalt  }
0x7c: {  	_ =	shalt  }
0x7d: {  	_ =	shalt  }
0x7e: {  	_ =	shalt  }
0x7f: {  	_ =	shalt  }
0x80: {  	_ =	shalt  }
0x81: {  	_ =	shalt  }
0x82: {  	_ =	shalt  }
0x83: {  	_ =	shalt  }
0x84: {  	_ =	shalt  }
0x85: {  	_ =	shalt  }
0x86: {  	_ =	shalt  }
0x87: {  	_ =	shalt  }
.Lfunc_end0:
.L_simem_size_0:
called_computation.3_lowered:
.L_overlay_start_0:
0x88: {  	s2 =	sld [smem:$0x3FD9]  }
0x89: {  	s3 =	sld [smem:$0x3FFE];
	_ =	sdelay $0x1  }
0x8a: {  	s1 =	srdreg.scid  }
0x8b: {  	s0 =	sand.u32 $0x1, s1  }
0x8c: {  	s17 =	sshll.u32 s0, $0xA;
	s2 =	sadd.s32 s3, s2  }
0x8d: {  	s2 =	sadd.s32 s2, s17  }
0x8e: {  	[smem:$0x3FB3] =	sst s2  }
0x8f: {  	_ = 	snop  }
0x90: {  	s2 =	sld [smem:$0x3FD0];
	(tm) =	ssettm $0x1  }
0x91: {  	s18 =	sld [smem:$0x3FFB];
	_ =	sdelay $0x3  }
0x92: {  	_ =	strace s18  }
0x93: {  	s3 =	sld [smem:$0x3FFC];
	_ =	sdelay $0x3  }
0x94: {  	_ =	strace s3  }
0x95: {  	s3 =	sld [smem:$0x3FFD];
	_ =	sdelay $0x3  }
0x96: {  	_ =	strace s3  }
0x97: {  	_ =	strace $0x8FFFFFFF  }
0x98: {  	s19 =	sld [smem:$0x3FDB];
	_ =	sdelay $0x1  }
0x99: {  	s4 =	simm.s32 $_scs_section_size  }
0x9a: {  	s5 =	simm.s32 $_size__tile_overlayer_lowered;
	s6 =	simm.s32 $_tile_overlayer_lowered  }
0x9b: {  	s22 =	simm.s32 $0x1BFF;
	s21 =	sshll.u32 s6, $0x1;
	s3 =	sadd.s32 s4, s19  }
0x9c: {  	s7 =	simm.s32 $0x0;
	s20 =	sshll.u32 s5, $0x1;
	s5 =	sadd.s32 s21, s3  }
0x9d: {  	[timem:s7], [sflag:s22] =	dma.local [hbm:s5], s20  }
0x9e: {  	_ =	swait.ge [sflag:s22], s20  }
0x9f: {  	s4 =	ssub.s32 $0x0, s20;
	[sflag:s22] =	ssyncset.done $0x0  }
0xa0: {  	[sflag:s22] =	ssyncadd.s32 s4;
	_ =	sdelay $0x1  }
0xa1: {  	s23 =	simm.s32 $0x1B8B  }
0xa2: {  	_ =	swait.ge [sflag:s23], $0x1  }
0xa3: {  	[sflag:s23] =	ssyncset.done $0x0  }
0xa4: {  	s25 =	simm.s32 $0x1B8E;
	s24 =	sld [smem:$0x3FFE];
	[sflag:s23] =	ssyncadd.s32 $0xFFFFFFFF  }
0xa5: {  	s26 =	simm.s32 $execute0_lowered;
	[smem:$0x3FD2] =	sst s25  }
0xa6: {  	s5 =	sshll.u32 s26, $0x1;
	_ =	strace $0x8000004F;
	[dreg:$0x1] =	wrdreg $0xFFFFFFFF  }
0xa7: {  	s28 =	simm.s32 $_size_execute0_lowered;
	s3 =	sadd.s32 s3, s5;
	[dreg:$0x0] =	wrdreg $0x0  }
0xa8: {  	s5 =	sshll.u32 s28, $0x1;
	[dreg:$0x2] =	wrdreg s3  }
0xa9: {  	[dreg:$0x3] =	wrdreg s5  }
0xaa: {  	[dreg:$0x4] =	wrdreg $0xC0  }
0xab: {  	_ =	task [dreg:s7], $0x5FFFF  }
0xac: {  	[dreg:$0x1] =	wrdreg $0xFFFFFFFF  }
0xad: {  	[dreg:$0x0] =	wrdreg $0x60  }
0xae: {  	[dreg:$0x2] =	wrdreg s24  }
0xaf: {  	[dreg:$0x3] =	wrdreg s2  }
0xb0: {  	[dreg:$0x4] =	wrdreg $0xA8000  }
0xb1: {  	[dreg:$0x5] =	wrdreg $0x9  }
0xb2: {  	_ =	task.clear_ibuf [dreg:s7], $0x6FFFF;
	_ =	strace $0x9000004F  }
0xb3: {  	s29 =	simm.s32 $0x9;
	_ =	strace $0x80000051  }
0xb4: {  	_ =	swait.ge [sflag:s29], $0x1  }
0xb5: {  	[sflag:s29] =	ssyncadd.s32 $0xFFFFFFFF  }
0xb6: {  	_ =	strace $0x90000051  }
0xb7: {  	_ =	sfence  }
0xb8: {  	s30 =	sld [smem:$0x0];
	_ =	sdelay $0x2  }
0xb9: {  	s31 =	sshll.u32 s1, $0xD;
	s1 =	sshrl.u32 s1, $0x2  }
0xba: {  	s3 =	sand.u32 $0x4000, s31;
	s1 =	sadd.s32 s1, s30  }
0xbb: {  	s0 =	sor.u32 s3, s0;
	s1 =	sshll.u32 s1, $0x11  }
0xbc: {  	s0 =	sor.u32 s1, s0  }
0xbd: {  	s0 =	sadd.s32 $0x8F2B, s0  }
0xbe: {  	[sflag:s0] =	ssyncadd.remote.s32 $0x1  }
0xbf: {  	_ =	sfence.sel $0xFFFF  }
0xc0: {  	[dreg:$0x0] =	wrdreg $0xFFFFFFFF;
	(pc) =	sbr.abs _section_cstart, $3  }
0xc1: {  	[dreg:$0x1] =	wrdreg $0xFFFFFFFF  }
0xc2: {  	_ =	task.clear_ibuf [dreg:s7], $0x2FFFF;
	_ =	strace $0x9FFFFFFF  }
0xc3: {  	(tm) =	ssettm $0x7FFFFFFF  }
tec
execute0_lowered:
.L_overlay_start_1:
0x0: {  	(tag) =	ssettag $0x1  }
0x1: {  	s5 =	rddreg [dreg:$0x0]  }
0x2: {  	s9 =	rddreg [dreg:$0x1]  }
0x3: {  	s2 =	rddreg [dreg:$0x2]  }
0x4: {  	s0 =	rddreg [dreg:$0x3];
	s3 =	simm.s32 $0x0  }
0x5: {  	s1 =	stileid.u32;
	s4 =	srdreg.scid;
	s17 =	simm.s32 $0x2800  }
0x6: {  	s18 =	simm.s32 $0x6800;
	s19 =	simm.s32 $0x1;
	s20 =	simm.s32 $0x2  }
0x7: {  	s21 =	simm.s32 $0x2700;
	s22 =	simm.s32 $0x2780;
	s6 =	smul.u32 $0x13C00, s1  }
0x8: {  	s23 =	simm.s32 $0x0;
	[smem:$0x7FF] =	sst s3;
	s12 =	smul.u32 $0x4F000, s1  }
0x9: {  	s7 =	sand.u32 $0x1, s4;
	s4 =	sadd.s32 $0xE600, s5;
	s14 =	smul.u32 $0x2800, s1  }
0xa: {  	s11 =	sadd.s32 $0x4600, s5;
	s30 =	sshll.u32 s1, $0x6;
	s10 =	smul.u32 $0x13C000, s7  }
0xb: {  	_ =	strace $0x80000050;
	s28 =	ssub.s32 $0x2, s7;
	s7 =	smul.u32 $0x28000, s7  }
0xc: {  	s8 =	sshrl.u32 s6, $0x3;
	s13 =	sshrl.u32 s28, $0x1;
	s29 =	sshrl.u32 s12, $0x2  }
0xd: {  	s8 =	sadd.s32 s8, s5;
	s6 =	sadd.s32 s6, s10;
	s13 =	ssub.s32 s28, s13  }
0xe: {  	s16 =	sadd.s32 s29, s2;
	s7 =	sadd.s32 s14, s7;
	s14 =	simm.s32 $0x3  }
0xf: {  	s6 =	sshrl.u32 s6, $0x3;
	s31 =	sshrl.u32 s7, $0x3;
	s12 =	smax.u32 s13, $0x1  }
0x10: {  	s13 =	sshrl.u32 s16, $0x3;
	s16 =	simm.s32 $0x80;
	s15 =	sadd.s32 s6, s5  }
0x11: {  	s5 =	sadd.s32 $0x35E00, s8;
	s6 =	sor.u32 $0x1C03, s30;
	s10 =	sadd.s32 $0x280, s31  }
0x12: {  	s7 =	sadd.s32 s9, s31;
	s8 =	sadd.s32 s11, s31;
	s9 =	sadd.s32 s9, s10  }
0x13: {  	s10 =	sadd.s32 s11, s10;
	s11 =	sadd.s32 $0x5D600, s15;
	s15 =	simm.s32 $0x1400  }
.LBB2_1:
0x14: {  	[spmem:s13], [sflag:s6] =	dma.local [hbm:s5], $0x2780  }
0x15: {  	_ =	swait.ge [sflag:s14], $0x2780  }
0x16: {  	[sflag:s14] =	ssyncset.done $0x0  }
0x17: {  	[sflag:s14] =	ssyncadd.s32 $0xFFFFD880  }
0x18: {  	[bflag:$0x0] =	sbarrier.arrive $0xFFFF  }
0x19: {  	[tilespmem:s3], [sflag:$0x3] =	stream.linear.gather [hbm4b:s7+s3], $0x1400, $0x38;
	[tilespmem:$0x1E400] =	vst v63  }
0x1a: {  	_ =	swait.ge [sflag:s14], $0x1400  }
0x1b: {  	[sflag:s14] =	ssyncset.done $0x0  }
0x1c: {  	[sflag:s14] =	ssyncadd.s32 $0xFFFFEC00  }
0x1d: {  	[tilespmem:s15], [sflag:$0x3] =	stream.linear.gather [hbm4b:s8+s3], $0x1400, $0x38;
	[tilespmem:$0x1E400] =	vst v63  }
0x1e: {  	_ =	swait.ge [sflag:s14], $0x1400  }
0x1f: {  	[sflag:s14] =	ssyncset.done $0x0  }
0x20: {  	[sflag:s14] =	ssyncadd.s32 $0xFFFFEC00  }
0x21: {  	[tilespmem:s17], [sflag:$0x1] =	stream.indirect.gather [hbm4b:s4+s16], $0x80, s3, s16, $0xb8;
	[tilespmem:$0x1E400] =	vst v63  }
0x22: {  	_ = 	snop  }
0x23: {  	[tilespmem:s18], [sflag:$0x2] =	stream.indirect.gather [hbm4b:s4+s16], $0x80, s16, s16, $0xb8;
	[tilespmem:$0x1E400] =	vst v63  }
0x24: {  	_ =	swait.ge [sflag:s19], $0x4000  }
0x25: {  	[sflag:s19] =	ssyncset.done $0x0  }
0x26: {  	s24 =	simm.s32 $0x1400;
	[sflag:s19] =	ssyncadd.s32 $0xFFFFC000  }
0x27: {  	[spmem:s2] =	stream.indirect.scatter.add.f32 [tilespmem:s17], [sflag:$0x3], $0x80, s24, s16, $0xb8;
	[tilespmem:$0x1E400] =	vst v63  }
0x28: {  	_ =	swait.ge [sflag:s14], $0x4000  }
0x29: {  	[sflag:s14] =	ssyncset.done $0x0  }
0x2a: {  	s30 =	simm.s32 $0x100;
	[sflag:s14] =	ssyncadd.s32 $0xFFFFC000  }
0x2b: {  	[tilespmem:s17], [sflag:$0x1] =	stream.indirect.gather [hbm4b:s4+s16], $0x80, s30, s16, $0xb8;
	[tilespmem:$0x1E400] =	vst v63  }
0x2c: {  	_ =	swait.ge [sflag:s20], $0x4000  }
0x2d: {  	[sflag:s20] =	ssyncset.done $0x0  }
0x2e: {  	s31 =	simm.s32 $0x1480;
	[sflag:s20] =	ssyncadd.s32 $0xFFFFC000  }
0x2f: {  	[spmem:s2] =	stream.indirect.scatter.add.f32 [tilespmem:s18], [sflag:$0x3], $0x80, s31, s16, $0xb8;
	[tilespmem:$0x1E400] =	vst v63  }
0x30: {  	_ =	swait.ge [sflag:s14], $0x4000  }
0x31: {  	[sflag:s14] =	ssyncset.done $0x0  }
0x32: {  	s25 =	simm.s32 $0x180;
	s24 =	simm.s32 $0x400;
	[sflag:s14] =	ssyncadd.s32 $0xFFFFC000  }
.LBB2_2:
0x33: {  	[tilespmem:s18], [sflag:$0x2] =	stream.indirect.gather [hbm4b:s4+s16], $0x80, s25, s16, $0xb8;
	[tilespmem:$0x1E400] =	vst v63  }
0x34: {  	s25 =	smov.u32 s24  }
0x35: {  	p0 =	sne.s32 s24, $0x4800;
	s24 =	sadd.s32 $0x400, s24;
	_ =	swait.ge [sflag:s19], $0x4000  }
0x36: {  	s25 =	sshra.s32 s25, $0x2;
	[sflag:s19] =	ssyncset.done $0x0  }
0x37: {  	s26 =	sadd.s32 $0x1400, s25;
	[sflag:s19] =	ssyncadd.s32 $0xFFFFC000  }
0x38: {  	[spmem:s2] =	stream.indirect.scatter.add.f32 [tilespmem:s17], [sflag:$0x3], $0x80, s26, s16, $0xb8;
	[tilespmem:$0x1E400] =	vst v63  }
0x39: {  	_ =	swait.ge [sflag:s14], $0x4000  }
0x3a: {  	[sflag:s14] =	ssyncset.done $0x0  }
0x3b: {  	s26 =	sadd.s32 $0x100, s25;
	[sflag:s14] =	ssyncadd.s32 $0xFFFFC000  }
0x3c: {  	[tilespmem:s17], [sflag:$0x1] =	stream.indirect.gather [hbm4b:s4+s16], $0x80, s26, s16, $0xb8;
	[tilespmem:$0x1E400] =	vst v63  }
0x3d: {  	_ =	swait.ge [sflag:s20], $0x4000  }
0x3e: {  	[sflag:s20] =	ssyncset.done $0x0  }
.Ltmp0:
0x3f: {  	s26 =	sadd.s32 $0x1480, s25;
	[sflag:s20] =	ssyncadd.s32 $0xFFFFC000;
	(pc) =	sbr.rel @p0 .LBB2_2-.Ltmp0, $4  }
0x40: {  	[spmem:s2] =	stream.indirect.scatter.add.f32 [tilespmem:s18], [sflag:$0x3], $0x80, s26, s16, $0xb8;
	[tilespmem:$0x1E400] =	vst v63  }
0x41: {  	_ =	swait.ge [sflag:s14], $0x4000  }
0x42: {  	[sflag:s14] =	ssyncset.done $0x0  }
0x43: {  	s25 =	sadd.s32 $0x180, s25;
	[sflag:s14] =	ssyncadd.s32 $0xFFFFC000  }
0x44: {  	[tilespmem:s18], [sflag:$0x2] =	stream.indirect.gather [hbm4b:s4+s16], $0x80, s25, s16, $0xb8;
	[tilespmem:$0x1E400] =	vst v63  }
0x45: {  	_ =	swait.ge [sflag:s19], $0x4000  }
0x46: {  	[sflag:s19] =	ssyncset.done $0x0  }
0x47: {  	[sflag:s19] =	ssyncadd.s32 $0xFFFFC000  }
0x48: {  	[spmem:s2] =	stream.indirect.scatter.add.f32 [tilespmem:s17], [sflag:$0x3], $0x80, s21, s16, $0xb8;
	[tilespmem:$0x1E400] =	vst v63  }
0x49: {  	_ =	swait.ge [sflag:s14], $0x4000  }
0x4a: {  	[sflag:s14] =	ssyncset.done $0x0  }
0x4b: {  	[sflag:s14] =	ssyncadd.s32 $0xFFFFC000  }
0x4c: {  	_ =	swait.ge [sflag:s20], $0x4000  }
0x4d: {  	[sflag:s20] =	ssyncset.done $0x0  }
0x4e: {  	[sflag:s20] =	ssyncadd.s32 $0xFFFFC000  }
0x4f: {  	[spmem:s2] =	stream.indirect.scatter.add.f32 [tilespmem:s18], [sflag:$0x3], $0x80, s22, s16, $0xb8;
	[tilespmem:$0x1E400] =	vst v63  }
0x50: {  	_ =	swait.ge [sflag:s14], $0x4000  }
0x51: {  	[sflag:s14] =	ssyncset.done $0x0  }
0x52: {  	s24 =	simm.s32 $0x0;
	[sflag:s14] =	ssyncadd.s32 $0xFFFFC000  }
0x53: {  	[tilespmem:s24], [sflag:$0x3] =	stream.linear.gather [hbm4b:s9+s24], $0x1400, $0x38;
	[tilespmem:$0x1E400] =	vst v63  }
0x54: {  	_ =	swait.ge [sflag:s14], $0x1400  }
0x55: {  	[sflag:s14] =	ssyncset.done $0x0  }
0x56: {  	[sflag:s14] =	ssyncadd.s32 $0xFFFFEC00  }
0x57: {  	[tilespmem:s15], [sflag:$0x3] =	stream.linear.gather [hbm4b:s10+s24], $0x1400, $0x38;
	[tilespmem:$0x1E400] =	vst v63  }
0x58: {  	_ =	swait.ge [sflag:s14], $0x1400  }
0x59: {  	[sflag:s14] =	ssyncset.done $0x0  }
0x5a: {  	[sflag:s14] =	ssyncadd.s32 $0xFFFFEC00  }
0x5b: {  	[tilespmem:s17], [sflag:$0x1] =	stream.indirect.gather [hbm4b:s4+s16], $0x80, s24, s16, $0xb8;
	[tilespmem:$0x1E400] =	vst v63  }
0x5c: {  	_ = 	snop  }
0x5d: {  	[tilespmem:s18], [sflag:$0x2] =	stream.indirect.gather [hbm4b:s4+s16], $0x80, s16, s16, $0xb8;
	[tilespmem:$0x1E400] =	vst v63  }
0x5e: {  	_ =	swait.ge [sflag:s19], $0x4000  }
0x5f: {  	[sflag:s19] =	ssyncset.done $0x0  }
0x60: {  	s29 =	simm.s32 $0x1400;
	[sflag:s19] =	ssyncadd.s32 $0xFFFFC000  }
0x61: {  	[spmem:s2] =	stream.indirect.scatter.add.f32 [tilespmem:s17], [sflag:$0x3], $0x80, s29, s16, $0xb8;
	[tilespmem:$0x1E400] =	vst v63  }
0x62: {  	_ =	swait.ge [sflag:s14], $0x4000  }
0x63: {  	[sflag:s14] =	ssyncset.done $0x0  }
0x64: {  	s30 =	simm.s32 $0x100;
	[sflag:s14] =	ssyncadd.s32 $0xFFFFC000  }
0x65: {  	[tilespmem:s17], [sflag:$0x1] =	stream.indirect.gather [hbm4b:s4+s16], $0x80, s30, s16, $0xb8;
	[tilespmem:$0x1E400] =	vst v63  }
0x66: {  	_ =	swait.ge [sflag:s20], $0x4000  }
0x67: {  	[sflag:s20] =	ssyncset.done $0x0  }
0x68: {  	s31 =	simm.s32 $0x1480;
	[sflag:s20] =	ssyncadd.s32 $0xFFFFC000  }
0x69: {  	[spmem:s2] =	stream.indirect.scatter.add.f32 [tilespmem:s18], [sflag:$0x3], $0x80, s31, s16, $0xb8;
	[tilespmem:$0x1E400] =	vst v63  }
0x6a: {  	_ =	swait.ge [sflag:s14], $0x4000  }
0x6b: {  	[sflag:s14] =	ssyncset.done $0x0  }
0x6c: {  	s25 =	simm.s32 $0x180;
	s24 =	simm.s32 $0x400;
	[sflag:s14] =	ssyncadd.s32 $0xFFFFC000  }
.LBB2_4:
0x6d: {  	[tilespmem:s18], [sflag:$0x2] =	stream.indirect.gather [hbm4b:s4+s16], $0x80, s25, s16, $0xb8;
	[tilespmem:$0x1E400] =	vst v63  }
0x6e: {  	s25 =	smov.u32 s24  }
0x6f: {  	p0 =	sne.s32 s24, $0x4800;
	s24 =	sadd.s32 $0x400, s24;
	_ =	swait.ge [sflag:s19], $0x4000  }
0x70: {  	s25 =	sshra.s32 s25, $0x2;
	[sflag:s19] =	ssyncset.done $0x0  }
0x71: {  	s26 =	sadd.s32 $0x1400, s25;
	[sflag:s19] =	ssyncadd.s32 $0xFFFFC000  }
0x72: {  	[spmem:s2] =	stream.indirect.scatter.add.f32 [tilespmem:s17], [sflag:$0x3], $0x80, s26, s16, $0xb8;
	[tilespmem:$0x1E400] =	vst v63  }
0x73: {  	_ =	swait.ge [sflag:s14], $0x4000  }
0x74: {  	[sflag:s14] =	ssyncset.done $0x0  }
0x75: {  	s26 =	sadd.s32 $0x100, s25;
	[sflag:s14] =	ssyncadd.s32 $0xFFFFC000  }
0x76: {  	[tilespmem:s17], [sflag:$0x1] =	stream.indirect.gather [hbm4b:s4+s16], $0x80, s26, s16, $0xb8;
	[tilespmem:$0x1E400] =	vst v63  }
0x77: {  	_ =	swait.ge [sflag:s20], $0x4000  }
0x78: {  	[sflag:s20] =	ssyncset.done $0x0  }
.Ltmp1:
0x79: {  	s26 =	sadd.s32 $0x1480, s25;
	[sflag:s20] =	ssyncadd.s32 $0xFFFFC000;
	(pc) =	sbr.rel @p0 .LBB2_4-.Ltmp1, $4  }
0x7a: {  	[spmem:s2] =	stream.indirect.scatter.add.f32 [tilespmem:s18], [sflag:$0x3], $0x80, s26, s16, $0xb8;
	[tilespmem:$0x1E400] =	vst v63  }
0x7b: {  	_ =	swait.ge [sflag:s14], $0x4000  }
0x7c: {  	[sflag:s14] =	ssyncset.done $0x0  }
0x7d: {  	s25 =	sadd.s32 $0x180, s25;
	[sflag:s14] =	ssyncadd.s32 $0xFFFFC000  }
0x7e: {  	[tilespmem:s18], [sflag:$0x2] =	stream.indirect.gather [hbm4b:s4+s16], $0x80, s25, s16, $0xb8;
	[tilespmem:$0x1E400] =	vst v63  }
0x7f: {  	_ =	swait.ge [sflag:s19], $0x4000  }
0x80: {  	[sflag:s19] =	ssyncset.done $0x0  }
0x81: {  	[sflag:s19] =	ssyncadd.s32 $0xFFFFC000  }
0x82: {  	[spmem:s2] =	stream.indirect.scatter.add.f32 [tilespmem:s17], [sflag:$0x3], $0x80, s21, s16, $0xb8;
	[tilespmem:$0x1E400] =	vst v63  }
0x83: {  	_ =	swait.ge [sflag:s14], $0x4000  }
0x84: {  	[sflag:s14] =	ssyncset.done $0x0  }
0x85: {  	[sflag:s14] =	ssyncadd.s32 $0xFFFFC000  }
0x86: {  	_ =	swait.ge [sflag:s20], $0x4000  }
0x87: {  	[sflag:s20] =	ssyncset.done $0x0  }
0x88: {  	[sflag:s20] =	ssyncadd.s32 $0xFFFFC000  }
0x89: {  	[spmem:s2] =	stream.indirect.scatter.add.f32 [tilespmem:s18], [sflag:$0x3], $0x80, s22, s16, $0xb8;
	[tilespmem:$0x1E400] =	vst v63  }
0x8a: {  	_ =	swait.ge [sflag:s14], $0x4000  }
0x8b: {  	s23 =	sadd.s32 $0x1, s23;
	[sflag:s14] =	ssyncset.done $0x0  }
0x8c: {  	p0 =	sne.s32 s23, s12;
	[sflag:s14] =	ssyncadd.s32 $0xFFFFC000  }
.Ltmp2:
0x8d: {  	[bflag:$0x0] =	sbarrier.arrive $0xFFFF;
	(pc) =	sbr.rel @p0 .LBB2_1-.Ltmp2, $4  }
0x8e: {  	[hbm:s11], [sflag:s6] =	dma.local [spmem:s13], $0x2780  }
0x8f: {  	_ =	swait.ge [sflag:s14], $0x2780  }
0x90: {  	[sflag:s14] =	ssyncset.done $0x0  }
0x91: {  	[sflag:s14] =	ssyncadd.s32 $0xFFFFD880  }
0x92: {  	_ =	sfence.sel $0x180000  }
0x93: {  	[bflag:$0x0] =	sbarrier.arrive $0xFFFF  }
0x94: {  	p0 =	sne.s32 s1, $0x0;
	_ =	strace $0x90000050  }
0x95: {  	s0 =	sadd.s32 @!p0 $0x100000, s0;
	[bflag:$0x2] =	sbarrier.arrive $0xFFFF  }
0x96: {  	[sflag:s0] =	ssyncadd.tile.s32 @!p0 $0x1;
	_ =	shalt  }
.Lfunc_end2:
_tile_overlayer_lowered:
.L_overlay_start_2:
0x97: {  	(tag) =	ssettag $0x2  }
0x98: {  	s0 =	rddreg [dreg:$0x0];
	s2 =	stileid.u32  }
0x99: {  	s1 =	rddreg [dreg:$0x1];
	p0 =	sne.s32 s2, $0x0  }
0x9a: {  	s3 =	rddreg [dreg:$0x2];
	[bflag:$0x3] =	sbarrier.arrive $0xFFFF;
	s2 =	simm.s32 @!p0 $0x1C03  }
0x9b: {  	[timem:s3], [sflag:s2] =	dma.local @!p0 [hbm:s0], s1  }
0x9c: {  	s0 =	simm.s32 @!p0 $0x3  }
0x9d: {  	_ =	swait.ge @!p0 [sflag:s0], s1  }
0x9e: {  	s1 =	ssub.s32 @!p0 $0x0, s1;
	[sflag:s0] =	ssyncset.done @!p0 $0x0  }
0x9f: {  	[sflag:s0] =	ssyncadd.s32 @!p0 s1  }
0xa0: {  	[bflag:$0x3] =	sbarrier.arrive $0xFFFF  }
0xa1: {  	_ =	shalt  }

// kernel: kernel.9.cloned.1.call-start
scs
__scs_entry_jumppad:
0x0: {  	(pc) =	sbr.rel $0x88, $3  }
0x1: {  	(tag) =	ssettag $0x0;
	lr =	simm.s32 $0x1  }
0x2: {  	[smem:$0x3F8C] =	sst lr;
	_ =	strace $0xD0000000  }
0x3: {  	_ = 	snop  }
0x4: {  	_ = 	snop  }
0x5: {  	_ = 	snop  }
0x6: {  	_ = 	snop  }
0x7: {  	_ = 	snop  }
__scs_overlays_trampoline_lowered:
0x8: {  	[smem:$0x3F9B] =	sst s0  }
0x9: {  	[smem:$0x3F9C] =	sst s1  }
0xa: {  	[smem:$0x3F9D] =	sst s2  }
0xb: {  	[smem:$0x3F9E] =	sst s3  }
0xc: {  	[smem:$0x3F9F] =	sst s4  }
0xd: {  	[smem:$0x3FA0] =	sst s5  }
0xe: {  	[smem:$0x3FA1] =	sst s6  }
0xf: {  	[smem:$0x3FA2] =	sst s7  }
0x10: {  	[smem:$0x3FA3] =	sst s8  }
0x11: {  	[smem:$0x3FA4] =	sst s9;
	s0 =	simm.s32 @!p0 $0x0  }
0x12: {  	s1 =	sld [smem:$0x3F8A];
	s0 =	simm.s32 @p0 $0x1  }
0x13: {  	[smem:$0x3FA5] =	sst s0;
	s0 =	simm.s32 @!p1 $0x0  }
0x14: {  	s2 =	sld [smem:$0x3F89];
	s0 =	simm.s32 @p1 $0x1  }
0x15: {  	[smem:$0x3FA6] =	sst s0;
	s0 =	simm.s32 @!p2 $0x0  }
0x16: {  	s3 =	sld [smem:$0x3FDB];
	s0 =	simm.s32 @p2 $0x1  }
0x17: {  	s4 =	simm.s32 $0x1BF5;
	[smem:$0x3FA8] =	sst s0  }
0x18: {  	s0 =	sld [smem:$0x3F8B];
	_ =	swait.ge [sflag:s4], $0x0  }
0x19: {  	s7 =	sld [smem:$0x3F8C]  }
0x1a: {  	s8 =	sadd.s32 $0xFFFFE003, lr  }
0x1b: {  	s9 =	sadd.s32 $0xFFFFFEF7, lr;
	s5 =	simm.s32 $0xFFFFFFFF;
	p2 =	slt.u32 s8, $0xFFFFF086  }
0x1c: {  	p1 =	slt.u32 s9, $0xF7A;
	s5 =	simm.s32 @!p2 $0x0  }
0x1d: {  	s5 =	simm.s32 @p1 $0x1;
	p0 =	seq.s32 s7, s2  }
0x1e: {  	s7 =	smul.u32 @!p0 $0xF7A, s2;
	p2 =	seq.s32 @!p0 s5, $0x0  }
0x1f: {  	s9 =	smul.u32 $0xF7A, s1;
	s8 =	simm.s32 @!p0 $0x1BF5;
	p2 =	por !p2, p0  }
0x20: {  	[sflag:s8] =	ssyncset.s32 @!p0 $0xFFFFF086;
	s6 =	sadd.s32 @!p0 s3, s7;
	s7 =	simm.s32 @!p0 $0x108  }
0x21: {  	s3 =	sadd.s32 s3, s9;
	s6 =	sadd.s32 @!p0 $0x88, s6;
	s7 =	simm.s32 @p2 $0x1082  }
0x22: {  	[simem:s7], [sflag:s8] =	dma.local @!p0 [hbm:s6], $0xF7A  }
0x23: {  	s9 =	sor.u32 $0xD0000000, s2;
	s6 =	simm.s32 $0x108;
	_ =	swait.ge @!p0 [sflag:s8], $0x0  }
0x24: {  	s3 =	sadd.s32 $0x88, s3;
	s6 =	simm.s32 @!p1 $0x1082;
	[sflag:s4] =	ssyncset.s32 $0xFFFFF086  }
0x25: {  	[simem:s6], [sflag:s4] =	dma.local [hbm:s3], $0xF7A  }
0x26: {  	[smem:$0x3F8C] =	sst s1;
	(tag) =	ssettag s2;
	_ =	strace s9  }
0x27: {  	s1 =	sld [smem:$0x3F9C]  }
0x28: {  	s2 =	sld [smem:$0x3F9D]  }
0x29: {  	s4 =	sld [smem:$0x3F9F]  }
0x2a: {  	p0 =	seq.s32 s5, $0x0;
	s5 =	sld [smem:$0x3FA0]  }
0x2b: {  	s6 =	sld [smem:$0x3FA1]  }
0x2c: {  	s7 =	sld [smem:$0x3FA2]  }
0x2d: {  	s3 =	simm.s32 $0x108;
	s8 =	sld [smem:$0x3FA3]  }
0x2e: {  	s3 =	simm.s32 @!p0 $0x1082;
	s9 =	sld [smem:$0x3FA4]  }
0x2f: {  	lr =	sadd.s32 s0, s3;
	s0 =	sld [smem:$0x3F9B]  }
0x30: {  	s3 =	sld [smem:$0x3F9E]  }
0x31: {  	[smem:$0x3FA7] =	sst s10  }
0x32: {  	s10 =	sld [smem:$0x3FA5];
	_ =	sdelay $0x3  }
0x33: {  	p0 =	seq.s32 s10, $0x1;
	s10 =	sld [smem:$0x3FA7];
	_ =	sdelay $0x3  }
0x34: {  	[smem:$0x3FA7] =	sst s10  }
0x35: {  	s10 =	sld [smem:$0x3FA6];
	_ =	sdelay $0x3  }
0x36: {  	p1 =	seq.s32 s10, $0x1;
	s10 =	sld [smem:$0x3FA7];
	_ =	sdelay $0x3  }
0x37: {  	[smem:$0x3FA7] =	sst s10  }
0x38: {  	s10 =	sld [smem:$0x3FA8]  }
0x39: {  	_ = 	snop;
	(pc) =	sbr.ind lr, $3  }
0x3a: {  	_ = 	snop  }
0x3b: {  	_ = 	snop  }
0x3c: {  	p2 =	seq.s32 s10, $0x1;
	s10 =	sld [smem:$0x3FA7]  }
0x3d: {  	_ =	shalt  }
0x3e: {  	_ =	shalt  }
0x3f: {  	_ =	shalt  }
0x40: {  	_ =	shalt  }
0x41: {  	_ =	shalt  }
0x42: {  	_ =	shalt  }
0x43: {  	_ =	shalt  }
0x44: {  	_ =	shalt  }
0x45: {  	_ =	shalt  }
0x46: {  	_ =	shalt  }
0x47: {  	_ =	shalt  }
0x48: {  	_ =	shalt  }
0x49: {  	_ =	shalt  }
0x4a: {  	_ =	shalt  }
0x4b: {  	_ =	shalt  }
0x4c: {  	_ =	shalt  }
0x4d: {  	_ =	shalt  }
0x4e: {  	_ =	shalt  }
0x4f: {  	_ =	shalt  }
0x50: {  	_ =	shalt  }
0x51: {  	_ =	shalt  }
0x52: {  	_ =	shalt  }
0x53: {  	_ =	shalt  }
0x54: {  	_ =	shalt  }
0x55: {  	_ =	shalt  }
0x56: {  	_ =	shalt  }
0x57: {  	_ =	shalt  }
0x58: {  	_ =	shalt  }
0x59: {  	_ =	shalt  }
0x5a: {  	_ =	shalt  }
0x5b: {  	_ =	shalt  }
0x5c: {  	_ =	shalt  }
0x5d: {  	_ =	shalt  }
0x5e: {  	_ =	shalt  }
0x5f: {  	_ =	shalt  }
0x60: {  	_ =	shalt  }
0x61: {  	_ =	shalt  }
0x62: {  	_ =	shalt  }
0x63: {  	_ =	shalt  }
0x64: {  	_ =	shalt  }
0x65: {  	_ =	shalt  }
0x66: {  	_ =	shalt  }
0x67: {  	_ =	shalt  }
0x68: {  	_ =	shalt  }
0x69: {  	_ =	shalt  }
0x6a: {  	_ =	shalt  }
0x6b: {  	_ =	shalt  }
0x6c: {  	_ =	shalt  }
0x6d: {  	_ =	shalt  }
0x6e: {  	_ =	shalt  }
0x6f: {  	_ =	shalt  }
0x70: {  	_ =	shalt  }
0x71: {  	_ =	shalt  }
0x72: {  	_ =	shalt  }
0x73: {  	_ =	shalt  }
0x74: {  	_ =	shalt  }
0x75: {  	_ =	shalt  }
0x76: {  	_ =	shalt  }
0x77: {  	_ =	shalt  }
0x78: {  	_ =	shalt  }
0x79: {  	_ =	shalt  }
0x7a: {  	_ =	shalt  }
0x7b: {  	_ =	shalt  }
0x7c: {  	_ =	shalt  }
0x7d: {  	_ =	shalt  }
0x7e: {  	_ =	shalt  }
0x7f: {  	_ =	shalt  }
0x80: {  	_ =	shalt  }
0x81: {  	_ =	shalt  }
0x82: {  	_ =	shalt  }
0x83: {  	_ =	shalt  }
0x84: {  	_ =	shalt  }
0x85: {  	_ =	shalt  }
0x86: {  	_ =	shalt  }
0x87: {  	_ =	shalt  }
.Lfunc_end0:
.L_simem_size_0:
called_computation_lowered:
.L_overlay_start_0:
0x88: {  	s2 =	sld [smem:$0x3FD9]  }
0x89: {  	s3 =	sld [smem:$0x3FFE];
	_ =	sdelay $0x1  }
0x8a: {  	s1 =	srdreg.scid  }
0x8b: {  	s0 =	sand.u32 $0x1, s1  }
0x8c: {  	s17 =	sshll.u32 s0, $0xA;
	s2 =	sadd.s32 s3, s2  }
0x8d: {  	s2 =	sadd.s32 s2, s17  }
0x8e: {  	[smem:$0x3FB3] =	sst s2  }
0x8f: {  	_ = 	snop  }
0x90: {  	(tm) =	ssettm $0x1  }
0x91: {  	s18 =	sld [smem:$0x3FFB];
	_ =	sdelay $0x3  }
0x92: {  	_ =	strace s18  }
0x93: {  	s2 =	sld [smem:$0x3FFC];
	_ =	sdelay $0x3  }
0x94: {  	_ =	strace s2  }
0x95: {  	s2 =	sld [smem:$0x3FFD];
	_ =	sdelay $0x3  }
0x96: {  	_ =	strace s2  }
0x97: {  	_ =	strace $0x8FFFFFFF  }
0x98: {  	s19 =	sld [smem:$0x3FDB];
	_ =	sdelay $0x1  }
0x99: {  	s20 =	simm.s32 $_scs_section_size  }
0x9a: {  	s4 =	simm.s32 $_size__tile_overlayer_lowered;
	s5 =	simm.s32 $_tile_overlayer_lowered  }
0x9b: {  	s6 =	simm.s32 $0x1BFF;
	s21 =	sshll.u32 s5, $0x1;
	s3 =	sadd.s32 s20, s19  }
0x9c: {  	s22 =	simm.s32 $0x0;
	s4 =	sshll.u32 s4, $0x1;
	s5 =	sadd.s32 s21, s3  }
0x9d: {  	[timem:s22], [sflag:s6] =	dma.local [hbm:s5], s4  }
0x9e: {  	_ =	swait.ge [sflag:s6], s4  }
0x9f: {  	s4 =	ssub.s32 $0x0, s4;
	[sflag:s6] =	ssyncset.done $0x0  }
0xa0: {  	[sflag:s6] =	ssyncadd.s32 s4;
	_ =	sdelay $0x1  }
0xa1: {  	s23 =	simm.s32 $0x1B8B  }
0xa2: {  	_ =	swait.ge [sflag:s23], $0x1  }
0xa3: {  	[sflag:s23] =	ssyncset.done $0x0  }
0xa4: {  	[sflag:s23] =	ssyncadd.s32 $0xFFFFFFFF  }
0xa5: {  	s4 =	sld [smem:$0x0]  }
0xa6: {  	s5 =	sand.u32 $0xFFFFFFFE, s1  }
0xa7: {  	p0 =	sne.s32 s1, s5  }
0xa8: {  	s5 =	sshll.u32 @p0 s5, $0xE  }
0xa9: {  	s5 =	sadd.s32 @p0 $0x11B8D, s5;
	s6 =	sshll.u32 @p0 s4, $0x11  }
0xaa: {  	s5 =	sor.u32 @p0 s6, s5  }
0xab: {  	[sflag:s5] =	ssyncadd.remote.s32 @p0 $0x1;
	_ =	sdelay $0x1  }
0xac: {  	s5 =	simm.s32 @p0 $0x1B8D  }
0xad: {  	_ =	swait.eq @p0 [sflag:s5], $0x1  }
0xae: {  	[sflag:s5] =	ssyncadd.s32 @p0 $0xFFFFFFFF  }
0xaf: {  	s6 =	sshll.u32 @!p0 s1, $0xE  }
0xb0: {  	s6 =	sor.u32 @!p0 $0x4000, s6;
	s5 =	simm.s32 @!p0 $0x1B8D  }
0xb1: {  	s4 =	sshll.u32 @!p0 s4, $0x11;
	s6 =	sadd.s32 @!p0 $0x11B8D, s6;
	_ =	swait.eq @!p0 [sflag:s5], $0x1  }
0xb2: {  	s4 =	sor.u32 @!p0 s4, s6;
	[sflag:s5] =	ssyncadd.s32 @!p0 $0xFFFFFFFF  }
0xb3: {  	s25 =	simm.s32 $0x1B8E;
	s24 =	sld [smem:$0x3FFE];
	[sflag:s4] =	ssyncadd.remote.s32 @!p0 $0x1  }
0xb4: {  	s26 =	simm.s32 $execute0_lowered;
	[smem:$0x3FD2] =	sst s25  }
0xb5: {  	s5 =	sshll.u32 s26, $0x1;
	_ =	strace $0x80000049;
	[dreg:$0x1] =	wrdreg $0xFFFFFFFF  }
0xb6: {  	s28 =	simm.s32 $_size_execute0_lowered;
	s3 =	sadd.s32 s3, s5;
	[dreg:$0x0] =	wrdreg $0x0  }
0xb7: {  	s5 =	sshll.u32 s28, $0x1;
	[dreg:$0x2] =	wrdreg s3  }
0xb8: {  	[dreg:$0x3] =	wrdreg s5  }
0xb9: {  	[dreg:$0x4] =	wrdreg $0xC0  }
0xba: {  	_ =	task [dreg:s22], $0x5FFFF  }
0xbb: {  	[dreg:$0x1] =	wrdreg $0xFFFFFFFF  }
0xbc: {  	[dreg:$0x0] =	wrdreg $0x60  }
0xbd: {  	[dreg:$0x2] =	wrdreg s24  }
0xbe: {  	[dreg:$0x3] =	wrdreg $0x68000  }
0xbf: {  	[dreg:$0x4] =	wrdreg $0x9  }
0xc0: {  	_ =	task.clear_ibuf [dreg:s22], $0x5FFFF;
	_ =	strace $0x90000049  }
0xc1: {  	s29 =	simm.s32 $0x9;
	_ =	strace $0x8000004B  }
0xc2: {  	_ =	swait.ge [sflag:s29], $0x1  }
0xc3: {  	[sflag:s29] =	ssyncadd.s32 $0xFFFFFFFF  }
0xc4: {  	_ =	strace $0x9000004B  }
0xc5: {  	_ =	sfence  }
0xc6: {  	s30 =	sld [smem:$0x0];
	_ =	sdelay $0x2  }
0xc7: {  	s31 =	sshll.u32 s1, $0xD;
	s1 =	sshrl.u32 s1, $0x2  }
0xc8: {  	s4 =	sand.u32 $0x4000, s31;
	s1 =	sadd.s32 s1, s30  }
0xc9: {  	s0 =	sor.u32 s4, s0;
	s1 =	sshll.u32 s1, $0x11  }
0xca: {  	s0 =	sor.u32 s1, s0  }
0xcb: {  	s0 =	sadd.s32 $0x8F2B, s0  }
0xcc: {  	[sflag:s0] =	ssyncadd.remote.s32 $0x1  }
0xcd: {  	_ =	sfence.sel $0xFFFF  }
0xce: {  	[dreg:$0x0] =	wrdreg $0xFFFFFFFF;
	(pc) =	sbr.abs _section_cstart, $3  }
0xcf: {  	[dreg:$0x1] =	wrdreg $0xFFFFFFFF  }
0xd0: {  	_ =	task.clear_ibuf [dreg:s22], $0x2FFFF;
	_ =	strace $0x9FFFFFFF  }
0xd1: {  	(tm) =	ssettm $0x7FFFFFFF  }
tec
execute0_lowered:
.L_overlay_start_1:
0x0: {  	(tag) =	ssettag $0x1  }
0x1: {  	s0 =	srdreg.scid;
	s5 =	rddreg [dreg:$0x0]  }
0x2: {  	s2 =	rddreg [dreg:$0x1];
	s4 =	sand.u32 $0x1, s0  }
0x3: {  	s0 =	stileid.u32;
	s6 =	smul.u32 $0x28000, s4  }
0x4: {  	s1 =	rddreg [dreg:$0x2];
	s3 =	simm.s32 $0x0;
	s7 =	smul.u32 $0x2800, s0  }
0x5: {  	s14 =	simm.s32 $0x0;
	[smem:$0x7FF] =	sst s3;
	s8 =	smul.u32 $0x13C00, s0  }
0x6: {  	s9 =	smul.u32 $0x13C000, s4;
	_ =	strace $0x8000004A;
	s28 =	ssub.s32 $0x2, s4  }
0x7: {  	s29 =	smul.u32 $0x4F000, s0;
	s4 =	sadd.s32 $0xAC600, s5;
	s31 =	sshll.u32 s0, $0x6  }
0x8: {  	s11 =	sshrl.u32 s28, $0x1;
	s6 =	sadd.s32 s7, s6;
	s24 =	sshrl.u32 s8, $0x3  }
0x9: {  	s26 =	sadd.s32 s8, s9;
	s11 =	ssub.s32 s28, s11;
	s30 =	sshrl.u32 s29, $0x2  }
0xa: {  	s6 =	sshrl.u32 s6, $0x3;
	s25 =	sadd.s32 s24, s5;
	s7 =	sshrl.u32 s26, $0x3  }
0xb: {  	s13 =	sadd.s32 s30, s2;
	s9 =	smax.u32 s11, $0x1;
	s11 =	simm.s32 $0x1  }
0xc: {  	s10 =	sadd.s32 s6, s5;
	s12 =	sadd.s32 s7, s5;
	s5 =	sadd.s32 $0x35E00, s25  }
0xd: {  	s6 =	sor.u32 $0x1C01, s31;
	s7 =	sadd.s32 $0x4600, s10;
	s8 =	sadd.s32 $0xACE00, s12  }
0xe: {  	s10 =	sshrl.u32 s13, $0x3;
	s12 =	simm.s32 $0x2800;
	s13 =	simm.s32 $0x80  }
.LBB2_1:
0xf: {  	[spmem:s10], [sflag:s6] =	dma.local [hbm:s5], $0x2780  }
0x10: {  	_ =	swait.ge [sflag:s11], $0x2780  }
0x11: {  	[sflag:s11] =	ssyncset.done $0x0  }
0x12: {  	[sflag:s11] =	ssyncadd.s32 $0xFFFFD880  }
0x13: {  	[tilespmem:s12], [sflag:$0x1] =	stream.linear.gather [hbm4b:s4+s3], $0x4000, $0x38;
	[tilespmem:$0x1A400] =	vst v63  }
0x14: {  	_ =	swait.ge [sflag:s11], $0x4000  }
0x15: {  	[sflag:s11] =	ssyncset.done $0x0  }
0x16: {  	[sflag:s11] =	ssyncadd.s32 $0xFFFFC000  }
0x17: {  	[tilespmem:s3], [sflag:$0x1] =	stream.linear.gather [hbm4b:s7+s3], $0x2800, $0x38;
	[tilespmem:$0x1A400] =	vst v63  }
0x18: {  	_ =	swait.ge [sflag:s11], $0x2800  }
0x19: {  	[sflag:s11] =	ssyncset.done $0x0  }
0x1a: {  	[sflag:s11] =	ssyncadd.s32 $0xFFFFD800  }
0x1b: {  	s15 =	simm.s32 $0x0;
	[bflag:$0x0] =	sbarrier.arrive $0xFFFF  }
0x1c: {  	[spmem:s2] =	stream.indirect.scatter.add.f32 [tilespmem:s12], [sflag:$0x1], $0x80, s15, s13, $0xb8;
	[tilespmem:$0x1A400] =	vst v63  }
0x1d: {  	_ =	swait.ge [sflag:s11], $0x4000  }
0x1e: {  	s15 =	simm.s32 $0x200;
	[sflag:s11] =	ssyncset.done $0x0  }
.LBB2_2:
0x1f: {  	s16 =	sshra.s32 s15, $0x2;
	[sflag:s11] =	ssyncadd.s32 $0xFFFFC000;
	p0 =	sne.s32 s15, $0x9E00  }
0x20: {  	[spmem:s2] =	stream.indirect.scatter.add.f32 [tilespmem:s12], [sflag:$0x1], $0x80, s16, s13, $0xb8;
	[tilespmem:$0x1A400] =	vst v63  }
.Ltmp0:
0x21: {  	_ = 	snop;
	(pc) =	sbr.rel @p0 .LBB2_2-.Ltmp0, $4  }
0x22: {  	_ = 	snop  }
0x23: {  	s15 =	sadd.s32 $0x200, s15  }
0x24: {  	_ =	swait.ge [sflag:s11], $0x4000  }
0x25: {  	[sflag:s11] =	ssyncset.done $0x0  }
0x26: {  	s14 =	sadd.s32 $0x1, s14  }
0x27: {  	[sflag:s11] =	ssyncadd.s32 $0xFFFFC000;
	p0 =	sne.s32 s14, s9  }
.Ltmp1:
0x28: {  	[bflag:$0x0] =	sbarrier.arrive $0xFFFF;
	(pc) =	sbr.rel @p0 .LBB2_1-.Ltmp1, $4  }
0x29: {  	[hbm:s8], [sflag:s6] =	dma.local [spmem:s10], $0x2780  }
0x2a: {  	_ =	swait.ge [sflag:s11], $0x2780  }
0x2b: {  	[sflag:s11] =	ssyncset.done $0x0  }
0x2c: {  	[sflag:s11] =	ssyncadd.s32 $0xFFFFD880  }
0x2d: {  	_ =	sfence.sel $0x180000  }
0x2e: {  	[bflag:$0x0] =	sbarrier.arrive $0xFFFF  }
0x2f: {  	p0 =	sne.s32 s0, $0x0;
	_ =	strace $0x9000004A  }
0x30: {  	s0 =	sadd.s32 @!p0 $0x100000, s1;
	[bflag:$0x2] =	sbarrier.arrive $0xFFFF  }
0x31: {  	[sflag:s0] =	ssyncadd.tile.s32 @!p0 $0x1;
	_ =	shalt  }
.Lfunc_end2:
_tile_overlayer_lowered:
.L_overlay_start_2:
0x32: {  	(tag) =	ssettag $0x2  }
0x33: {  	s0 =	rddreg [dreg:$0x0];
	s2 =	stileid.u32  }
0x34: {  	s1 =	rddreg [dreg:$0x1];
	p0 =	sne.s32 s2, $0x0  }
0x35: {  	s3 =	rddreg [dreg:$0x2];
	[bflag:$0x3] =	sbarrier.arrive $0xFFFF;
	s2 =	simm.s32 @!p0 $0x1C01  }
0x36: {  	[timem:s3], [sflag:s2] =	dma.local @!p0 [hbm:s0], s1  }
0x37: {  	s0 =	simm.s32 @!p0 $0x1  }
0x38: {  	_ =	swait.ge @!p0 [sflag:s0], s1  }
0x39: {  	s1 =	ssub.s32 @!p0 $0x0, s1;
	[sflag:s0] =	ssyncset.done @!p0 $0x0  }
0x3a: {  	[sflag:s0] =	ssyncadd.s32 @!p0 s1  }
0x3b: {  	[bflag:$0x3] =	sbarrier.arrive $0xFFFF  }
0x3c: {  	_ =	shalt  }

</sc_bundles>
